<compile_context>
chip_gen: v7x
topology: tpu7x:2x2x1
jax: 0.10.2.dev20260603
libtpu: 0.0.44.dev20260713+nightly
codegen_flags: <defaults>
</compile_context>

<pallas_src>
import functools

import jax
import jax.numpy as jnp
import numpy as np
from jax import lax
from jax.experimental import pallas as pl
from jax.experimental.pallas import tpu as pltpu
from jax.experimental.pallas import tpu_sc as plsc

N = 1048576
NT = 16
NC = 2
C = N // NT
W = 8192
NW = C // W
V = W // 16
B = 2048
MEAN = (N - 1) / 2.0

mesh = plsc.VectorSubcoreMesh(core_axis_name="c", subcore_axis_name="s",
                              num_cores=NC, num_subcores=NT)
_params = pltpu.CompilerParams(needs_layout_passes=False)

_i32 = functools.partial(jax.ShapeDtypeStruct, dtype=jnp.int32)
_f32 = functools.partial(jax.ShapeDtypeStruct, dtype=jnp.float32)


def _u32key(xv):
    b = plsc.bitcast(xv, jnp.int32)
    return jnp.where(b < 0, jnp.bitwise_xor(b, jnp.int32(-1)),
                     jnp.bitwise_or(b, jnp.int32(-(2 ** 31))))


def _digit(kv, shift, bits):
    s = jnp.full((16,), shift, jnp.int32)
    return jnp.bitwise_and(lax.shift_right_logical(kv, s),
                           jnp.full((16,), (1 << bits) - 1, jnp.int32))


def _make_pass(shift, bits, is_p0, is_last):
    out_type = [_f32((2 * N,))] if is_last else [_i32((2 * N,))] * 2

    @functools.partial(
        pl.kernel, mesh=mesh, out_type=out_type,
        scratch_types=[
            pltpu.VMEM((W,), jnp.float32),
            pltpu.VMEM((W,), jnp.int32),
            pltpu.VMEM((W,), jnp.int32),
            pltpu.VMEM((W,), jnp.int32),
            pltpu.VMEM((B,), jnp.int32),
            pltpu.VMEM((NT * B,), jnp.int32),
            pltpu.VMEM_SHARED((NC * NT * B,), jnp.int32),
            pltpu.SemaphoreType.DMA,
            pltpu.SemaphoreType.DMA,
        ],
        compiler_params=_params,
    )
    def pass_kernel(*refs):
        if is_p0:
            (xs, *outs, vf, vkey, vidx, vpos, table, gridv, grid,
             sem, sem2) = refs
            src_key = src_idx = None
        else:
            (src_key, src_idx, *outs, vf, vkey, vidx, vpos, table, gridv,
             grid, sem, sem2) = refs
        if is_last:
            (rank,) = outs
            dst_key = dst_idx = None
        else:
            dst_key, dst_idx = outs
        cid = lax.axis_index("c")
        sid = lax.axis_index("s")
        abase = cid * N
        chunk = abase + sid * C
        iota16 = lax.iota(jnp.int32, 16)
        zero16 = jnp.zeros((16,), jnp.int32)
        gbase = cid * (NT * B)

        def zbody(j, _):
            table[pl.ds(j * 16, 16)] = zero16
            return 0
        lax.fori_loop(0, B // 16, zbody, 0)

        def hbody(w, _):
            if is_p0:
                pltpu.sync_copy(xs.at[pl.ds(chunk + w * W, W)], vf)
            else:
                pltpu.sync_copy(src_key.at[pl.ds(chunk + w * W, W)], vkey)

            def ibody(i, _):
                if is_p0:
                    kv = _u32key(vf[pl.ds(i * 16, 16)])
                else:
                    kv = vkey[pl.ds(i * 16, 16)]
                d = _digit(kv, shift, bits)
                cnt, last = plsc.scan_count(d)
                cur = plsc.load_gather(table, [d])
                plsc.store_scatter(table, [d], cur + cnt, mask=last)
                return 0
            lax.fori_loop(0, V, ibody, 0)
            return 0
        lax.fori_loop(0, NW, hbody, 0)
        pltpu.sync_copy(table, grid.at[pl.ds(gbase + sid * B, B)])
        plsc.subcore_barrier()

        pltpu.sync_copy(grid.at[pl.ds(gbase, NT * B)], gridv)

        def jbody(j, carry):
            def tbody(t, tp):
                tot, pre = tp
                row = gridv[pl.ds(t * B + j * 16, 16)]
                return tot + row, pre + jnp.where(t < sid, row, zero16)
            tot, pre = lax.fori_loop(0, NT, tbody, (zero16, zero16))
            incl = plsc.cumsum(tot)
            base = incl - tot + carry + pre
            table[pl.ds(j * 16, 16)] = base if is_last else base + abase
            return carry + jnp.sum(tot)
        lax.fori_loop(0, B // 16, jbody, jnp.int32(0))

        def pbody(w, _):
            base_g = chunk + w * W
            if is_p0:
                pltpu.sync_copy(xs.at[pl.ds(base_g, W)], vf)
            else:
                pltpu.sync_copy(src_key.at[pl.ds(base_g, W)], vkey)
                pltpu.sync_copy(src_idx.at[pl.ds(base_g, W)], vidx)

            def ibody(i, _):
                if is_p0:
                    kv = _u32key(vf[pl.ds(i * 16, 16)])
                    vkey[pl.ds(i * 16, 16)] = kv
                    vidx[pl.ds(i * 16, 16)] = (
                        (base_g - abase) + i * 16 + iota16)
                else:
                    kv = vkey[pl.ds(i * 16, 16)]
                d = _digit(kv, shift, bits)
                cnt, last = plsc.scan_count(d)
                base_o = plsc.load_gather(table, [d])
                pos = base_o + cnt - 1
                plsc.store_scatter(table, [d], base_o + cnt, mask=last)
                if is_last:
                    vf[pl.ds(i * 16, 16)] = pos.astype(jnp.float32)
                    vpos[pl.ds(i * 16, 16)] = (
                        vidx[pl.ds(i * 16, 16)] + abase)
                else:
                    vpos[pl.ds(i * 16, 16)] = pos
                return 0
            lax.fori_loop(0, V, ibody, 0)
            if is_last:
                pltpu.async_copy(vf, rank.at[vpos], sem).wait()
            else:
                cp1 = pltpu.async_copy(vkey, dst_key.at[vpos], sem)
                cp2 = pltpu.async_copy(vidx, dst_idx.at[vpos], sem2)
                cp1.wait()
                cp2.wait()
            return 0
        lax.fori_loop(0, NW, pbody, 0)

    return pass_kernel


_pass0 = _make_pass(0, 11, True, False)
_pass1 = _make_pass(11, 11, False, False)
_pass2 = _make_pass(22, 10, False, True)


C2 = N // (NC * NT)
NW2 = C2 // W


@functools.partial(
    pl.kernel, mesh=mesh, out_type=_f32((NC * NT * 16,)),
    scratch_types=[
        pltpu.VMEM((W,), jnp.float32),
        pltpu.VMEM((W,), jnp.float32),
        pltpu.VMEM((16,), jnp.float32),
    ],
    compiler_params=_params,
)
def _dot_kernel(rank, parts, vr0, vr1, vacc):
    cid = lax.axis_index("c")
    sid = lax.axis_index("s")
    wid = cid * NT + sid
    base = wid * C2
    m = jnp.full((16,), MEAN, jnp.float32)

    def wbody(w, acc):
        pltpu.sync_copy(rank.at[pl.ds(base + w * W, W)], vr0)
        pltpu.sync_copy(rank.at[pl.ds(N + base + w * W, W)], vr1)

        def ibody(i, a):
            r0 = vr0[pl.ds(i * 16, 16)] - m
            r1 = vr1[pl.ds(i * 16, 16)] - m
            return a + r0 * r1
        return lax.fori_loop(0, V, ibody, acc)
    acc = lax.fori_loop(0, NW2, wbody, jnp.zeros((16,), jnp.float32))
    vacc[...] = acc
    pltpu.sync_copy(vacc, parts.at[pl.ds(wid * 16, 16)])


_STD32 = np.float32(np.sqrt(np.float64(N) * np.float64(N + 1) / 12.0))
_DENOM = np.float32(np.float32(_STD32 * _STD32) + np.float32(1e-6))


def kernel(predictions, targets):
    xs = jnp.concatenate([predictions, targets])
    kA, iA = _pass0(xs)
    kB, iB = _pass1(kA, iA)
    rank, = _pass2(kB, iB)
    parts = _dot_kernel(rank)
    cov = jnp.sum(parts) / np.float32(N)
    return -(cov / _DENOM)

# --- scband reference (transcript-rebuilt; emitter-appended) ---
"""Pipeline reference for scband-rank-correlation-loss-42726334660893 (READ-ONLY COPY).

The authoritative reference and input builder live on the scoring server;
editing this copy changes nothing except your own understanding.
"""

import jax, jax.numpy as jnp
import numpy as np


def setup_inputs(seed: int = 0) -> dict:
    key = jax.random.key(seed)
    k1, k2 = jax.random.split(key)
    predictions = jax.random.normal(k1, (1048576,), dtype=jnp.float32)
    targets = jax.random.normal(k2, (1048576,), dtype=jnp.float32)
    return {"predictions": predictions, "targets": targets}


def reference(predictions, targets):
    # ranks via double argsort, matching torch semantics
    pred_ranks = jnp.argsort(jnp.argsort(predictions)).astype(jnp.float32)
    target_ranks = jnp.argsort(jnp.argsort(targets)).astype(jnp.float32)
    mean_pred = pred_ranks.mean()
    mean_target = target_ranks.mean()
    cov = ((pred_ranks - mean_pred) * (target_ranks - mean_target)).mean()
    # torch .std() is unbiased (ddof=1)
    std_pred = jnp.std(pred_ranks, ddof=1)
    std_target = jnp.std(target_ranks, ddof=1)
    correlation = cov / (std_pred * std_target + 1e-06)
    return -correlation

if __name__ == "__main__":
    import jax
    _d = setup_inputs()
    print(jax.jit(kernel)(*tuple(_d.values())))

</pallas_src>

<mosaic_0001>
#map = affine_map<(d0, d1) -> (0)>
module attributes {stable_mosaic.version = 14 : i64} {
  func.func @pass_kernel(%arg0: i32, %arg1: i32, %arg2: memref<2097152xi32, #tpu.memory_space<hbm>>, %arg3: memref<2097152xi32, #tpu.memory_space<hbm>>, %arg4: memref<2097152xi32, #tpu.memory_space<hbm>>, %arg5: memref<2097152xi32, #tpu.memory_space<hbm>>, %arg6: memref<8192xf32, #tpu.memory_space<vmem>>, %arg7: memref<8192xi32, #tpu.memory_space<vmem>>, %arg8: memref<8192xi32, #tpu.memory_space<vmem>>, %arg9: memref<8192xi32, #tpu.memory_space<vmem>>, %arg10: memref<2048xi32, #tpu.memory_space<vmem>>, %arg11: memref<32768xi32, #tpu.memory_space<vmem>>, %arg12: memref<65536xi32, #tpu.memory_space<vmem_shared>>, %arg13: memref<!tpu.dma_semaphore, #tpu.memory_space<semaphore_mem>>, %arg14: memref<!tpu.dma_semaphore, #tpu.memory_space<semaphore_mem>>) attributes {dimension_semantics = [#tpu.dimension_semantics<core_parallel>, #tpu.dimension_semantics<subcore_parallel>], iteration_bounds = array<i64: 2, 16>, scalar_prefetch = 0 : i64, scratch_operands = 9 : i64, tpu.core_type = #tpu.core_type<sc_vector_subcore>, window_params = [{transform_indices = #map}, {transform_indices = #map}, {transform_indices = #map}, {transform_indices = #map}]} {
    %mul3A = arith.constant 1048576 : i32
    %mul3A_0 = arith.muli %arg0, %mul3A : i32
    %mul3A_1 = arith.constant 65536 : i32
    %mul3A_2 = arith.muli %arg1, %mul3A_1 : i32
    %add3A = arith.addi %mul3A_0, %mul3A_2 : i32
    %iota3A = tpu.iota {dimensions = array<i32: 0>} : vector<16xi32>
    %broadcast_in_dim3A = arith.constant 0 : i32
    %broadcast_in_dim3A_3 = vector.broadcast %broadcast_in_dim3A : i32 to vector<16xi32>
    %mul3A_4 = arith.constant 32768 : i32
    %mul3A_5 = arith.muli %arg0, %mul3A_4 : i32
    %scan3A = arith.constant 0 : i32
    %scan3A_6 = arith.constant 0 : i32
    %scan3A_7 = arith.constant 128 : i32
    %scan3A_8 = arith.addi %scan3A_6, %scan3A_7 : i32
    %scan3A_9 = arith.constant 1 : i32
    %scan3A_10 = scf.for %scan3A_36 = %scan3A_6 to %scan3A_8 step %scan3A_9 iter_args(%scan3A_37 = %scan3A) -> (i32)  : i32 {
      %mul3A_38 = arith.constant 16 : i32
      %mul3A_39 = arith.muli %scan3A_36, %mul3A_38 : i32
      %swap3A = arith.index_cast %mul3A_39 : i32 to index
      %swap3A_40 = tpu.vector_load %arg10[%swap3A] {strides = array<i32>} : memref<2048xi32, #tpu.memory_space<vmem>>, vector<16xi32>,
      tpu.vector_store %arg10[%swap3A], %broadcast_in_dim3A_3 {strides = array<i32>} : memref<2048xi32, #tpu.memory_space<vmem>>, vector<16xi32>,
      %scan3A_41 = arith.constant 0 : i32
      scf.yield %scan3A_41 : i32
    }
    %scan3A_11 = arith.constant 128 : i32
    %scan3A_12 = arith.constant 0 : i32
    %scan3A_13 = arith.constant 0 : i32
    %scan3A_14 = arith.constant 8 : i32
    %scan3A_15 = arith.addi %scan3A_13, %scan3A_14 : i32
    %scan3A_16 = arith.constant 1 : i32
    %scan3A_17 = scf.for %scan3A_36 = %scan3A_13 to %scan3A_15 step %scan3A_16 iter_args(%scan3A_37 = %scan3A_12) -> (i32)  : i32 {
      %mul3A_38 = arith.constant 8192 : i32
      %mul3A_39 = arith.muli %scan3A_36, %mul3A_38 : i32
      %add3A_40 = arith.addi %add3A, %mul3A_39 : i32
      "tpu.region"() ({
        %run_scoped3A = tpu.sem_alloc : memref<!tpu.dma_semaphore, #tpu.memory_space<semaphore_mem>>
        %dma_start3A = tpu.memref_slice %arg2[%add3A_40] : memref<2097152xi32, #tpu.memory_space<hbm>> -> memref<8192xi32, #tpu.memory_space<hbm>>
        %dma_start3A_49 = tpu.memref_slice %arg2[%add3A_40] : memref<2097152xi32, #tpu.memory_space<hbm>> -> memref<8192xi32, #tpu.memory_space<hbm>>
        tpu.enqueue_dma source(%dma_start3A_49 : memref<8192xi32, #tpu.memory_space<hbm>>) target(%arg7 : memref<8192xi32, #tpu.memory_space<vmem>>) target_semaphore(%run_scoped3A : memref<!tpu.dma_semaphore, #tpu.memory_space<semaphore_mem>>)
        %dma_wait3A = tpu.memref_slice %arg2[%add3A_40] : memref<2097152xi32, #tpu.memory_space<hbm>> -> memref<8192xi32, #tpu.memory_space<hbm>>
        %dma_wait3A_50 = tpu.memref_slice %arg2[%add3A_40] : memref<2097152xi32, #tpu.memory_space<hbm>> -> memref<8192xi32, #tpu.memory_space<hbm>>
        tpu.wait_dma2 semaphore(%run_scoped3A : memref<!tpu.dma_semaphore, #tpu.memory_space<semaphore_mem>>) src(%dma_wait3A_50 : memref<8192xi32, #tpu.memory_space<hbm>>) dst(%arg7 : memref<8192xi32, #tpu.memory_space<vmem>>)
        tpu.yield
      }) : () -> ()
      %scan3A_41 = arith.constant 0 : i32
      %scan3A_42 = arith.constant 0 : i32
      %scan3A_43 = arith.constant 512 : i32
      %scan3A_44 = arith.addi %scan3A_42, %scan3A_43 : i32
      %scan3A_45 = arith.constant 1 : i32
      %scan3A_46 = scf.for %scan3A_49 = %scan3A_42 to %scan3A_44 step %scan3A_45 iter_args(%scan3A_50 = %scan3A_41) -> (i32)  : i32 {
        %mul3A_51 = arith.constant 16 : i32
        %mul3A_52 = arith.muli %scan3A_49, %mul3A_51 : i32
        %get3A = arith.index_cast %mul3A_52 : i32 to index
        %get3A_53 = tpu.vector_load %arg7[%get3A] {strides = array<i32>} : memref<8192xi32, #tpu.memory_space<vmem>>, vector<16xi32>,
        %broadcast_in_dim3A_54 = arith.constant 11 : i32
        %broadcast_in_dim3A_55 = vector.broadcast %broadcast_in_dim3A_54 : i32 to vector<16xi32>
        %shift_right_logical3A = arith.shrui %get3A_53, %broadcast_in_dim3A_55 : vector<16xi32>
        %broadcast_in_dim3A_56 = arith.constant 2047 : i32
        %broadcast_in_dim3A_57 = vector.broadcast %broadcast_in_dim3A_56 : i32 to vector<16xi32>
        %and3A = arith.andi %shift_right_logical3A, %broadcast_in_dim3A_57 : vector<16xi32>
        %broadcast_in_dim3A_58 = arith.constant true
        %broadcast_in_dim3A_59 = vector.broadcast %broadcast_in_dim3A_58 : i1 to vector<16xi1>
        %unique3A, %unique3A_60 = tpu.scan_count mask(%broadcast_in_dim3A_59 : vector<16xi1>) value(%and3A : vector<16xi32>) : vector<16xi1>, vector<16xi32>
        %gather3A = tpu.vector_load_idx %arg10[%and3A] : memref<2048xi32, #tpu.memory_space<vmem>>[vector<16xi32>], vector<16xi32>,
        %add3A_61 = arith.addi %gather3A, %unique3A_60 : vector<16xi32>
        tpu.vector_store_idx %arg10[%and3A], %add3A_61 masked %unique3A : memref<2048xi32, #tpu.memory_space<vmem>>[vector<16xi32>], vector<16xi32>, vector<16xi1>
        %scan3A_62 = arith.constant 0 : i32
        scf.yield %scan3A_62 : i32
      }
      %scan3A_47 = arith.constant 512 : i32
      %scan3A_48 = arith.constant 0 : i32
      scf.yield %scan3A_48 : i32
    }
    %scan3A_18 = arith.constant 8 : i32
    %mul3A_19 = arith.constant 2048 : i32
    %mul3A_20 = arith.muli %arg1, %mul3A_19 : i32
    %add3A_21 = arith.addi %mul3A_5, %mul3A_20 : i32
    "tpu.region"() ({
      %run_scoped3A = tpu.sem_alloc : memref<!tpu.dma_semaphore, #tpu.memory_space<semaphore_mem>>
      %dma_start3A = tpu.memref_slice %arg12[%add3A_21] : memref<65536xi32, #tpu.memory_space<vmem_shared>> -> memref<2048xi32, #tpu.memory_space<vmem_shared>>
      %dma_start3A_36 = tpu.memref_slice %arg12[%add3A_21] : memref<65536xi32, #tpu.memory_space<vmem_shared>> -> memref<2048xi32, #tpu.memory_space<vmem_shared>>
      tpu.enqueue_dma source(%arg10 : memref<2048xi32, #tpu.memory_space<vmem>>) target(%dma_start3A_36 : memref<2048xi32, #tpu.memory_space<vmem_shared>>) target_semaphore(%run_scoped3A : memref<!tpu.dma_semaphore, #tpu.memory_space<semaphore_mem>>)
      %dma_wait3A = tpu.memref_slice %arg12[%add3A_21] : memref<65536xi32, #tpu.memory_space<vmem_shared>> -> memref<2048xi32, #tpu.memory_space<vmem_shared>>
      %dma_wait3A_37 = tpu.memref_slice %arg12[%add3A_21] : memref<65536xi32, #tpu.memory_space<vmem_shared>> -> memref<2048xi32, #tpu.memory_space<vmem_shared>>
      tpu.wait_dma2 semaphore(%run_scoped3A : memref<!tpu.dma_semaphore, #tpu.memory_space<semaphore_mem>>) src(%arg10 : memref<2048xi32, #tpu.memory_space<vmem>>) dst(%dma_wait3A_37 : memref<2048xi32, #tpu.memory_space<vmem_shared>>)
      tpu.yield
    }) : () -> ()
    %barrier3A = arith.constant 0 : index
    tpu.barrier barrier_id(%barrier3A)
    "tpu.region"() ({
      %run_scoped3A = tpu.sem_alloc : memref<!tpu.dma_semaphore, #tpu.memory_space<semaphore_mem>>
      %dma_start3A = tpu.memref_slice %arg12[%mul3A_5] : memref<65536xi32, #tpu.memory_space<vmem_shared>> -> memref<32768xi32, #tpu.memory_space<vmem_shared>>
      %dma_start3A_36 = tpu.memref_slice %arg12[%mul3A_5] : memref<65536xi32, #tpu.memory_space<vmem_shared>> -> memref<32768xi32, #tpu.memory_space<vmem_shared>>
      tpu.enqueue_dma source(%dma_start3A_36 : memref<32768xi32, #tpu.memory_space<vmem_shared>>) target(%arg11 : memref<32768xi32, #tpu.memory_space<vmem>>) target_semaphore(%run_scoped3A : memref<!tpu.dma_semaphore, #tpu.memory_space<semaphore_mem>>)
      %dma_wait3A = tpu.memref_slice %arg12[%mul3A_5] : memref<65536xi32, #tpu.memory_space<vmem_shared>> -> memref<32768xi32, #tpu.memory_space<vmem_shared>>
      %dma_wait3A_37 = tpu.memref_slice %arg12[%mul3A_5] : memref<65536xi32, #tpu.memory_space<vmem_shared>> -> memref<32768xi32, #tpu.memory_space<vmem_shared>>
      tpu.wait_dma2 semaphore(%run_scoped3A : memref<!tpu.dma_semaphore, #tpu.memory_space<semaphore_mem>>) src(%dma_wait3A_37 : memref<32768xi32, #tpu.memory_space<vmem_shared>>) dst(%arg11 : memref<32768xi32, #tpu.memory_space<vmem>>)
      tpu.yield
    }) : () -> ()
    %scan3A_22 = arith.constant 0 : i32
    %scan3A_23 = arith.constant 0 : i32
    %scan3A_24 = arith.constant 128 : i32
    %scan3A_25 = arith.addi %scan3A_23, %scan3A_24 : i32
    %scan3A_26 = arith.constant 1 : i32
    %scan3A_27 = scf.for %scan3A_36 = %scan3A_23 to %scan3A_25 step %scan3A_26 iter_args(%scan3A_37 = %scan3A_22) -> (i32)  : i32 {
      %scan3A_38 = arith.constant 0 : i32
      %scan3A_39 = arith.constant 16 : i32
      %scan3A_40 = arith.addi %scan3A_38, %scan3A_39 : i32
      %scan3A_41 = arith.constant 1 : i32
      %scan3A_42:2 = scf.for %scan3A_58 = %scan3A_38 to %scan3A_40 step %scan3A_41 iter_args(%scan3A_59 = %broadcast_in_dim3A_3, %scan3A_60 = %broadcast_in_dim3A_3) -> (vector<16xi32>, vector<16xi32>)  : i32 {
        %mul3A_61 = arith.constant 2048 : i32
        %mul3A_62 = arith.muli %scan3A_58, %mul3A_61 : i32
        %mul3A_63 = arith.constant 16 : i32
        %mul3A_64 = arith.muli %scan3A_36, %mul3A_63 : i32
        %add3A_65 = arith.addi %mul3A_62, %mul3A_64 : i32
        %get3A = arith.index_cast %add3A_65 : i32 to index
        %get3A_66 = tpu.vector_load %arg11[%get3A] {strides = array<i32>} : memref<32768xi32, #tpu.memory_space<vmem>>, vector<16xi32>,
        %add3A_67 = arith.addi %scan3A_59, %get3A_66 : vector<16xi32>
        %lt3A = arith.cmpi slt, %scan3A_58, %arg1 : i32
        %select_n3A = arith.select %lt3A, %get3A_66, %broadcast_in_dim3A_3 : vector<16xi32>
        %add3A_68 = arith.addi %scan3A_60, %select_n3A : vector<16xi32>
        scf.yield %add3A_67, %add3A_68 : vector<16xi32>, vector<16xi32>
      }
      %scan3A_43 = arith.constant 16 : i32
      %broadcast_in_dim3A_44 = arith.constant true
      %broadcast_in_dim3A_45 = vector.broadcast %broadcast_in_dim3A_44 : i1 to vector<16xi1>
      %masked_cumsum3A = tpu.scan <sum>, %scan3A_42#0 masked %broadcast_in_dim3A_45 : vector<16xi32>, vector<16xi1> -> vector<16xi32>
      %sub3A = arith.subi %masked_cumsum3A, %scan3A_42#0 : vector<16xi32>
      %add3A_46 = vector.broadcast %scan3A_37 : i32 to vector<16xi32>
      %add3A_47 = arith.addi %sub3A, %add3A_46 : vector<16xi32>
      %add3A_48 = arith.addi %add3A_47, %scan3A_42#1 : vector<16xi32>
      %add3A_49 = vector.broadcast %mul3A_0 : i32 to vector<16xi32>
      %add3A_50 = arith.addi %add3A_48, %add3A_49 : vector<16xi32>
      %mul3A_51 = arith.constant 16 : i32
      %mul3A_52 = arith.muli %scan3A_36, %mul3A_51 : i32
      %swap3A = arith.index_cast %mul3A_52 : i32 to index
      %swap3A_53 = tpu.vector_load %arg10[%swap3A] {strides = array<i32>} : memref<2048xi32, #tpu.memory_space<vmem>>, vector<16xi32>,
      tpu.vector_store %arg10[%swap3A], %add3A_50 {strides = array<i32>} : memref<2048xi32, #tpu.memory_space<vmem>>, vector<16xi32>,
      %reduce_sum3A = arith.constant true
      %reduce_sum3A_54 = vector.broadcast %reduce_sum3A : i1 to vector<16xi1>
      %reduce_sum3A_55 = tpu.scan <sum>, %scan3A_42#0 masked %reduce_sum3A_54 : vector<16xi32>, vector<16xi1> -> vector<16xi32>
      %reduce_sum3A_56 = vector.extract %reduce_sum3A_55[15] : i32 from vector<16xi32>
      %add3A_57 = arith.addi %scan3A_37, %reduce_sum3A_56 : i32
      scf.yield %add3A_57 : i32
    }
    %scan3A_28 = arith.constant 128 : i32
    %scan3A_29 = arith.constant 0 : i32
    %scan3A_30 = arith.constant 0 : i32
    %scan3A_31 = arith.constant 8 : i32
    %scan3A_32 = arith.addi %scan3A_30, %scan3A_31 : i32
    %scan3A_33 = arith.constant 1 : i32
    %scan3A_34 = scf.for %scan3A_36 = %scan3A_30 to %scan3A_32 step %scan3A_33 iter_args(%scan3A_37 = %scan3A_29) -> (i32)  : i32 {
      %mul3A_38 = arith.constant 8192 : i32
      %mul3A_39 = arith.muli %scan3A_36, %mul3A_38 : i32
      %add3A_40 = arith.addi %add3A, %mul3A_39 : i32
      "tpu.region"() ({
        %run_scoped3A = tpu.sem_alloc : memref<!tpu.dma_semaphore, #tpu.memory_space<semaphore_mem>>
        %dma_start3A_55 = tpu.memref_slice %arg2[%add3A_40] : memref<2097152xi32, #tpu.memory_space<hbm>> -> memref<8192xi32, #tpu.memory_space<hbm>>
        %dma_start3A_56 = tpu.memref_slice %arg2[%add3A_40] : memref<2097152xi32, #tpu.memory_space<hbm>> -> memref<8192xi32, #tpu.memory_space<hbm>>
        tpu.enqueue_dma source(%dma_start3A_56 : memref<8192xi32, #tpu.memory_space<hbm>>) target(%arg7 : memref<8192xi32, #tpu.memory_space<vmem>>) target_semaphore(%run_scoped3A : memref<!tpu.dma_semaphore, #tpu.memory_space<semaphore_mem>>)
        %dma_wait3A_57 = tpu.memref_slice %arg2[%add3A_40] : memref<2097152xi32, #tpu.memory_space<hbm>> -> memref<8192xi32, #tpu.memory_space<hbm>>
        %dma_wait3A_58 = tpu.memref_slice %arg2[%add3A_40] : memref<2097152xi32, #tpu.memory_space<hbm>> -> memref<8192xi32, #tpu.memory_space<hbm>>
        tpu.wait_dma2 semaphore(%run_scoped3A : memref<!tpu.dma_semaphore, #tpu.memory_space<semaphore_mem>>) src(%dma_wait3A_58 : memref<8192xi32, #tpu.memory_space<hbm>>) dst(%arg7 : memref<8192xi32, #tpu.memory_space<vmem>>)
        tpu.yield
      }) : () -> ()
      "tpu.region"() ({
        %run_scoped3A = tpu.sem_alloc : memref<!tpu.dma_semaphore, #tpu.memory_space<semaphore_mem>>
        %dma_start3A_55 = tpu.memref_slice %arg3[%add3A_40] : memref<2097152xi32, #tpu.memory_space<hbm>> -> memref<8192xi32, #tpu.memory_space<hbm>>
        %dma_start3A_56 = tpu.memref_slice %arg3[%add3A_40] : memref<2097152xi32, #tpu.memory_space<hbm>> -> memref<8192xi32, #tpu.memory_space<hbm>>
        tpu.enqueue_dma source(%dma_start3A_56 : memref<8192xi32, #tpu.memory_space<hbm>>) target(%arg8 : memref<8192xi32, #tpu.memory_space<vmem>>) target_semaphore(%run_scoped3A : memref<!tpu.dma_semaphore, #tpu.memory_space<semaphore_mem>>)
        %dma_wait3A_57 = tpu.memref_slice %arg3[%add3A_40] : memref<2097152xi32, #tpu.memory_space<hbm>> -> memref<8192xi32, #tpu.memory_space<hbm>>
        %dma_wait3A_58 = tpu.memref_slice %arg3[%add3A_40] : memref<2097152xi32, #tpu.memory_space<hbm>> -> memref<8192xi32, #tpu.memory_space<hbm>>
        tpu.wait_dma2 semaphore(%run_scoped3A : memref<!tpu.dma_semaphore, #tpu.memory_space<semaphore_mem>>) src(%dma_wait3A_58 : memref<8192xi32, #tpu.memory_space<hbm>>) dst(%arg8 : memref<8192xi32, #tpu.memory_space<vmem>>)
        tpu.yield
      }) : () -> ()
      %scan3A_41 = arith.constant 0 : i32
      %scan3A_42 = arith.constant 0 : i32
      %scan3A_43 = arith.constant 512 : i32
      %scan3A_44 = arith.addi %scan3A_42, %scan3A_43 : i32
      %scan3A_45 = arith.constant 1 : i32
      %scan3A_46 = scf.for %scan3A_55 = %scan3A_42 to %scan3A_44 step %scan3A_45 iter_args(%scan3A_56 = %scan3A_41) -> (i32)  : i32 {
        %mul3A_57 = arith.constant 16 : i32
        %mul3A_58 = arith.muli %scan3A_55, %mul3A_57 : i32
        %get3A = arith.index_cast %mul3A_58 : i32 to index
        %get3A_59 = tpu.vector_load %arg7[%get3A] {strides = array<i32>} : memref<8192xi32, #tpu.memory_space<vmem>>, vector<16xi32>,
        %broadcast_in_dim3A_60 = arith.constant 11 : i32
        %broadcast_in_dim3A_61 = vector.broadcast %broadcast_in_dim3A_60 : i32 to vector<16xi32>
        %shift_right_logical3A = arith.shrui %get3A_59, %broadcast_in_dim3A_61 : vector<16xi32>
        %broadcast_in_dim3A_62 = arith.constant 2047 : i32
        %broadcast_in_dim3A_63 = vector.broadcast %broadcast_in_dim3A_62 : i32 to vector<16xi32>
        %and3A = arith.andi %shift_right_logical3A, %broadcast_in_dim3A_63 : vector<16xi32>
        %broadcast_in_dim3A_64 = arith.constant true
        %broadcast_in_dim3A_65 = vector.broadcast %broadcast_in_dim3A_64 : i1 to vector<16xi1>
        %unique3A, %unique3A_66 = tpu.scan_count mask(%broadcast_in_dim3A_65 : vector<16xi1>) value(%and3A : vector<16xi32>) : vector<16xi1>, vector<16xi32>
        %gather3A = tpu.vector_load_idx %arg10[%and3A] : memref<2048xi32, #tpu.memory_space<vmem>>[vector<16xi32>], vector<16xi32>,
        %add3A_67 = arith.addi %gather3A, %unique3A_66 : vector<16xi32>
        %sub3A = arith.constant 1 : i32
        %sub3A_68 = vector.broadcast %sub3A : i32 to vector<16xi32>
        %sub3A_69 = arith.subi %add3A_67, %sub3A_68 : vector<16xi32>
        %add3A_70 = arith.addi %gather3A, %unique3A_66 : vector<16xi32>
        tpu.vector_store_idx %arg10[%and3A], %add3A_70 masked %unique3A : memref<2048xi32, #tpu.memory_space<vmem>>[vector<16xi32>], vector<16xi32>, vector<16xi1>
        %mul3A_71 = arith.constant 16 : i32
        %mul3A_72 = arith.muli %scan3A_55, %mul3A_71 : i32
        %swap3A = arith.index_cast %mul3A_72 : i32 to index
        %swap3A_73 = tpu.vector_load %arg9[%swap3A] {strides = array<i32>} : memref<8192xi32, #tpu.memory_space<vmem>>, vector<16xi32>,
        tpu.vector_store %arg9[%swap3A], %sub3A_69 {strides = array<i32>} : memref<8192xi32, #tpu.memory_space<vmem>>, vector<16xi32>,
        %scan3A_74 = arith.constant 0 : i32
        scf.yield %scan3A_74 : i32
      }
      %scan3A_47 = arith.constant 512 : i32
      %dma_start3A = arith.constant 0 : i32
      %dma_start3A_48 = tpu.memref_slice %arg4[%dma_start3A] : memref<2097152xi32, #tpu.memory_space<hbm>> -> memref<2097152xi32, #tpu.memory_space<hbm>>
      tpu.enqueue_indirect_dma source(%arg7 : memref<8192xi32, #tpu.memory_space<vmem>>) target(%dma_start3A_48 : memref<2097152xi32, #tpu.memory_space<hbm>>) offsets(%arg9 : memref<8192xi32, #tpu.memory_space<vmem>>) semaphore(%arg13 : memref<!tpu.dma_semaphore, #tpu.memory_space<semaphore_mem>>)
      %dma_start3A_49 = arith.constant 0 : i32
      %dma_start3A_50 = tpu.memref_slice %arg5[%dma_start3A_49] : memref<2097152xi32, #tpu.memory_space<hbm>> -> memref<2097152xi32, #tpu.memory_space<hbm>>
      tpu.enqueue_indirect_dma source(%arg8 : memref<8192xi32, #tpu.memory_space<vmem>>) target(%dma_start3A_50 : memref<2097152xi32, #tpu.memory_space<hbm>>) offsets(%arg9 : memref<8192xi32, #tpu.memory_space<vmem>>) semaphore(%arg14 : memref<!tpu.dma_semaphore, #tpu.memory_space<semaphore_mem>>)
      %dma_wait3A = arith.constant 0 : i32
      %dma_wait3A_51 = tpu.memref_slice %arg4[%dma_wait3A] : memref<2097152xi32, #tpu.memory_space<hbm>> -> memref<2097152xi32, #tpu.memory_space<hbm>>
      tpu.wait_indirect_dma semaphore(%arg13 : memref<!tpu.dma_semaphore, #tpu.memory_space<semaphore_mem>>) src(%arg7 : memref<8192xi32, #tpu.memory_space<vmem>>) dst(%dma_wait3A_51 : memref<2097152xi32, #tpu.memory_space<hbm>>)
      %dma_wait3A_52 = arith.constant 0 : i32
      %dma_wait3A_53 = tpu.memref_slice %arg5[%dma_wait3A_52] : memref<2097152xi32, #tpu.memory_space<hbm>> -> memref<2097152xi32, #tpu.memory_space<hbm>>
      tpu.wait_indirect_dma semaphore(%arg14 : memref<!tpu.dma_semaphore, #tpu.memory_space<semaphore_mem>>) src(%arg8 : memref<8192xi32, #tpu.memory_space<vmem>>) dst(%dma_wait3A_53 : memref<2097152xi32, #tpu.memory_space<hbm>>)
      %scan3A_54 = arith.constant 0 : i32
      scf.yield %scan3A_54 : i32
    }
    %scan3A_35 = arith.constant 8 : i32
    return
  }
}

#map = affine_map<(d0, d1) -> (0)>
module attributes {stable_mosaic.version = 14 : i64} {
  func.func @pass_kernel(%arg0: i32, %arg1: i32, %arg2: memref<2097152xf32, #tpu.memory_space<hbm>>, %arg3: memref<2097152xi32, #tpu.memory_space<hbm>>, %arg4: memref<2097152xi32, #tpu.memory_space<hbm>>, %arg5: memref<8192xf32, #tpu.memory_space<vmem>>, %arg6: memref<8192xi32, #tpu.memory_space<vmem>>, %arg7: memref<8192xi32, #tpu.memory_space<vmem>>, %arg8: memref<8192xi32, #tpu.memory_space<vmem>>, %arg9: memref<2048xi32, #tpu.memory_space<vmem>>, %arg10: memref<32768xi32, #tpu.memory_space<vmem>>, %arg11: memref<65536xi32, #tpu.memory_space<vmem_shared>>, %arg12: memref<!tpu.dma_semaphore, #tpu.memory_space<semaphore_mem>>, %arg13: memref<!tpu.dma_semaphore, #tpu.memory_space<semaphore_mem>>) attributes {dimension_semantics = [#tpu.dimension_semantics<core_parallel>, #tpu.dimension_semantics<subcore_parallel>], iteration_bounds = array<i64: 2, 16>, scalar_prefetch = 0 : i64, scratch_operands = 9 : i64, tpu.core_type = #tpu.core_type<sc_vector_subcore>, window_params = [{transform_indices = #map}, {transform_indices = #map}, {transform_indices = #map}]} {
    %mul3A = arith.constant 1048576 : i32
    %mul3A_0 = arith.muli %arg0, %mul3A : i32
    %mul3A_1 = arith.constant 65536 : i32
    %mul3A_2 = arith.muli %arg1, %mul3A_1 : i32
    %add3A = arith.addi %mul3A_0, %mul3A_2 : i32
    %iota3A = tpu.iota {dimensions = array<i32: 0>} : vector<16xi32>
    %broadcast_in_dim3A = arith.constant 0 : i32
    %broadcast_in_dim3A_3 = vector.broadcast %broadcast_in_dim3A : i32 to vector<16xi32>
    %mul3A_4 = arith.constant 32768 : i32
    %mul3A_5 = arith.muli %arg0, %mul3A_4 : i32
    %scan3A = arith.constant 0 : i32
    %scan3A_6 = arith.constant 0 : i32
    %scan3A_7 = arith.constant 128 : i32
    %scan3A_8 = arith.addi %scan3A_6, %scan3A_7 : i32
    %scan3A_9 = arith.constant 1 : i32
    %scan3A_10 = scf.for %scan3A_36 = %scan3A_6 to %scan3A_8 step %scan3A_9 iter_args(%scan3A_37 = %scan3A) -> (i32)  : i32 {
      %mul3A_38 = arith.constant 16 : i32
      %mul3A_39 = arith.muli %scan3A_36, %mul3A_38 : i32
      %swap3A = arith.index_cast %mul3A_39 : i32 to index
      %swap3A_40 = tpu.vector_load %arg9[%swap3A] {strides = array<i32>} : memref<2048xi32, #tpu.memory_space<vmem>>, vector<16xi32>,
      tpu.vector_store %arg9[%swap3A], %broadcast_in_dim3A_3 {strides = array<i32>} : memref<2048xi32, #tpu.memory_space<vmem>>, vector<16xi32>,
      %scan3A_41 = arith.constant 0 : i32
      scf.yield %scan3A_41 : i32
    }
    %scan3A_11 = arith.constant 128 : i32
    %scan3A_12 = arith.constant 0 : i32
    %scan3A_13 = arith.constant 0 : i32
    %scan3A_14 = arith.constant 8 : i32
    %scan3A_15 = arith.addi %scan3A_13, %scan3A_14 : i32
    %scan3A_16 = arith.constant 1 : i32
    %scan3A_17 = scf.for %scan3A_36 = %scan3A_13 to %scan3A_15 step %scan3A_16 iter_args(%scan3A_37 = %scan3A_12) -> (i32)  : i32 {
      %mul3A_38 = arith.constant 8192 : i32
      %mul3A_39 = arith.muli %scan3A_36, %mul3A_38 : i32
      %add3A_40 = arith.addi %add3A, %mul3A_39 : i32
      "tpu.region"() ({
        %run_scoped3A = tpu.sem_alloc : memref<!tpu.dma_semaphore, #tpu.memory_space<semaphore_mem>>
        %dma_start3A = tpu.memref_slice %arg2[%add3A_40] : memref<2097152xf32, #tpu.memory_space<hbm>> -> memref<8192xf32, #tpu.memory_space<hbm>>
        %dma_start3A_49 = tpu.memref_slice %arg2[%add3A_40] : memref<2097152xf32, #tpu.memory_space<hbm>> -> memref<8192xf32, #tpu.memory_space<hbm>>
        tpu.enqueue_dma source(%dma_start3A_49 : memref<8192xf32, #tpu.memory_space<hbm>>) target(%arg5 : memref<8192xf32, #tpu.memory_space<vmem>>) target_semaphore(%run_scoped3A : memref<!tpu.dma_semaphore, #tpu.memory_space<semaphore_mem>>)
        %dma_wait3A = tpu.memref_slice %arg2[%add3A_40] : memref<2097152xf32, #tpu.memory_space<hbm>> -> memref<8192xf32, #tpu.memory_space<hbm>>
        %dma_wait3A_50 = tpu.memref_slice %arg2[%add3A_40] : memref<2097152xf32, #tpu.memory_space<hbm>> -> memref<8192xf32, #tpu.memory_space<hbm>>
        tpu.wait_dma2 semaphore(%run_scoped3A : memref<!tpu.dma_semaphore, #tpu.memory_space<semaphore_mem>>) src(%dma_wait3A_50 : memref<8192xf32, #tpu.memory_space<hbm>>) dst(%arg5 : memref<8192xf32, #tpu.memory_space<vmem>>)
        tpu.yield
      }) : () -> ()
      %scan3A_41 = arith.constant 0 : i32
      %scan3A_42 = arith.constant 0 : i32
      %scan3A_43 = arith.constant 512 : i32
      %scan3A_44 = arith.addi %scan3A_42, %scan3A_43 : i32
      %scan3A_45 = arith.constant 1 : i32
      %scan3A_46 = scf.for %scan3A_49 = %scan3A_42 to %scan3A_44 step %scan3A_45 iter_args(%scan3A_50 = %scan3A_41) -> (i32)  : i32 {
        %mul3A_51 = arith.constant 16 : i32
        %mul3A_52 = arith.muli %scan3A_49, %mul3A_51 : i32
        %get3A = arith.index_cast %mul3A_52 : i32 to index
        %get3A_53 = tpu.vector_load %arg5[%get3A] {strides = array<i32>} : memref<8192xf32, #tpu.memory_space<vmem>>, vector<16xf32>,
        %bitcast3A = vector.bitcast %get3A_53 : vector<16xf32> to vector<16xi32>
        %lt3A = arith.constant 0 : i32
        %lt3A_54 = vector.broadcast %lt3A : i32 to vector<16xi32>
        %lt3A_55 = arith.cmpi slt, %bitcast3A, %lt3A_54 : vector<16xi32>
        %xor3A = arith.constant -1 : i32
        %xor3A_56 = vector.broadcast %xor3A : i32 to vector<16xi32>
        %xor3A_57 = arith.xori %bitcast3A, %xor3A_56 : vector<16xi32>
        %or3A = arith.constant -2147483648 : i32
        %or3A_58 = vector.broadcast %or3A : i32 to vector<16xi32>
        %or3A_59 = arith.ori %bitcast3A, %or3A_58 : vector<16xi32>
        %select_n3A = arith.select %lt3A_55, %xor3A_57, %or3A_59 : vector<16xi1>, vector<16xi32>
        %broadcast_in_dim3A_60 = arith.constant 0 : i32
        %broadcast_in_dim3A_61 = vector.broadcast %broadcast_in_dim3A_60 : i32 to vector<16xi32>
        %shift_right_logical3A = arith.shrui %select_n3A, %broadcast_in_dim3A_61 : vector<16xi32>
        %broadcast_in_dim3A_62 = arith.constant 2047 : i32
        %broadcast_in_dim3A_63 = vector.broadcast %broadcast_in_dim3A_62 : i32 to vector<16xi32>
        %and3A = arith.andi %shift_right_logical3A, %broadcast_in_dim3A_63 : vector<16xi32>
        %broadcast_in_dim3A_64 = arith.constant true
        %broadcast_in_dim3A_65 = vector.broadcast %broadcast_in_dim3A_64 : i1 to vector<16xi1>
        %unique3A, %unique3A_66 = tpu.scan_count mask(%broadcast_in_dim3A_65 : vector<16xi1>) value(%and3A : vector<16xi32>) : vector<16xi1>, vector<16xi32>
        %gather3A = tpu.vector_load_idx %arg9[%and3A] : memref<2048xi32, #tpu.memory_space<vmem>>[vector<16xi32>], vector<16xi32>,
        %add3A_67 = arith.addi %gather3A, %unique3A_66 : vector<16xi32>
        tpu.vector_store_idx %arg9[%and3A], %add3A_67 masked %unique3A : memref<2048xi32, #tpu.memory_space<vmem>>[vector<16xi32>], vector<16xi32>, vector<16xi1>
        %scan3A_68 = arith.constant 0 : i32
        scf.yield %scan3A_68 : i32
      }
      %scan3A_47 = arith.constant 512 : i32
      %scan3A_48 = arith.constant 0 : i32
      scf.yield %scan3A_48 : i32
    }
    %scan3A_18 = arith.constant 8 : i32
    %mul3A_19 = arith.constant 2048 : i32
    %mul3A_20 = arith.muli %arg1, %mul3A_19 : i32
    %add3A_21 = arith.addi %mul3A_5, %mul3A_20 : i32
    "tpu.region"() ({
      %run_scoped3A = tpu.sem_alloc : memref<!tpu.dma_semaphore, #tpu.memory_space<semaphore_mem>>
      %dma_start3A = tpu.memref_slice %arg11[%add3A_21] : memref<65536xi32, #tpu.memory_space<vmem_shared>> -> memref<2048xi32, #tpu.memory_space<vmem_shared>>
      %dma_start3A_36 = tpu.memref_slice %arg11[%add3A_21] : memref<65536xi32, #tpu.memory_space<vmem_shared>> -> memref<2048xi32, #tpu.memory_space<vmem_shared>>
      tpu.enqueue_dma source(%arg9 : memref<2048xi32, #tpu.memory_space<vmem>>) target(%dma_start3A_36 : memref<2048xi32, #tpu.memory_space<vmem_shared>>) target_semaphore(%run_scoped3A : memref<!tpu.dma_semaphore, #tpu.memory_space<semaphore_mem>>)
      %dma_wait3A = tpu.memref_slice %arg11[%add3A_21] : memref<65536xi32, #tpu.memory_space<vmem_shared>> -> memref<2048xi32, #tpu.memory_space<vmem_shared>>
      %dma_wait3A_37 = tpu.memref_slice %arg11[%add3A_21] : memref<65536xi32, #tpu.memory_space<vmem_shared>> -> memref<2048xi32, #tpu.memory_space<vmem_shared>>
      tpu.wait_dma2 semaphore(%run_scoped3A : memref<!tpu.dma_semaphore, #tpu.memory_space<semaphore_mem>>) src(%arg9 : memref<2048xi32, #tpu.memory_space<vmem>>) dst(%dma_wait3A_37 : memref<2048xi32, #tpu.memory_space<vmem_shared>>)
      tpu.yield
    }) : () -> ()
    %barrier3A = arith.constant 0 : index
    tpu.barrier barrier_id(%barrier3A)
    "tpu.region"() ({
      %run_scoped3A = tpu.sem_alloc : memref<!tpu.dma_semaphore, #tpu.memory_space<semaphore_mem>>
      %dma_start3A = tpu.memref_slice %arg11[%mul3A_5] : memref<65536xi32, #tpu.memory_space<vmem_shared>> -> memref<32768xi32, #tpu.memory_space<vmem_shared>>
      %dma_start3A_36 = tpu.memref_slice %arg11[%mul3A_5] : memref<65536xi32, #tpu.memory_space<vmem_shared>> -> memref<32768xi32, #tpu.memory_space<vmem_shared>>
      tpu.enqueue_dma source(%dma_start3A_36 : memref<32768xi32, #tpu.memory_space<vmem_shared>>) target(%arg10 : memref<32768xi32, #tpu.memory_space<vmem>>) target_semaphore(%run_scoped3A : memref<!tpu.dma_semaphore, #tpu.memory_space<semaphore_mem>>)
      %dma_wait3A = tpu.memref_slice %arg11[%mul3A_5] : memref<65536xi32, #tpu.memory_space<vmem_shared>> -> memref<32768xi32, #tpu.memory_space<vmem_shared>>
      %dma_wait3A_37 = tpu.memref_slice %arg11[%mul3A_5] : memref<65536xi32, #tpu.memory_space<vmem_shared>> -> memref<32768xi32, #tpu.memory_space<vmem_shared>>
      tpu.wait_dma2 semaphore(%run_scoped3A : memref<!tpu.dma_semaphore, #tpu.memory_space<semaphore_mem>>) src(%dma_wait3A_37 : memref<32768xi32, #tpu.memory_space<vmem_shared>>) dst(%arg10 : memref<32768xi32, #tpu.memory_space<vmem>>)
      tpu.yield
    }) : () -> ()
    %scan3A_22 = arith.constant 0 : i32
    %scan3A_23 = arith.constant 0 : i32
    %scan3A_24 = arith.constant 128 : i32
    %scan3A_25 = arith.addi %scan3A_23, %scan3A_24 : i32
    %scan3A_26 = arith.constant 1 : i32
    %scan3A_27 = scf.for %scan3A_36 = %scan3A_23 to %scan3A_25 step %scan3A_26 iter_args(%scan3A_37 = %scan3A_22) -> (i32)  : i32 {
      %scan3A_38 = arith.constant 0 : i32
      %scan3A_39 = arith.constant 16 : i32
      %scan3A_40 = arith.addi %scan3A_38, %scan3A_39 : i32
      %scan3A_41 = arith.constant 1 : i32
      %scan3A_42:2 = scf.for %scan3A_58 = %scan3A_38 to %scan3A_40 step %scan3A_41 iter_args(%scan3A_59 = %broadcast_in_dim3A_3, %scan3A_60 = %broadcast_in_dim3A_3) -> (vector<16xi32>, vector<16xi32>)  : i32 {
        %mul3A_61 = arith.constant 2048 : i32
        %mul3A_62 = arith.muli %scan3A_58, %mul3A_61 : i32
        %mul3A_63 = arith.constant 16 : i32
        %mul3A_64 = arith.muli %scan3A_36, %mul3A_63 : i32
        %add3A_65 = arith.addi %mul3A_62, %mul3A_64 : i32
        %get3A = arith.index_cast %add3A_65 : i32 to index
        %get3A_66 = tpu.vector_load %arg10[%get3A] {strides = array<i32>} : memref<32768xi32, #tpu.memory_space<vmem>>, vector<16xi32>,
        %add3A_67 = arith.addi %scan3A_59, %get3A_66 : vector<16xi32>
        %lt3A = arith.cmpi slt, %scan3A_58, %arg1 : i32
        %select_n3A = arith.select %lt3A, %get3A_66, %broadcast_in_dim3A_3 : vector<16xi32>
        %add3A_68 = arith.addi %scan3A_60, %select_n3A : vector<16xi32>
        scf.yield %add3A_67, %add3A_68 : vector<16xi32>, vector<16xi32>
      }
      %scan3A_43 = arith.constant 16 : i32
      %broadcast_in_dim3A_44 = arith.constant true
      %broadcast_in_dim3A_45 = vector.broadcast %broadcast_in_dim3A_44 : i1 to vector<16xi1>
      %masked_cumsum3A = tpu.scan <sum>, %scan3A_42#0 masked %broadcast_in_dim3A_45 : vector<16xi32>, vector<16xi1> -> vector<16xi32>
      %sub3A = arith.subi %masked_cumsum3A, %scan3A_42#0 : vector<16xi32>
      %add3A_46 = vector.broadcast %scan3A_37 : i32 to vector<16xi32>
      %add3A_47 = arith.addi %sub3A, %add3A_46 : vector<16xi32>
      %add3A_48 = arith.addi %add3A_47, %scan3A_42#1 : vector<16xi32>
      %add3A_49 = vector.broadcast %mul3A_0 : i32 to vector<16xi32>
      %add3A_50 = arith.addi %add3A_48, %add3A_49 : vector<16xi32>
      %mul3A_51 = arith.constant 16 : i32
      %mul3A_52 = arith.muli %scan3A_36, %mul3A_51 : i32
      %swap3A = arith.index_cast %mul3A_52 : i32 to index
      %swap3A_53 = tpu.vector_load %arg9[%swap3A] {strides = array<i32>} : memref<2048xi32, #tpu.memory_space<vmem>>, vector<16xi32>,
      tpu.vector_store %arg9[%swap3A], %add3A_50 {strides = array<i32>} : memref<2048xi32, #tpu.memory_space<vmem>>, vector<16xi32>,
      %reduce_sum3A = arith.constant true
      %reduce_sum3A_54 = vector.broadcast %reduce_sum3A : i1 to vector<16xi1>
      %reduce_sum3A_55 = tpu.scan <sum>, %scan3A_42#0 masked %reduce_sum3A_54 : vector<16xi32>, vector<16xi1> -> vector<16xi32>
      %reduce_sum3A_56 = vector.extract %reduce_sum3A_55[15] : i32 from vector<16xi32>
      %add3A_57 = arith.addi %scan3A_37, %reduce_sum3A_56 : i32
      scf.yield %add3A_57 : i32
    }
    %scan3A_28 = arith.constant 128 : i32
    %scan3A_29 = arith.constant 0 : i32
    %scan3A_30 = arith.constant 0 : i32
    %scan3A_31 = arith.constant 8 : i32
    %scan3A_32 = arith.addi %scan3A_30, %scan3A_31 : i32
    %scan3A_33 = arith.constant 1 : i32
    %scan3A_34 = scf.for %scan3A_36 = %scan3A_30 to %scan3A_32 step %scan3A_33 iter_args(%scan3A_37 = %scan3A_29) -> (i32)  : i32 {
      %mul3A_38 = arith.constant 8192 : i32
      %mul3A_39 = arith.muli %scan3A_36, %mul3A_38 : i32
      %add3A_40 = arith.addi %add3A, %mul3A_39 : i32
      "tpu.region"() ({
        %run_scoped3A = tpu.sem_alloc : memref<!tpu.dma_semaphore, #tpu.memory_space<semaphore_mem>>
        %dma_start3A_55 = tpu.memref_slice %arg2[%add3A_40] : memref<2097152xf32, #tpu.memory_space<hbm>> -> memref<8192xf32, #tpu.memory_space<hbm>>
        %dma_start3A_56 = tpu.memref_slice %arg2[%add3A_40] : memref<2097152xf32, #tpu.memory_space<hbm>> -> memref<8192xf32, #tpu.memory_space<hbm>>
        tpu.enqueue_dma source(%dma_start3A_56 : memref<8192xf32, #tpu.memory_space<hbm>>) target(%arg5 : memref<8192xf32, #tpu.memory_space<vmem>>) target_semaphore(%run_scoped3A : memref<!tpu.dma_semaphore, #tpu.memory_space<semaphore_mem>>)
        %dma_wait3A_57 = tpu.memref_slice %arg2[%add3A_40] : memref<2097152xf32, #tpu.memory_space<hbm>> -> memref<8192xf32, #tpu.memory_space<hbm>>
        %dma_wait3A_58 = tpu.memref_slice %arg2[%add3A_40] : memref<2097152xf32, #tpu.memory_space<hbm>> -> memref<8192xf32, #tpu.memory_space<hbm>>
        tpu.wait_dma2 semaphore(%run_scoped3A : memref<!tpu.dma_semaphore, #tpu.memory_space<semaphore_mem>>) src(%dma_wait3A_58 : memref<8192xf32, #tpu.memory_space<hbm>>) dst(%arg5 : memref<8192xf32, #tpu.memory_space<vmem>>)
        tpu.yield
      }) : () -> ()
      %scan3A_41 = arith.constant 0 : i32
      %scan3A_42 = arith.constant 0 : i32
      %scan3A_43 = arith.constant 512 : i32
      %scan3A_44 = arith.addi %scan3A_42, %scan3A_43 : i32
      %scan3A_45 = arith.constant 1 : i32
      %scan3A_46 = scf.for %scan3A_55 = %scan3A_42 to %scan3A_44 step %scan3A_45 iter_args(%scan3A_56 = %scan3A_41) -> (i32)  : i32 {
        %mul3A_57 = arith.constant 16 : i32
        %mul3A_58 = arith.muli %scan3A_55, %mul3A_57 : i32
        %get3A = arith.index_cast %mul3A_58 : i32 to index
        %get3A_59 = tpu.vector_load %arg5[%get3A] {strides = array<i32>} : memref<8192xf32, #tpu.memory_space<vmem>>, vector<16xf32>,
        %bitcast3A = vector.bitcast %get3A_59 : vector<16xf32> to vector<16xi32>
        %lt3A = arith.constant 0 : i32
        %lt3A_60 = vector.broadcast %lt3A : i32 to vector<16xi32>
        %lt3A_61 = arith.cmpi slt, %bitcast3A, %lt3A_60 : vector<16xi32>
        %xor3A = arith.constant -1 : i32
        %xor3A_62 = vector.broadcast %xor3A : i32 to vector<16xi32>
        %xor3A_63 = arith.xori %bitcast3A, %xor3A_62 : vector<16xi32>
        %or3A = arith.constant -2147483648 : i32
        %or3A_64 = vector.broadcast %or3A : i32 to vector<16xi32>
        %or3A_65 = arith.ori %bitcast3A, %or3A_64 : vector<16xi32>
        %select_n3A = arith.select %lt3A_61, %xor3A_63, %or3A_65 : vector<16xi1>, vector<16xi32>
        %mul3A_66 = arith.constant 16 : i32
        %mul3A_67 = arith.muli %scan3A_55, %mul3A_66 : i32
        %swap3A = arith.index_cast %mul3A_67 : i32 to index
        %swap3A_68 = tpu.vector_load %arg6[%swap3A] {strides = array<i32>} : memref<8192xi32, #tpu.memory_space<vmem>>, vector<16xi32>,
        tpu.vector_store %arg6[%swap3A], %select_n3A {strides = array<i32>} : memref<8192xi32, #tpu.memory_space<vmem>>, vector<16xi32>,
        %sub3A = arith.subi %add3A_40, %mul3A_0 : i32
        %mul3A_69 = arith.constant 16 : i32
        %mul3A_70 = arith.muli %scan3A_55, %mul3A_69 : i32
        %add3A_71 = arith.addi %sub3A, %mul3A_70 : i32
        %add3A_72 = vector.broadcast %add3A_71 : i32 to vector<16xi32>
        %add3A_73 = arith.addi %add3A_72, %iota3A : vector<16xi32>
        %mul3A_74 = arith.constant 16 : i32
        %mul3A_75 = arith.muli %scan3A_55, %mul3A_74 : i32
        %swap3A_76 = arith.index_cast %mul3A_75 : i32 to index
        %swap3A_77 = tpu.vector_load %arg7[%swap3A_76] {strides = array<i32>} : memref<8192xi32, #tpu.memory_space<vmem>>, vector<16xi32>,
        tpu.vector_store %arg7[%swap3A_76], %add3A_73 {strides = array<i32>} : memref<8192xi32, #tpu.memory_space<vmem>>, vector<16xi32>,
        %broadcast_in_dim3A_78 = arith.constant 0 : i32
        %broadcast_in_dim3A_79 = vector.broadcast %broadcast_in_dim3A_78 : i32 to vector<16xi32>
        %shift_right_logical3A = arith.shrui %select_n3A, %broadcast_in_dim3A_79 : vector<16xi32>
        %broadcast_in_dim3A_80 = arith.constant 2047 : i32
        %broadcast_in_dim3A_81 = vector.broadcast %broadcast_in_dim3A_80 : i32 to vector<16xi32>
        %and3A = arith.andi %shift_right_logical3A, %broadcast_in_dim3A_81 : vector<16xi32>
        %broadcast_in_dim3A_82 = arith.constant true
        %broadcast_in_dim3A_83 = vector.broadcast %broadcast_in_dim3A_82 : i1 to vector<16xi1>
        %unique3A, %unique3A_84 = tpu.scan_count mask(%broadcast_in_dim3A_83 : vector<16xi1>) value(%and3A : vector<16xi32>) : vector<16xi1>, vector<16xi32>
        %gather3A = tpu.vector_load_idx %arg9[%and3A] : memref<2048xi32, #tpu.memory_space<vmem>>[vector<16xi32>], vector<16xi32>,
        %add3A_85 = arith.addi %gather3A, %unique3A_84 : vector<16xi32>
        %sub3A_86 = arith.constant 1 : i32
        %sub3A_87 = vector.broadcast %sub3A_86 : i32 to vector<16xi32>
        %sub3A_88 = arith.subi %add3A_85, %sub3A_87 : vector<16xi32>
        %add3A_89 = arith.addi %gather3A, %unique3A_84 : vector<16xi32>
        tpu.vector_store_idx %arg9[%and3A], %add3A_89 masked %unique3A : memref<2048xi32, #tpu.memory_space<vmem>>[vector<16xi32>], vector<16xi32>, vector<16xi1>
        %mul3A_90 = arith.constant 16 : i32
        %mul3A_91 = arith.muli %scan3A_55, %mul3A_90 : i32
        %swap3A_92 = arith.index_cast %mul3A_91 : i32 to index
        %swap3A_93 = tpu.vector_load %arg8[%swap3A_92] {strides = array<i32>} : memref<8192xi32, #tpu.memory_space<vmem>>, vector<16xi32>,
        tpu.vector_store %arg8[%swap3A_92], %sub3A_88 {strides = array<i32>} : memref<8192xi32, #tpu.memory_space<vmem>>, vector<16xi32>,
        %scan3A_94 = arith.constant 0 : i32
        scf.yield %scan3A_94 : i32
      }
      %scan3A_47 = arith.constant 512 : i32
      %dma_start3A = arith.constant 0 : i32
      %dma_start3A_48 = tpu.memref_slice %arg3[%dma_start3A] : memref<2097152xi32, #tpu.memory_space<hbm>> -> memref<2097152xi32, #tpu.memory_space<hbm>>
      tpu.enqueue_indirect_dma source(%arg6 : memref<8192xi32, #tpu.memory_space<vmem>>) target(%dma_start3A_48 : memref<2097152xi32, #tpu.memory_space<hbm>>) offsets(%arg8 : memref<8192xi32, #tpu.memory_space<vmem>>) semaphore(%arg12 : memref<!tpu.dma_semaphore, #tpu.memory_space<semaphore_mem>>)
      %dma_start3A_49 = arith.constant 0 : i32
      %dma_start3A_50 = tpu.memref_slice %arg4[%dma_start3A_49] : memref<2097152xi32, #tpu.memory_space<hbm>> -> memref<2097152xi32, #tpu.memory_space<hbm>>
      tpu.enqueue_indirect_dma source(%arg7 : memref<8192xi32, #tpu.memory_space<vmem>>) target(%dma_start3A_50 : memref<2097152xi32, #tpu.memory_space<hbm>>) offsets(%arg8 : memref<8192xi32, #tpu.memory_space<vmem>>) semaphore(%arg13 : memref<!tpu.dma_semaphore, #tpu.memory_space<semaphore_mem>>)
      %dma_wait3A = arith.constant 0 : i32
      %dma_wait3A_51 = tpu.memref_slice %arg3[%dma_wait3A] : memref<2097152xi32, #tpu.memory_space<hbm>> -> memref<2097152xi32, #tpu.memory_space<hbm>>
      tpu.wait_indirect_dma semaphore(%arg12 : memref<!tpu.dma_semaphore, #tpu.memory_space<semaphore_mem>>) src(%arg6 : memref<8192xi32, #tpu.memory_space<vmem>>) dst(%dma_wait3A_51 : memref<2097152xi32, #tpu.memory_space<hbm>>)
      %dma_wait3A_52 = arith.constant 0 : i32
      %dma_wait3A_53 = tpu.memref_slice %arg4[%dma_wait3A_52] : memref<2097152xi32, #tpu.memory_space<hbm>> -> memref<2097152xi32, #tpu.memory_space<hbm>>
      tpu.wait_indirect_dma semaphore(%arg13 : memref<!tpu.dma_semaphore, #tpu.memory_space<semaphore_mem>>) src(%arg7 : memref<8192xi32, #tpu.memory_space<vmem>>) dst(%dma_wait3A_53 : memref<2097152xi32, #tpu.memory_space<hbm>>)
      %scan3A_54 = arith.constant 0 : i32
      scf.yield %scan3A_54 : i32
    }
    %scan3A_35 = arith.constant 8 : i32
    return
  }
}

#map = affine_map<(d0, d1) -> (0)>
module attributes {stable_mosaic.version = 14 : i64} {
  func.func @_dot_kernel(%arg0: i32, %arg1: i32, %arg2: memref<2097152xf32, #tpu.memory_space<hbm>>, %arg3: memref<512xf32, #tpu.memory_space<hbm>>, %arg4: memref<8192xf32, #tpu.memory_space<vmem>>, %arg5: memref<8192xf32, #tpu.memory_space<vmem>>, %arg6: memref<16xf32, #tpu.memory_space<vmem>>) attributes {dimension_semantics = [#tpu.dimension_semantics<core_parallel>, #tpu.dimension_semantics<subcore_parallel>], iteration_bounds = array<i64: 2, 16>, scalar_prefetch = 0 : i64, scratch_operands = 3 : i64, tpu.core_type = #tpu.core_type<sc_vector_subcore>, window_params = [{transform_indices = #map}, {transform_indices = #map}]} {
    %mul3A = arith.constant 16 : i32
    %mul3A_0 = arith.muli %arg0, %mul3A : i32
    %add3A = arith.addi %mul3A_0, %arg1 : i32
    %mul3A_1 = arith.constant 32768 : i32
    %mul3A_2 = arith.muli %add3A, %mul3A_1 : i32
    %broadcast_in_dim3A = arith.constant 524287.5 : f32
    %broadcast_in_dim3A_3 = vector.broadcast %broadcast_in_dim3A : f32 to vector<16xf32>
    %broadcast_in_dim3A_4 = arith.constant 0.000000e+00 : f32
    %broadcast_in_dim3A_5 = vector.broadcast %broadcast_in_dim3A_4 : f32 to vector<16xf32>
    %scan3A = arith.constant 0 : i32
    %scan3A_6 = arith.constant 4 : i32
    %scan3A_7 = arith.addi %scan3A, %scan3A_6 : i32
    %scan3A_8 = arith.constant 1 : i32
    %scan3A_9 = scf.for %scan3A_14 = %scan3A to %scan3A_7 step %scan3A_8 iter_args(%scan3A_15 = %broadcast_in_dim3A_5) -> (vector<16xf32>)  : i32 {
      %mul3A_16 = arith.constant 8192 : i32
      %mul3A_17 = arith.muli %scan3A_14, %mul3A_16 : i32
      %add3A_18 = arith.addi %mul3A_2, %mul3A_17 : i32
      "tpu.region"() ({
        %run_scoped3A = tpu.sem_alloc : memref<!tpu.dma_semaphore, #tpu.memory_space<semaphore_mem>>
        %dma_start3A = tpu.memref_slice %arg2[%add3A_18] : memref<2097152xf32, #tpu.memory_space<hbm>> -> memref<8192xf32, #tpu.memory_space<hbm>>
        %dma_start3A_30 = tpu.memref_slice %arg2[%add3A_18] : memref<2097152xf32, #tpu.memory_space<hbm>> -> memref<8192xf32, #tpu.memory_space<hbm>>
        tpu.enqueue_dma source(%dma_start3A_30 : memref<8192xf32, #tpu.memory_space<hbm>>) target(%arg4 : memref<8192xf32, #tpu.memory_space<vmem>>) target_semaphore(%run_scoped3A : memref<!tpu.dma_semaphore, #tpu.memory_space<semaphore_mem>>)
        %dma_wait3A = tpu.memref_slice %arg2[%add3A_18] : memref<2097152xf32, #tpu.memory_space<hbm>> -> memref<8192xf32, #tpu.memory_space<hbm>>
        %dma_wait3A_31 = tpu.memref_slice %arg2[%add3A_18] : memref<2097152xf32, #tpu.memory_space<hbm>> -> memref<8192xf32, #tpu.memory_space<hbm>>
        tpu.wait_dma2 semaphore(%run_scoped3A : memref<!tpu.dma_semaphore, #tpu.memory_space<semaphore_mem>>) src(%dma_wait3A_31 : memref<8192xf32, #tpu.memory_space<hbm>>) dst(%arg4 : memref<8192xf32, #tpu.memory_space<vmem>>)
        tpu.yield
      }) : () -> ()
      %add3A_19 = arith.constant 1048576 : i32
      %add3A_20 = arith.addi %add3A_19, %mul3A_2 : i32
      %mul3A_21 = arith.constant 8192 : i32
      %mul3A_22 = arith.muli %scan3A_14, %mul3A_21 : i32
      %add3A_23 = arith.addi %add3A_20, %mul3A_22 : i32
      "tpu.region"() ({
        %run_scoped3A = tpu.sem_alloc : memref<!tpu.dma_semaphore, #tpu.memory_space<semaphore_mem>>
        %dma_start3A = tpu.memref_slice %arg2[%add3A_23] : memref<2097152xf32, #tpu.memory_space<hbm>> -> memref<8192xf32, #tpu.memory_space<hbm>>
        %dma_start3A_30 = tpu.memref_slice %arg2[%add3A_23] : memref<2097152xf32, #tpu.memory_space<hbm>> -> memref<8192xf32, #tpu.memory_space<hbm>>
        tpu.enqueue_dma source(%dma_start3A_30 : memref<8192xf32, #tpu.memory_space<hbm>>) target(%arg5 : memref<8192xf32, #tpu.memory_space<vmem>>) target_semaphore(%run_scoped3A : memref<!tpu.dma_semaphore, #tpu.memory_space<semaphore_mem>>)
        %dma_wait3A = tpu.memref_slice %arg2[%add3A_23] : memref<2097152xf32, #tpu.memory_space<hbm>> -> memref<8192xf32, #tpu.memory_space<hbm>>
        %dma_wait3A_31 = tpu.memref_slice %arg2[%add3A_23] : memref<2097152xf32, #tpu.memory_space<hbm>> -> memref<8192xf32, #tpu.memory_space<hbm>>
        tpu.wait_dma2 semaphore(%run_scoped3A : memref<!tpu.dma_semaphore, #tpu.memory_space<semaphore_mem>>) src(%dma_wait3A_31 : memref<8192xf32, #tpu.memory_space<hbm>>) dst(%arg5 : memref<8192xf32, #tpu.memory_space<vmem>>)
        tpu.yield
      }) : () -> ()
      %scan3A_24 = arith.constant 0 : i32
      %scan3A_25 = arith.constant 512 : i32
      %scan3A_26 = arith.addi %scan3A_24, %scan3A_25 : i32
      %scan3A_27 = arith.constant 1 : i32
      %scan3A_28 = scf.for %scan3A_30 = %scan3A_24 to %scan3A_26 step %scan3A_27 iter_args(%scan3A_31 = %scan3A_15) -> (vector<16xf32>)  : i32 {
        %mul3A_32 = arith.constant 16 : i32
        %mul3A_33 = arith.muli %scan3A_30, %mul3A_32 : i32
        %get3A = arith.index_cast %mul3A_33 : i32 to index
        %get3A_34 = tpu.vector_load %arg4[%get3A] {strides = array<i32>} : memref<8192xf32, #tpu.memory_space<vmem>>, vector<16xf32>,
        %sub3A = arith.subf %get3A_34, %broadcast_in_dim3A_3 : vector<16xf32>
        %mul3A_35 = arith.constant 16 : i32
        %mul3A_36 = arith.muli %scan3A_30, %mul3A_35 : i32
        %get3A_37 = arith.index_cast %mul3A_36 : i32 to index
        %get3A_38 = tpu.vector_load %arg5[%get3A_37] {strides = array<i32>} : memref<8192xf32, #tpu.memory_space<vmem>>, vector<16xf32>,
        %sub3A_39 = arith.subf %get3A_38, %broadcast_in_dim3A_3 : vector<16xf32>
        %mul3A_40 = arith.mulf %sub3A, %sub3A_39 : vector<16xf32>
        %add3A_41 = arith.addf %scan3A_31, %mul3A_40 : vector<16xf32>
        scf.yield %add3A_41 : vector<16xf32>
      }
      %scan3A_29 = arith.constant 512 : i32
      scf.yield %scan3A_28 : vector<16xf32>
    }
    %scan3A_10 = arith.constant 4 : i32
    %swap3A = arith.constant 0 : index
    %swap3A_11 = tpu.vector_load %arg6[%swap3A] {strides = array<i32>} : memref<16xf32, #tpu.memory_space<vmem>>, vector<16xf32>,
    tpu.vector_store %arg6[%swap3A], %scan3A_9 {strides = array<i32>} : memref<16xf32, #tpu.memory_space<vmem>>, vector<16xf32>,
    %mul3A_12 = arith.constant 16 : i32
    %mul3A_13 = arith.muli %add3A, %mul3A_12 : i32
    "tpu.region"() ({
      %run_scoped3A = tpu.sem_alloc : memref<!tpu.dma_semaphore, #tpu.memory_space<semaphore_mem>>
      %dma_start3A = tpu.memref_slice %arg3[%mul3A_13] : memref<512xf32, #tpu.memory_space<hbm>> -> memref<16xf32, #tpu.memory_space<hbm>>
      %dma_start3A_14 = tpu.memref_slice %arg3[%mul3A_13] : memref<512xf32, #tpu.memory_space<hbm>> -> memref<16xf32, #tpu.memory_space<hbm>>
      tpu.enqueue_dma source(%arg6 : memref<16xf32, #tpu.memory_space<vmem>>) target(%dma_start3A_14 : memref<16xf32, #tpu.memory_space<hbm>>) target_semaphore(%run_scoped3A : memref<!tpu.dma_semaphore, #tpu.memory_space<semaphore_mem>>)
      %dma_wait3A = tpu.memref_slice %arg3[%mul3A_13] : memref<512xf32, #tpu.memory_space<hbm>> -> memref<16xf32, #tpu.memory_space<hbm>>
      %dma_wait3A_15 = tpu.memref_slice %arg3[%mul3A_13] : memref<512xf32, #tpu.memory_space<hbm>> -> memref<16xf32, #tpu.memory_space<hbm>>
      tpu.wait_dma2 semaphore(%run_scoped3A : memref<!tpu.dma_semaphore, #tpu.memory_space<semaphore_mem>>) src(%arg6 : memref<16xf32, #tpu.memory_space<vmem>>) dst(%dma_wait3A_15 : memref<16xf32, #tpu.memory_space<hbm>>)
      tpu.yield
    }) : () -> ()
    return
  }
}

#map = affine_map<(d0, d1) -> (0)>
module attributes {stable_mosaic.version = 14 : i64} {
  func.func @pass_kernel(%arg0: i32, %arg1: i32, %arg2: memref<2097152xi32, #tpu.memory_space<hbm>>, %arg3: memref<2097152xi32, #tpu.memory_space<hbm>>, %arg4: memref<2097152xf32, #tpu.memory_space<hbm>>, %arg5: memref<8192xf32, #tpu.memory_space<vmem>>, %arg6: memref<8192xi32, #tpu.memory_space<vmem>>, %arg7: memref<8192xi32, #tpu.memory_space<vmem>>, %arg8: memref<8192xi32, #tpu.memory_space<vmem>>, %arg9: memref<2048xi32, #tpu.memory_space<vmem>>, %arg10: memref<32768xi32, #tpu.memory_space<vmem>>, %arg11: memref<65536xi32, #tpu.memory_space<vmem_shared>>, %arg12: memref<!tpu.dma_semaphore, #tpu.memory_space<semaphore_mem>>, %arg13: memref<!tpu.dma_semaphore, #tpu.memory_space<semaphore_mem>>) attributes {dimension_semantics = [#tpu.dimension_semantics<core_parallel>, #tpu.dimension_semantics<subcore_parallel>], iteration_bounds = array<i64: 2, 16>, scalar_prefetch = 0 : i64, scratch_operands = 9 : i64, tpu.core_type = #tpu.core_type<sc_vector_subcore>, window_params = [{transform_indices = #map}, {transform_indices = #map}, {transform_indices = #map}]} {
    %mul3A = arith.constant 1048576 : i32
    %mul3A_0 = arith.muli %arg0, %mul3A : i32
    %mul3A_1 = arith.constant 65536 : i32
    %mul3A_2 = arith.muli %arg1, %mul3A_1 : i32
    %add3A = arith.addi %mul3A_0, %mul3A_2 : i32
    %iota3A = tpu.iota {dimensions = array<i32: 0>} : vector<16xi32>
    %broadcast_in_dim3A = arith.constant 0 : i32
    %broadcast_in_dim3A_3 = vector.broadcast %broadcast_in_dim3A : i32 to vector<16xi32>
    %mul3A_4 = arith.constant 32768 : i32
    %mul3A_5 = arith.muli %arg0, %mul3A_4 : i32
    %scan3A = arith.constant 0 : i32
    %scan3A_6 = arith.constant 0 : i32
    %scan3A_7 = arith.constant 128 : i32
    %scan3A_8 = arith.addi %scan3A_6, %scan3A_7 : i32
    %scan3A_9 = arith.constant 1 : i32
    %scan3A_10 = scf.for %scan3A_36 = %scan3A_6 to %scan3A_8 step %scan3A_9 iter_args(%scan3A_37 = %scan3A) -> (i32)  : i32 {
      %mul3A_38 = arith.constant 16 : i32
      %mul3A_39 = arith.muli %scan3A_36, %mul3A_38 : i32
      %swap3A = arith.index_cast %mul3A_39 : i32 to index
      %swap3A_40 = tpu.vector_load %arg9[%swap3A] {strides = array<i32>} : memref<2048xi32, #tpu.memory_space<vmem>>, vector<16xi32>,
      tpu.vector_store %arg9[%swap3A], %broadcast_in_dim3A_3 {strides = array<i32>} : memref<2048xi32, #tpu.memory_space<vmem>>, vector<16xi32>,
      %scan3A_41 = arith.constant 0 : i32
      scf.yield %scan3A_41 : i32
    }
    %scan3A_11 = arith.constant 128 : i32
    %scan3A_12 = arith.constant 0 : i32
    %scan3A_13 = arith.constant 0 : i32
    %scan3A_14 = arith.constant 8 : i32
    %scan3A_15 = arith.addi %scan3A_13, %scan3A_14 : i32
    %scan3A_16 = arith.constant 1 : i32
    %scan3A_17 = scf.for %scan3A_36 = %scan3A_13 to %scan3A_15 step %scan3A_16 iter_args(%scan3A_37 = %scan3A_12) -> (i32)  : i32 {
      %mul3A_38 = arith.constant 8192 : i32
      %mul3A_39 = arith.muli %scan3A_36, %mul3A_38 : i32
      %add3A_40 = arith.addi %add3A, %mul3A_39 : i32
      "tpu.region"() ({
        %run_scoped3A = tpu.sem_alloc : memref<!tpu.dma_semaphore, #tpu.memory_space<semaphore_mem>>
        %dma_start3A = tpu.memref_slice %arg2[%add3A_40] : memref<2097152xi32, #tpu.memory_space<hbm>> -> memref<8192xi32, #tpu.memory_space<hbm>>
        %dma_start3A_49 = tpu.memref_slice %arg2[%add3A_40] : memref<2097152xi32, #tpu.memory_space<hbm>> -> memref<8192xi32, #tpu.memory_space<hbm>>
        tpu.enqueue_dma source(%dma_start3A_49 : memref<8192xi32, #tpu.memory_space<hbm>>) target(%arg6 : memref<8192xi32, #tpu.memory_space<vmem>>) target_semaphore(%run_scoped3A : memref<!tpu.dma_semaphore, #tpu.memory_space<semaphore_mem>>)
        %dma_wait3A = tpu.memref_slice %arg2[%add3A_40] : memref<2097152xi32, #tpu.memory_space<hbm>> -> memref<8192xi32, #tpu.memory_space<hbm>>
        %dma_wait3A_50 = tpu.memref_slice %arg2[%add3A_40] : memref<2097152xi32, #tpu.memory_space<hbm>> -> memref<8192xi32, #tpu.memory_space<hbm>>
        tpu.wait_dma2 semaphore(%run_scoped3A : memref<!tpu.dma_semaphore, #tpu.memory_space<semaphore_mem>>) src(%dma_wait3A_50 : memref<8192xi32, #tpu.memory_space<hbm>>) dst(%arg6 : memref<8192xi32, #tpu.memory_space<vmem>>)
        tpu.yield
      }) : () -> ()
      %scan3A_41 = arith.constant 0 : i32
      %scan3A_42 = arith.constant 0 : i32
      %scan3A_43 = arith.constant 512 : i32
      %scan3A_44 = arith.addi %scan3A_42, %scan3A_43 : i32
      %scan3A_45 = arith.constant 1 : i32
      %scan3A_46 = scf.for %scan3A_49 = %scan3A_42 to %scan3A_44 step %scan3A_45 iter_args(%scan3A_50 = %scan3A_41) -> (i32)  : i32 {
        %mul3A_51 = arith.constant 16 : i32
        %mul3A_52 = arith.muli %scan3A_49, %mul3A_51 : i32
        %get3A = arith.index_cast %mul3A_52 : i32 to index
        %get3A_53 = tpu.vector_load %arg6[%get3A] {strides = array<i32>} : memref<8192xi32, #tpu.memory_space<vmem>>, vector<16xi32>,
        %broadcast_in_dim3A_54 = arith.constant 22 : i32
        %broadcast_in_dim3A_55 = vector.broadcast %broadcast_in_dim3A_54 : i32 to vector<16xi32>
        %shift_right_logical3A = arith.shrui %get3A_53, %broadcast_in_dim3A_55 : vector<16xi32>
        %broadcast_in_dim3A_56 = arith.constant 1023 : i32
        %broadcast_in_dim3A_57 = vector.broadcast %broadcast_in_dim3A_56 : i32 to vector<16xi32>
        %and3A = arith.andi %shift_right_logical3A, %broadcast_in_dim3A_57 : vector<16xi32>
        %broadcast_in_dim3A_58 = arith.constant true
        %broadcast_in_dim3A_59 = vector.broadcast %broadcast_in_dim3A_58 : i1 to vector<16xi1>
        %unique3A, %unique3A_60 = tpu.scan_count mask(%broadcast_in_dim3A_59 : vector<16xi1>) value(%and3A : vector<16xi32>) : vector<16xi1>, vector<16xi32>
        %gather3A = tpu.vector_load_idx %arg9[%and3A] : memref<2048xi32, #tpu.memory_space<vmem>>[vector<16xi32>], vector<16xi32>,
        %add3A_61 = arith.addi %gather3A, %unique3A_60 : vector<16xi32>
        tpu.vector_store_idx %arg9[%and3A], %add3A_61 masked %unique3A : memref<2048xi32, #tpu.memory_space<vmem>>[vector<16xi32>], vector<16xi32>, vector<16xi1>
        %scan3A_62 = arith.constant 0 : i32
        scf.yield %scan3A_62 : i32
      }
      %scan3A_47 = arith.constant 512 : i32
      %scan3A_48 = arith.constant 0 : i32
      scf.yield %scan3A_48 : i32
    }
    %scan3A_18 = arith.constant 8 : i32
    %mul3A_19 = arith.constant 2048 : i32
    %mul3A_20 = arith.muli %arg1, %mul3A_19 : i32
    %add3A_21 = arith.addi %mul3A_5, %mul3A_20 : i32
    "tpu.region"() ({
      %run_scoped3A = tpu.sem_alloc : memref<!tpu.dma_semaphore, #tpu.memory_space<semaphore_mem>>
      %dma_start3A = tpu.memref_slice %arg11[%add3A_21] : memref<65536xi32, #tpu.memory_space<vmem_shared>> -> memref<2048xi32, #tpu.memory_space<vmem_shared>>
      %dma_start3A_36 = tpu.memref_slice %arg11[%add3A_21] : memref<65536xi32, #tpu.memory_space<vmem_shared>> -> memref<2048xi32, #tpu.memory_space<vmem_shared>>
      tpu.enqueue_dma source(%arg9 : memref<2048xi32, #tpu.memory_space<vmem>>) target(%dma_start3A_36 : memref<2048xi32, #tpu.memory_space<vmem_shared>>) target_semaphore(%run_scoped3A : memref<!tpu.dma_semaphore, #tpu.memory_space<semaphore_mem>>)
      %dma_wait3A = tpu.memref_slice %arg11[%add3A_21] : memref<65536xi32, #tpu.memory_space<vmem_shared>> -> memref<2048xi32, #tpu.memory_space<vmem_shared>>
      %dma_wait3A_37 = tpu.memref_slice %arg11[%add3A_21] : memref<65536xi32, #tpu.memory_space<vmem_shared>> -> memref<2048xi32, #tpu.memory_space<vmem_shared>>
      tpu.wait_dma2 semaphore(%run_scoped3A : memref<!tpu.dma_semaphore, #tpu.memory_space<semaphore_mem>>) src(%arg9 : memref<2048xi32, #tpu.memory_space<vmem>>) dst(%dma_wait3A_37 : memref<2048xi32, #tpu.memory_space<vmem_shared>>)
      tpu.yield
    }) : () -> ()
    %barrier3A = arith.constant 0 : index
    tpu.barrier barrier_id(%barrier3A)
    "tpu.region"() ({
      %run_scoped3A = tpu.sem_alloc : memref<!tpu.dma_semaphore, #tpu.memory_space<semaphore_mem>>
      %dma_start3A = tpu.memref_slice %arg11[%mul3A_5] : memref<65536xi32, #tpu.memory_space<vmem_shared>> -> memref<32768xi32, #tpu.memory_space<vmem_shared>>
      %dma_start3A_36 = tpu.memref_slice %arg11[%mul3A_5] : memref<65536xi32, #tpu.memory_space<vmem_shared>> -> memref<32768xi32, #tpu.memory_space<vmem_shared>>
      tpu.enqueue_dma source(%dma_start3A_36 : memref<32768xi32, #tpu.memory_space<vmem_shared>>) target(%arg10 : memref<32768xi32, #tpu.memory_space<vmem>>) target_semaphore(%run_scoped3A : memref<!tpu.dma_semaphore, #tpu.memory_space<semaphore_mem>>)
      %dma_wait3A = tpu.memref_slice %arg11[%mul3A_5] : memref<65536xi32, #tpu.memory_space<vmem_shared>> -> memref<32768xi32, #tpu.memory_space<vmem_shared>>
      %dma_wait3A_37 = tpu.memref_slice %arg11[%mul3A_5] : memref<65536xi32, #tpu.memory_space<vmem_shared>> -> memref<32768xi32, #tpu.memory_space<vmem_shared>>
      tpu.wait_dma2 semaphore(%run_scoped3A : memref<!tpu.dma_semaphore, #tpu.memory_space<semaphore_mem>>) src(%dma_wait3A_37 : memref<32768xi32, #tpu.memory_space<vmem_shared>>) dst(%arg10 : memref<32768xi32, #tpu.memory_space<vmem>>)
      tpu.yield
    }) : () -> ()
    %scan3A_22 = arith.constant 0 : i32
    %scan3A_23 = arith.constant 0 : i32
    %scan3A_24 = arith.constant 128 : i32
    %scan3A_25 = arith.addi %scan3A_23, %scan3A_24 : i32
    %scan3A_26 = arith.constant 1 : i32
    %scan3A_27 = scf.for %scan3A_36 = %scan3A_23 to %scan3A_25 step %scan3A_26 iter_args(%scan3A_37 = %scan3A_22) -> (i32)  : i32 {
      %scan3A_38 = arith.constant 0 : i32
      %scan3A_39 = arith.constant 16 : i32
      %scan3A_40 = arith.addi %scan3A_38, %scan3A_39 : i32
      %scan3A_41 = arith.constant 1 : i32
      %scan3A_42:2 = scf.for %scan3A_56 = %scan3A_38 to %scan3A_40 step %scan3A_41 iter_args(%scan3A_57 = %broadcast_in_dim3A_3, %scan3A_58 = %broadcast_in_dim3A_3) -> (vector<16xi32>, vector<16xi32>)  : i32 {
        %mul3A_59 = arith.constant 2048 : i32
        %mul3A_60 = arith.muli %scan3A_56, %mul3A_59 : i32
        %mul3A_61 = arith.constant 16 : i32
        %mul3A_62 = arith.muli %scan3A_36, %mul3A_61 : i32
        %add3A_63 = arith.addi %mul3A_60, %mul3A_62 : i32
        %get3A = arith.index_cast %add3A_63 : i32 to index
        %get3A_64 = tpu.vector_load %arg10[%get3A] {strides = array<i32>} : memref<32768xi32, #tpu.memory_space<vmem>>, vector<16xi32>,
        %add3A_65 = arith.addi %scan3A_57, %get3A_64 : vector<16xi32>
        %lt3A = arith.cmpi slt, %scan3A_56, %arg1 : i32
        %select_n3A = arith.select %lt3A, %get3A_64, %broadcast_in_dim3A_3 : vector<16xi32>
        %add3A_66 = arith.addi %scan3A_58, %select_n3A : vector<16xi32>
        scf.yield %add3A_65, %add3A_66 : vector<16xi32>, vector<16xi32>
      }
      %scan3A_43 = arith.constant 16 : i32
      %broadcast_in_dim3A_44 = arith.constant true
      %broadcast_in_dim3A_45 = vector.broadcast %broadcast_in_dim3A_44 : i1 to vector<16xi1>
      %masked_cumsum3A = tpu.scan <sum>, %scan3A_42#0 masked %broadcast_in_dim3A_45 : vector<16xi32>, vector<16xi1> -> vector<16xi32>
      %sub3A = arith.subi %masked_cumsum3A, %scan3A_42#0 : vector<16xi32>
      %add3A_46 = vector.broadcast %scan3A_37 : i32 to vector<16xi32>
      %add3A_47 = arith.addi %sub3A, %add3A_46 : vector<16xi32>
      %add3A_48 = arith.addi %add3A_47, %scan3A_42#1 : vector<16xi32>
      %mul3A_49 = arith.constant 16 : i32
      %mul3A_50 = arith.muli %scan3A_36, %mul3A_49 : i32
      %swap3A = arith.index_cast %mul3A_50 : i32 to index
      %swap3A_51 = tpu.vector_load %arg9[%swap3A] {strides = array<i32>} : memref<2048xi32, #tpu.memory_space<vmem>>, vector<16xi32>,
      tpu.vector_store %arg9[%swap3A], %add3A_48 {strides = array<i32>} : memref<2048xi32, #tpu.memory_space<vmem>>, vector<16xi32>,
      %reduce_sum3A = arith.constant true
      %reduce_sum3A_52 = vector.broadcast %reduce_sum3A : i1 to vector<16xi1>
      %reduce_sum3A_53 = tpu.scan <sum>, %scan3A_42#0 masked %reduce_sum3A_52 : vector<16xi32>, vector<16xi1> -> vector<16xi32>
      %reduce_sum3A_54 = vector.extract %reduce_sum3A_53[15] : i32 from vector<16xi32>
      %add3A_55 = arith.addi %scan3A_37, %reduce_sum3A_54 : i32
      scf.yield %add3A_55 : i32
    }
    %scan3A_28 = arith.constant 128 : i32
    %scan3A_29 = arith.constant 0 : i32
    %scan3A_30 = arith.constant 0 : i32
    %scan3A_31 = arith.constant 8 : i32
    %scan3A_32 = arith.addi %scan3A_30, %scan3A_31 : i32
    %scan3A_33 = arith.constant 1 : i32
    %scan3A_34 = scf.for %scan3A_36 = %scan3A_30 to %scan3A_32 step %scan3A_33 iter_args(%scan3A_37 = %scan3A_29) -> (i32)  : i32 {
      %mul3A_38 = arith.constant 8192 : i32
      %mul3A_39 = arith.muli %scan3A_36, %mul3A_38 : i32
      %add3A_40 = arith.addi %add3A, %mul3A_39 : i32
      "tpu.region"() ({
        %run_scoped3A = tpu.sem_alloc : memref<!tpu.dma_semaphore, #tpu.memory_space<semaphore_mem>>
        %dma_start3A_51 = tpu.memref_slice %arg2[%add3A_40] : memref<2097152xi32, #tpu.memory_space<hbm>> -> memref<8192xi32, #tpu.memory_space<hbm>>
        %dma_start3A_52 = tpu.memref_slice %arg2[%add3A_40] : memref<2097152xi32, #tpu.memory_space<hbm>> -> memref<8192xi32, #tpu.memory_space<hbm>>
        tpu.enqueue_dma source(%dma_start3A_52 : memref<8192xi32, #tpu.memory_space<hbm>>) target(%arg6 : memref<8192xi32, #tpu.memory_space<vmem>>) target_semaphore(%run_scoped3A : memref<!tpu.dma_semaphore, #tpu.memory_space<semaphore_mem>>)
        %dma_wait3A_53 = tpu.memref_slice %arg2[%add3A_40] : memref<2097152xi32, #tpu.memory_space<hbm>> -> memref<8192xi32, #tpu.memory_space<hbm>>
        %dma_wait3A_54 = tpu.memref_slice %arg2[%add3A_40] : memref<2097152xi32, #tpu.memory_space<hbm>> -> memref<8192xi32, #tpu.memory_space<hbm>>
        tpu.wait_dma2 semaphore(%run_scoped3A : memref<!tpu.dma_semaphore, #tpu.memory_space<semaphore_mem>>) src(%dma_wait3A_54 : memref<8192xi32, #tpu.memory_space<hbm>>) dst(%arg6 : memref<8192xi32, #tpu.memory_space<vmem>>)
        tpu.yield
      }) : () -> ()
      "tpu.region"() ({
        %run_scoped3A = tpu.sem_alloc : memref<!tpu.dma_semaphore, #tpu.memory_space<semaphore_mem>>
        %dma_start3A_51 = tpu.memref_slice %arg3[%add3A_40] : memref<2097152xi32, #tpu.memory_space<hbm>> -> memref<8192xi32, #tpu.memory_space<hbm>>
        %dma_start3A_52 = tpu.memref_slice %arg3[%add3A_40] : memref<2097152xi32, #tpu.memory_space<hbm>> -> memref<8192xi32, #tpu.memory_space<hbm>>
        tpu.enqueue_dma source(%dma_start3A_52 : memref<8192xi32, #tpu.memory_space<hbm>>) target(%arg7 : memref<8192xi32, #tpu.memory_space<vmem>>) target_semaphore(%run_scoped3A : memref<!tpu.dma_semaphore, #tpu.memory_space<semaphore_mem>>)
        %dma_wait3A_53 = tpu.memref_slice %arg3[%add3A_40] : memref<2097152xi32, #tpu.memory_space<hbm>> -> memref<8192xi32, #tpu.memory_space<hbm>>
        %dma_wait3A_54 = tpu.memref_slice %arg3[%add3A_40] : memref<2097152xi32, #tpu.memory_space<hbm>> -> memref<8192xi32, #tpu.memory_space<hbm>>
        tpu.wait_dma2 semaphore(%run_scoped3A : memref<!tpu.dma_semaphore, #tpu.memory_space<semaphore_mem>>) src(%dma_wait3A_54 : memref<8192xi32, #tpu.memory_space<hbm>>) dst(%arg7 : memref<8192xi32, #tpu.memory_space<vmem>>)
        tpu.yield
      }) : () -> ()
      %scan3A_41 = arith.constant 0 : i32
      %scan3A_42 = arith.constant 0 : i32
      %scan3A_43 = arith.constant 512 : i32
      %scan3A_44 = arith.addi %scan3A_42, %scan3A_43 : i32
      %scan3A_45 = arith.constant 1 : i32
      %scan3A_46 = scf.for %scan3A_51 = %scan3A_42 to %scan3A_44 step %scan3A_45 iter_args(%scan3A_52 = %scan3A_41) -> (i32)  : i32 {
        %mul3A_53 = arith.constant 16 : i32
        %mul3A_54 = arith.muli %scan3A_51, %mul3A_53 : i32
        %get3A = arith.index_cast %mul3A_54 : i32 to index
        %get3A_55 = tpu.vector_load %arg6[%get3A] {strides = array<i32>} : memref<8192xi32, #tpu.memory_space<vmem>>, vector<16xi32>,
        %broadcast_in_dim3A_56 = arith.constant 22 : i32
        %broadcast_in_dim3A_57 = vector.broadcast %broadcast_in_dim3A_56 : i32 to vector<16xi32>
        %shift_right_logical3A = arith.shrui %get3A_55, %broadcast_in_dim3A_57 : vector<16xi32>
        %broadcast_in_dim3A_58 = arith.constant 1023 : i32
        %broadcast_in_dim3A_59 = vector.broadcast %broadcast_in_dim3A_58 : i32 to vector<16xi32>
        %and3A = arith.andi %shift_right_logical3A, %broadcast_in_dim3A_59 : vector<16xi32>
        %broadcast_in_dim3A_60 = arith.constant true
        %broadcast_in_dim3A_61 = vector.broadcast %broadcast_in_dim3A_60 : i1 to vector<16xi1>
        %unique3A, %unique3A_62 = tpu.scan_count mask(%broadcast_in_dim3A_61 : vector<16xi1>) value(%and3A : vector<16xi32>) : vector<16xi1>, vector<16xi32>
        %gather3A = tpu.vector_load_idx %arg9[%and3A] : memref<2048xi32, #tpu.memory_space<vmem>>[vector<16xi32>], vector<16xi32>,
        %add3A_63 = arith.addi %gather3A, %unique3A_62 : vector<16xi32>
        %sub3A = arith.constant 1 : i32
        %sub3A_64 = vector.broadcast %sub3A : i32 to vector<16xi32>
        %sub3A_65 = arith.subi %add3A_63, %sub3A_64 : vector<16xi32>
        %add3A_66 = arith.addi %gather3A, %unique3A_62 : vector<16xi32>
        tpu.vector_store_idx %arg9[%and3A], %add3A_66 masked %unique3A : memref<2048xi32, #tpu.memory_space<vmem>>[vector<16xi32>], vector<16xi32>, vector<16xi1>
        %convert_element_type3A = arith.sitofp %sub3A_65 : vector<16xi32> to vector<16xf32>
        %mul3A_67 = arith.constant 16 : i32
        %mul3A_68 = arith.muli %scan3A_51, %mul3A_67 : i32
        %swap3A = arith.index_cast %mul3A_68 : i32 to index
        %swap3A_69 = tpu.vector_load %arg5[%swap3A] {strides = array<i32>} : memref<8192xf32, #tpu.memory_space<vmem>>, vector<16xf32>,
        tpu.vector_store %arg5[%swap3A], %convert_element_type3A {strides = array<i32>} : memref<8192xf32, #tpu.memory_space<vmem>>, vector<16xf32>,
        %mul3A_70 = arith.constant 16 : i32
        %mul3A_71 = arith.muli %scan3A_51, %mul3A_70 : i32
        %get3A_72 = arith.index_cast %mul3A_71 : i32 to index
        %get3A_73 = tpu.vector_load %arg7[%get3A_72] {strides = array<i32>} : memref<8192xi32, #tpu.memory_space<vmem>>, vector<16xi32>,
        %add3A_74 = vector.broadcast %mul3A_0 : i32 to vector<16xi32>
        %add3A_75 = arith.addi %get3A_73, %add3A_74 : vector<16xi32>
        %mul3A_76 = arith.constant 16 : i32
        %mul3A_77 = arith.muli %scan3A_51, %mul3A_76 : i32
        %swap3A_78 = arith.index_cast %mul3A_77 : i32 to index
        %swap3A_79 = tpu.vector_load %arg8[%swap3A_78] {strides = array<i32>} : memref<8192xi32, #tpu.memory_space<vmem>>, vector<16xi32>,
        tpu.vector_store %arg8[%swap3A_78], %add3A_75 {strides = array<i32>} : memref<8192xi32, #tpu.memory_space<vmem>>, vector<16xi32>,
        %scan3A_80 = arith.constant 0 : i32
        scf.yield %scan3A_80 : i32
      }
      %scan3A_47 = arith.constant 512 : i32
      %dma_start3A = arith.constant 0 : i32
      %dma_start3A_48 = tpu.memref_slice %arg4[%dma_start3A] : memref<2097152xf32, #tpu.memory_space<hbm>> -> memref<2097152xf32, #tpu.memory_space<hbm>>
      tpu.enqueue_indirect_dma source(%arg5 : memref<8192xf32, #tpu.memory_space<vmem>>) target(%dma_start3A_48 : memref<2097152xf32, #tpu.memory_space<hbm>>) offsets(%arg8 : memref<8192xi32, #tpu.memory_space<vmem>>) semaphore(%arg12 : memref<!tpu.dma_semaphore, #tpu.memory_space<semaphore_mem>>)
      %dma_wait3A = arith.constant 0 : i32
      %dma_wait3A_49 = tpu.memref_slice %arg4[%dma_wait3A] : memref<2097152xf32, #tpu.memory_space<hbm>> -> memref<2097152xf32, #tpu.memory_space<hbm>>
      tpu.wait_indirect_dma semaphore(%arg12 : memref<!tpu.dma_semaphore, #tpu.memory_space<semaphore_mem>>) src(%arg5 : memref<8192xf32, #tpu.memory_space<vmem>>) dst(%dma_wait3A_49 : memref<2097152xf32, #tpu.memory_space<hbm>>)
      %scan3A_50 = arith.constant 0 : i32
      scf.yield %scan3A_50 : i32
    }
    %scan3A_35 = arith.constant 8 : i32
    return
  }
}

</mosaic_0001>

<sc_bundles>
// kernel: kernel.12.cloned.1.call-start
scs
__scs_entry_jumppad:
0x0: {  	(pc) =	sbr.rel $0x88, $3  }
0x1: {  	(tag) =	ssettag $0x0;
	lr =	simm.s32 $0x1  }
0x2: {  	[smem:$0x3F9F] =	sst lr;
	_ =	strace $0xD0000000  }
0x3: {  	_ = 	snop  }
0x4: {  	_ = 	snop  }
0x5: {  	_ = 	snop  }
0x6: {  	_ = 	snop  }
0x7: {  	_ = 	snop  }
__scs_overlays_trampoline_lowered:
0x8: {  	[smem:$0x3FAE] =	sst s0  }
0x9: {  	[smem:$0x3FAF] =	sst s1  }
0xa: {  	[smem:$0x3FB0] =	sst s2  }
0xb: {  	[smem:$0x3FB1] =	sst s3  }
0xc: {  	[smem:$0x3FB2] =	sst s4  }
0xd: {  	[smem:$0x3FB3] =	sst s5  }
0xe: {  	[smem:$0x3FB4] =	sst s6  }
0xf: {  	[smem:$0x3FB5] =	sst s7  }
0x10: {  	[smem:$0x3FB6] =	sst s8  }
0x11: {  	[smem:$0x3FB7] =	sst s9;
	s0 =	simm.s32 @!p0 $0x0  }
0x12: {  	s1 =	sld [smem:$0x3F9D];
	s0 =	simm.s32 @p0 $0x1  }
0x13: {  	[smem:$0x3FB8] =	sst s0;
	s0 =	simm.s32 @!p1 $0x0  }
0x14: {  	s2 =	sld [smem:$0x3F9C];
	s0 =	simm.s32 @p1 $0x1  }
0x15: {  	[smem:$0x3FB9] =	sst s0;
	s0 =	simm.s32 @!p2 $0x0  }
0x16: {  	s3 =	sld [smem:$0x3FDB];
	s0 =	simm.s32 @p2 $0x1  }
0x17: {  	s4 =	simm.s32 $0x1BF5;
	[smem:$0x3FBB] =	sst s0  }
0x18: {  	s0 =	sld [smem:$0x3F9E];
	_ =	swait.ge [sflag:s4], $0x0  }
0x19: {  	s7 =	sld [smem:$0x3F9F]  }
0x1a: {  	s8 =	sadd.s32 $0xFFFFE003, lr  }
0x1b: {  	s9 =	sadd.s32 $0xFFFFFEF7, lr;
	s5 =	simm.s32 $0xFFFFFFFF;
	p2 =	slt.u32 s8, $0xFFFFF086  }
0x1c: {  	p1 =	slt.u32 s9, $0xF7A;
	s5 =	simm.s32 @!p2 $0x0  }
0x1d: {  	s5 =	simm.s32 @p1 $0x1;
	p0 =	seq.s32 s7, s2  }
0x1e: {  	s7 =	smul.u32 @!p0 $0xF7A, s2;
	p2 =	seq.s32 @!p0 s5, $0x0  }
0x1f: {  	s9 =	smul.u32 $0xF7A, s1;
	s8 =	simm.s32 @!p0 $0x1BF5;
	p2 =	por !p2, p0  }
0x20: {  	[sflag:s8] =	ssyncset.s32 @!p0 $0xFFFFF086;
	s6 =	sadd.s32 @!p0 s3, s7;
	s7 =	simm.s32 @!p0 $0x108  }
0x21: {  	s3 =	sadd.s32 s3, s9;
	s6 =	sadd.s32 @!p0 $0x88, s6;
	s7 =	simm.s32 @p2 $0x1082  }
0x22: {  	[simem:s7], [sflag:s8] =	dma.local @!p0 [hbm:s6], $0xF7A  }
0x23: {  	s9 =	sor.u32 $0xD0000000, s2;
	s6 =	simm.s32 $0x108;
	_ =	swait.ge @!p0 [sflag:s8], $0x0  }
0x24: {  	s3 =	sadd.s32 $0x88, s3;
	s6 =	simm.s32 @!p1 $0x1082;
	[sflag:s4] =	ssyncset.s32 $0xFFFFF086  }
0x25: {  	[simem:s6], [sflag:s4] =	dma.local [hbm:s3], $0xF7A  }
0x26: {  	[smem:$0x3F9F] =	sst s1;
	(tag) =	ssettag s2;
	_ =	strace s9  }
0x27: {  	s1 =	sld [smem:$0x3FAF]  }
0x28: {  	s2 =	sld [smem:$0x3FB0]  }
0x29: {  	s4 =	sld [smem:$0x3FB2]  }
0x2a: {  	p0 =	seq.s32 s5, $0x0;
	s5 =	sld [smem:$0x3FB3]  }
0x2b: {  	s6 =	sld [smem:$0x3FB4]  }
0x2c: {  	s7 =	sld [smem:$0x3FB5]  }
0x2d: {  	s3 =	simm.s32 $0x108;
	s8 =	sld [smem:$0x3FB6]  }
0x2e: {  	s3 =	simm.s32 @!p0 $0x1082;
	s9 =	sld [smem:$0x3FB7]  }
0x2f: {  	lr =	sadd.s32 s0, s3;
	s0 =	sld [smem:$0x3FAE]  }
0x30: {  	s3 =	sld [smem:$0x3FB1]  }
0x31: {  	[smem:$0x3FBA] =	sst s10  }
0x32: {  	s10 =	sld [smem:$0x3FB8];
	_ =	sdelay $0x3  }
0x33: {  	p0 =	seq.s32 s10, $0x1;
	s10 =	sld [smem:$0x3FBA];
	_ =	sdelay $0x3  }
0x34: {  	[smem:$0x3FBA] =	sst s10  }
0x35: {  	s10 =	sld [smem:$0x3FB9];
	_ =	sdelay $0x3  }
0x36: {  	p1 =	seq.s32 s10, $0x1;
	s10 =	sld [smem:$0x3FBA];
	_ =	sdelay $0x3  }
0x37: {  	[smem:$0x3FBA] =	sst s10  }
0x38: {  	s10 =	sld [smem:$0x3FBB]  }
0x39: {  	_ = 	snop;
	(pc) =	sbr.ind lr, $3  }
0x3a: {  	_ = 	snop  }
0x3b: {  	_ = 	snop  }
0x3c: {  	p2 =	seq.s32 s10, $0x1;
	s10 =	sld [smem:$0x3FBA]  }
0x3d: {  	_ =	shalt  }
0x3e: {  	_ =	shalt  }
0x3f: {  	_ =	shalt  }
0x40: {  	_ =	shalt  }
0x41: {  	_ =	shalt  }
0x42: {  	_ =	shalt  }
0x43: {  	_ =	shalt  }
0x44: {  	_ =	shalt  }
0x45: {  	_ =	shalt  }
0x46: {  	_ =	shalt  }
0x47: {  	_ =	shalt  }
0x48: {  	_ =	shalt  }
0x49: {  	_ =	shalt  }
0x4a: {  	_ =	shalt  }
0x4b: {  	_ =	shalt  }
0x4c: {  	_ =	shalt  }
0x4d: {  	_ =	shalt  }
0x4e: {  	_ =	shalt  }
0x4f: {  	_ =	shalt  }
0x50: {  	_ =	shalt  }
0x51: {  	_ =	shalt  }
0x52: {  	_ =	shalt  }
0x53: {  	_ =	shalt  }
0x54: {  	_ =	shalt  }
0x55: {  	_ =	shalt  }
0x56: {  	_ =	shalt  }
0x57: {  	_ =	shalt  }
0x58: {  	_ =	shalt  }
0x59: {  	_ =	shalt  }
0x5a: {  	_ =	shalt  }
0x5b: {  	_ =	shalt  }
0x5c: {  	_ =	shalt  }
0x5d: {  	_ =	shalt  }
0x5e: {  	_ =	shalt  }
0x5f: {  	_ =	shalt  }
0x60: {  	_ =	shalt  }
0x61: {  	_ =	shalt  }
0x62: {  	_ =	shalt  }
0x63: {  	_ =	shalt  }
0x64: {  	_ =	shalt  }
0x65: {  	_ =	shalt  }
0x66: {  	_ =	shalt  }
0x67: {  	_ =	shalt  }
0x68: {  	_ =	shalt  }
0x69: {  	_ =	shalt  }
0x6a: {  	_ =	shalt  }
0x6b: {  	_ =	shalt  }
0x6c: {  	_ =	shalt  }
0x6d: {  	_ =	shalt  }
0x6e: {  	_ =	shalt  }
0x6f: {  	_ =	shalt  }
0x70: {  	_ =	shalt  }
0x71: {  	_ =	shalt  }
0x72: {  	_ =	shalt  }
0x73: {  	_ =	shalt  }
0x74: {  	_ =	shalt  }
0x75: {  	_ =	shalt  }
0x76: {  	_ =	shalt  }
0x77: {  	_ =	shalt  }
0x78: {  	_ =	shalt  }
0x79: {  	_ =	shalt  }
0x7a: {  	_ =	shalt  }
0x7b: {  	_ =	shalt  }
0x7c: {  	_ =	shalt  }
0x7d: {  	_ =	shalt  }
0x7e: {  	_ =	shalt  }
0x7f: {  	_ =	shalt  }
0x80: {  	_ =	shalt  }
0x81: {  	_ =	shalt  }
0x82: {  	_ =	shalt  }
0x83: {  	_ =	shalt  }
0x84: {  	_ =	shalt  }
0x85: {  	_ =	shalt  }
0x86: {  	_ =	shalt  }
0x87: {  	_ =	shalt  }
.Lfunc_end0:
.L_simem_size_0:
called_computation.2_lowered:
.L_overlay_start_0:
0x88: {  	s2 =	sld [smem:$0x3FD9]  }
0x89: {  	s3 =	sld [smem:$0x3FFE];
	_ =	sdelay $0x1  }
0x8a: {  	s1 =	srdreg.scid  }
0x8b: {  	s0 =	sand.u32 $0x1, s1  }
0x8c: {  	s16 =	sshll.u32 s0, $0xA;
	s2 =	sadd.s32 s3, s2  }
0x8d: {  	s2 =	sadd.s32 s2, s16  }
0x8e: {  	[smem:$0x3FC6] =	sst s2  }
0x8f: {  	_ = 	snop  }
0x90: {  	(tm) =	ssettm $0x1  }
0x91: {  	s17 =	sld [smem:$0x3FFB];
	_ =	sdelay $0x3  }
0x92: {  	_ =	strace s17  }
0x93: {  	s2 =	sld [smem:$0x3FFC];
	_ =	sdelay $0x3  }
0x94: {  	_ =	strace s2  }
0x95: {  	s2 =	sld [smem:$0x3FFD];
	_ =	sdelay $0x3  }
0x96: {  	_ =	strace s2  }
0x97: {  	_ =	strace $0x8FFFFFFF  }
0x98: {  	s18 =	sld [smem:$0x3FDB];
	_ =	sdelay $0x1  }
0x99: {  	s19 =	simm.s32 $_scs_section_size  }
0x9a: {  	s4 =	simm.s32 $_size__tile_overlayer_lowered;
	s5 =	simm.s32 $_tile_overlayer_lowered  }
0x9b: {  	s22 =	simm.s32 $0x1BFF;
	s21 =	sshll.u32 s5, $0x1;
	s2 =	sadd.s32 s19, s18  }
0x9c: {  	s6 =	simm.s32 $0x0;
	s20 =	sshll.u32 s4, $0x1;
	s4 =	sadd.s32 s21, s2  }
0x9d: {  	[timem:s6], [sflag:s22] =	dma.local [hbm:s4], s20  }
0x9e: {  	_ =	swait.ge [sflag:s22], s20  }
0x9f: {  	s3 =	ssub.s32 $0x0, s20;
	[sflag:s22] =	ssyncset.done $0x0  }
0xa0: {  	[sflag:s22] =	ssyncadd.s32 s3;
	_ =	sdelay $0x1  }
0xa1: {  	s23 =	simm.s32 $0x1B8B  }
0xa2: {  	_ =	swait.ge [sflag:s23], $0x1  }
0xa3: {  	[sflag:s23] =	ssyncset.done $0x0  }
0xa4: {  	s25 =	simm.s32 $0x1B8E;
	s24 =	sld [smem:$0x3FFE];
	[sflag:s23] =	ssyncadd.s32 $0xFFFFFFFF  }
0xa5: {  	s26 =	simm.s32 $execute0_lowered;
	[smem:$0x3FD2] =	sst s25  }
0xa6: {  	s4 =	sshll.u32 s26, $0x1;
	_ =	strace $0x8000004C;
	[dreg:$0x1] =	wrdreg $0xFFFFFFFF  }
0xa7: {  	s28 =	simm.s32 $_size_execute0_lowered;
	s2 =	sadd.s32 s2, s4;
	[dreg:$0x0] =	wrdreg $0x0  }
0xa8: {  	s4 =	sshll.u32 s28, $0x1;
	[dreg:$0x2] =	wrdreg s2  }
0xa9: {  	[dreg:$0x3] =	wrdreg s4  }
0xaa: {  	[dreg:$0x4] =	wrdreg $0xC0  }
0xab: {  	_ =	task [dreg:s6], $0x5FFFF  }
0xac: {  	[dreg:$0x1] =	wrdreg $0xFFFFFFFF  }
0xad: {  	[dreg:$0x0] =	wrdreg $0x60  }
0xae: {  	[dreg:$0x2] =	wrdreg s24  }
0xaf: {  	[dreg:$0x3] =	wrdreg $0x108000  }
0xb0: {  	[dreg:$0x4] =	wrdreg $0x9  }
0xb1: {  	_ =	task.clear_ibuf [dreg:s6], $0x5FFFF;
	_ =	strace $0x9000004C  }
0xb2: {  	s29 =	simm.s32 $0x9;
	_ =	strace $0x8000004E  }
0xb3: {  	_ =	swait.ge [sflag:s29], $0x1  }
0xb4: {  	[sflag:s29] =	ssyncadd.s32 $0xFFFFFFFF  }
0xb5: {  	_ =	strace $0x9000004E  }
0xb6: {  	_ =	sfence  }
0xb7: {  	s30 =	sld [smem:$0x0];
	_ =	sdelay $0x2  }
0xb8: {  	s31 =	sshll.u32 s1, $0xD;
	s1 =	sshrl.u32 s1, $0x2  }
0xb9: {  	s3 =	sand.u32 $0x4000, s31;
	s1 =	sadd.s32 s1, s30  }
0xba: {  	s0 =	sor.u32 s3, s0;
	s1 =	sshll.u32 s1, $0x11  }
0xbb: {  	s0 =	sor.u32 s1, s0  }
0xbc: {  	s0 =	sadd.s32 $0x8F2B, s0  }
0xbd: {  	[sflag:s0] =	ssyncadd.remote.s32 $0x1  }
0xbe: {  	_ =	sfence.sel $0xFFFF  }
0xbf: {  	[dreg:$0x0] =	wrdreg $0xFFFFFFFF;
	(pc) =	sbr.abs _section_cstart, $3  }
0xc0: {  	[dreg:$0x1] =	wrdreg $0xFFFFFFFF  }
0xc1: {  	_ =	task.clear_ibuf [dreg:s6], $0x2FFFF;
	_ =	strace $0x9FFFFFFF  }
0xc2: {  	(tm) =	ssettm $0x7FFFFFFF  }
0xc3: {  	_ =	shalt  }
tec
execute0_lowered:
.L_overlay_start_1:
0x0: {  	(tag) =	ssettag $0x1  }
0x1: {  	s3 =	rddreg [dreg:$0x0]  }
0x2: {  	s5 =	srdreg.scid;
	s2 =	sadd.s32 $0x1400, s3;
	s4 =	sadd.s32 $0xC1400, s3  }
0x3: {  	s7 =	sand.u32 $0x1, s5;
	s5 =	sadd.s32 $0x41400, s3;
	s3 =	stileid.u32  }
0x4: {  	s6 =	rddreg [dreg:$0x1];
	p1 =	sgt.u32 s3, $0x7  }
0x5: {  	s0 =	rddreg [dreg:$0x2];
	s1 =	simm.s32 $0x0;
	s19 =	simm.s32 @!p1 $0x0  }
0x6: {  	[smem:$0x7FF] =	sst s1;
	s19 =	simm.s32 @p1 $0x1;
	p1 =	sgt.u32 s3, $0x6  }
0x7: {  	_ =	strace $0x8000004D;
	[smem:$0x7F0] =	sst s19;
	s19 =	simm.s32 @!p1 $0x0  }
0x8: {  	s19 =	simm.s32 @p1 $0x1;
	p1 =	sgt.u32 s3, $0x5  }
0x9: {  	[smem:$0x7F1] =	sst s19;
	s19 =	simm.s32 @!p1 $0x0  }
0xa: {  	s19 =	simm.s32 @p1 $0x1;
	p1 =	sgt.u32 s3, $0x4  }
0xb: {  	s8 =	ssub.s32 $0x2, s7;
	[smem:$0x7F2] =	sst s19;
	s19 =	simm.s32 @!p1 $0x0  }
0xc: {  	s18 =	sshll.u32 s7, $0x14;
	s19 =	simm.s32 @p1 $0x1;
	p1 =	sgt.u32 s3, $0x3  }
0xd: {  	s7 =	sshll.u32 s7, $0xF;
	[smem:$0x7F3] =	sst s19;
	s19 =	simm.s32 @!p1 $0x0  }
0xe: {  	s10 =	sshll.u32 s3, $0x10;
	s19 =	simm.s32 @p1 $0x1;
	p1 =	sgt.u32 s3, $0x2  }
0xf: {  	s6 =	sadd.s32 s7, s6;
	s7 =	sor.u32 s10, s18;
	v0 =	vmov s18;
	s18 =	simm.s32 @!p1 $0x0  }
0x10: {  	s18 =	simm.s32 @p1 $0x1;
	p1 =	sgt.u32 s3, $0x1  }
0x11: {  	[smem:$0x7F5] =	sst s18;
	s18 =	simm.s32 @!p1 $0x0  }
0x12: {  	s12 =	simm.s32 $0x8000;
	s18 =	simm.s32 @p1 $0x1;
	p1 =	seq.s32 s3, $0x0  }
0x13: {  	s13 =	simm.s32 $0x8800;
	[smem:$0x7F6] =	sst s18;
	s18 =	simm.s32 @!p1 $0x0  }
0x14: {  	s15 =	simm.s32 $0x6000;
	p2 =	sgt.u32 s3, $0xD;
	s18 =	simm.s32 @p1 $0x1  }
0x15: {  	s16 =	simm.s32 $0x1;
	[smem:$0x7F7] =	sst s18;
	s18 =	simm.s32 @!p2 $0x0  }
0x16: {  	s17 =	simm.s32 $0x0;
	p3 =	sgt.u32 s3, $0xC;
	s18 =	simm.s32 @p2 $0x1  }
0x17: {  	s11 =	sshll.u32 s3, $0xB;
	[smem:$0x7F8] =	sst s18;
	s18 =	simm.s32 @!p3 $0x0  }
0x18: {  	p0 =	seq.s32 s3, $0xF;
	p6 =	sgt.u32 s3, $0xB;
	s18 =	simm.s32 @p3 $0x1  }
0x19: {  	s14 =	simm.s32 @!p0 $0x0;
	[smem:$0x7F9] =	sst s18;
	s18 =	simm.s32 @!p6 $0x0  }
0x1a: {  	s14 =	simm.s32 @p0 $0x1;
	p0 =	sgt.u32 s3, $0xA;
	s18 =	simm.s32 @p6 $0x1  }
0x1b: {  	p4 =	sgt.u32 s3, $0x9;
	[smem:$0x7FA] =	sst s18;
	s18 =	simm.s32 @!p0 $0x0  }
0x1c: {  	p5 =	sgt.u32 s3, $0x8;
	s9 =	sshrl.u32 s8, $0x1;
	s18 =	simm.s32 @p0 $0x1  }
0x1d: {  	s10 =	simm.s32 $0x2000;
	[smem:$0x7FB] =	sst s18;
	s18 =	simm.s32 @!p4 $0x0  }
0x1e: {  	s9 =	ssub.s32 s8, s9;
	[smem:$0x7EF] =	sst s14;
	s18 =	simm.s32 @p4 $0x1  }
0x1f: {  	s8 =	sadd.s32 s11, s6;
	[smem:$0x7FC] =	sst s18;
	s18 =	simm.s32 @!p5 $0x0  }
0x20: {  	s11 =	simm.s32 $0x2;
	[smem:$0x7F4] =	sst s19;
	s18 =	simm.s32 @p5 $0x1  }
0x21: {  	v1 =	vimm.s32 $0x0;
	s9 =	smax.u32 s9, $0x1;
	s14 =	simm.s32 $0x4000;
	[smem:$0x7FD] =	sst s18  }
.LBB2_1:
0x22: {  	s18 =	simm.s32 $0x40;
	s19 =	simm.s32 $0x0  }
.LBB2_2:
0x23: {  	p1 =	sne.s32 s18, $0x1FC0;
	[tilespmem:s19+$0x8000] =	vst v1;
	s19 =	smov.u32 s18;
	s18 =	sadd.s32 $0x40, s18  }
.Ltmp0:
0x24: {  	(pc) =	sbr.rel @p1 .LBB2_2-.Ltmp0, $2  }
0x25: {  	_ =	sdelay $0x2  }
0x26: {  	s19 =	sshra.s32 s19, $0x2  }
0x27: {  	[tilespmem:s19+$0x8000] =	vst v1;
	s18 =	simm.s32 $0x0;
	s19 =	simm.s32 $0x0  }
.LBB2_4:
0x28: {  	s20 =	sshll.u32 s19, $0xD  }
0x29: {  	s20 =	sadd.s32 s7, s20  }
0x2a: {  	s20 =	sshrl.u32 s20, $0x3  }
0x2b: {  	s20 =	sadd.s32 s2, s20  }
0x2c: {  	[tilespmem:s10], [sflag:$0x2] =	stream.linear.gather [hbm4b:s20+s18], $0x2000, $0x38;
	[tilespmem:$0x11800] =	vst v63  }
0x2d: {  	_ =	swait.ge [sflag:s11], $0x2000  }
0x2e: {  	[sflag:s11] =	ssyncset.done $0x0  }
0x2f: {  	s21 =	simm.s32 $0x0;
	s20 =	simm.s32 $0x40;
	[sflag:s11] =	ssyncadd.s32 $0xFFFFE000  }
.LBB2_5:
0x30: {  	p1 =	sne.s32 s20, $0x7FC0;
	v2 =	vld [tilespmem:s21+$0x2000];
	_ =	sdelay $0x4  }
0x31: {  	v2 =	vshrl.u32 v2, $0x16  }
0x32: {  	(xrf1) =	vunique.msk.u32 $0xffff, v2;
	_ =	sdelay $0xc  }
0x33: {  	v3 =	vld.idx.msk [tilespmem:v2+s12+$0x0], $0xffff  }
0x34: {  	_, v4, vm0 =	vpop (xrf1);
	_ =	sdelay $0x1  }
.Ltmp1:
0x35: {  	(pc) =	sbr.rel @p1 .LBB2_5-.Ltmp1, $3  }
0x36: {  	_ =	sdelay $0x1  }
0x37: {  	v3 =	vadd.s32 v3, v4  }
0x38: {  	s21 =	sshra.s32 s20, $0x2;
	s20 =	sadd.s32 $0x40, s20;
	[tilespmem:v2+s12+$0x0] =	vst.idx.msk vm0, v3  }
0x39: {  	v2 =	vld [tilespmem:s21+$0x2000];
	_ =	sdelay $0x4  }
0x3a: {  	v2 =	vshrl.u32 v2, $0x16  }
0x3b: {  	(xrf1) =	vunique.msk.u32 $0xffff, v2;
	_ =	sdelay $0xd  }
0x3c: {  	s19 =	sadd.s32 $0x1, s19;
	v3 =	vld.idx.msk [tilespmem:v2+s12+$0x0], $0xffff;
	_, v4, vm0 =	vpop (xrf1)  }
0x3d: {  	p1 =	sne.s32 s19, $0x8  }
.Ltmp2:
0x3e: {  	_ = 	snop;
	(pc) =	sbr.rel @p1 .LBB2_4-.Ltmp2, $3  }
0x3f: {  	_ =	sdelay $0x1  }
0x40: {  	v3 =	vadd.s32 v3, v4  }
0x41: {  	[tilespmem:v2+s12+$0x0] =	vst.idx.msk vm0, v3  }
0x42: {  	s19 =	simm.s32 $0x8000  }
0x43: {  	[spmem:s8] =	stream.linear.scatter [tilespmem:s19], [sflag:$0x2], $0x800, $0x38;
	[tilespmem:$0x11800] =	vst v63  }
0x44: {  	_ =	swait.ge [sflag:s11], $0x800  }
0x45: {  	[sflag:s11] =	ssyncset.done $0x0  }
0x46: {  	[sflag:s11] =	ssyncadd.s32 $0xFFFFF800  }
0x47: {  	[bflag:$0x0] =	sbarrier.arrive $0xFFFF  }
0x48: {  	[tilespmem:s13], [sflag:$0x2] =	stream.linear.gather [spmem:s6], $0x8000, $0x38;
	[tilespmem:$0x11800] =	vst v63  }
0x49: {  	_ =	swait.ge [sflag:s11], $0x8000  }
0x4a: {  	s18 =	simm.s32 $0x0;
	[sflag:s11] =	ssyncset.done $0x0  }
0x4b: {  	s20 =	sand.u32 $0x7F0, s18;
	[sflag:s11] =	ssyncadd.s32 $0xFFFF8000  }
0x4c: {  	v2 =	vld [tilespmem:s20+$0x8800]  }
0x4d: {  	v3 =	vld [tilespmem:s20+$0x9000]  }
0x4e: {  	v4 =	vld [tilespmem:s20+$0x9800]  }
0x4f: {  	v5 =	vld [tilespmem:s20+$0xA000]  }
0x50: {  	v6 =	vld [tilespmem:s20+$0xA800]  }
0x51: {  	v7 =	vld [tilespmem:s20+$0xB000]  }
0x52: {  	s21 =	sld [smem:$0x7F7];
	v9 =	vld [tilespmem:s20+$0xB800];
	v8 =	vadd.s32 v2, v3  }
0x53: {  	s25 =	sld [smem:$0x7F6];
	v10 =	vld [tilespmem:s20+$0xC000];
	v8 =	vadd.s32 v8, v4  }
0x54: {  	s26 =	sld [smem:$0x7F5];
	v11 =	vld [tilespmem:s20+$0xC800];
	v8 =	vadd.s32 v8, v5  }
0x55: {  	s28 =	sld [smem:$0x7F4];
	v12 =	vld [tilespmem:s20+$0xD000];
	v8 =	vadd.s32 v8, v6  }
0x56: {  	s29 =	sld [smem:$0x7F3];
	v13 =	vld [tilespmem:s20+$0xD800];
	p4 =	seq.s32 s21, $0x1;
	p0 =	seq.s32 s25, $0x1;
	v8 =	vadd.s32 v8, v7  }
0x57: {  	s30 =	sld [smem:$0x7F2];
	v14 =	vld [tilespmem:s20+$0xE000];
	p5 =	seq.s32 s26, $0x1;
	v2 =	vpsel p4, $0x0, v2;
	v3 =	vpsel !p0, $0x0, v3;
	v8 =	vadd.s32 v8, v9  }
0x58: {  	s31 =	sld [smem:$0x7F1];
	v15 =	vld [tilespmem:s20+$0xE800];
	p1 =	seq.s32 s28, $0x1;
	v2 =	vadd.s32 v2, v3;
	v3 =	vpsel !p5, $0x0, v4;
	v8 =	vadd.s32 v8, v10  }
0x59: {  	s21 =	sld [smem:$0x7F0];
	p5 =	seq.s32 s29, $0x1;
	v2 =	vadd.s32 v2, v3;
	v3 =	vpsel !p1, $0x0, v5;
	v4 =	vadd.s32 v8, v11;
	v8 =	vld [tilespmem:s20+$0xF000]  }
0x5a: {  	s22 =	sld [smem:$0x7FD];
	v5 =	vld [tilespmem:s20+$0xF800];
	v2 =	vadd.s32 v2, v3;
	v3 =	vpsel !p5, $0x0, v6;
	p5 =	seq.s32 s30, $0x1;
	v4 =	vadd.s32 v4, v12  }
0x5b: {  	s23 =	sld [smem:$0x7FC];
	p0 =	seq.s32 s31, $0x1;
	v6 =	vld [tilespmem:s20+$0x10000];
	v2 =	vadd.s32 v2, v3;
	v3 =	vpsel !p5, $0x0, v7;
	v4 =	vadd.s32 v4, v13  }
0x5c: {  	s24 =	sld [smem:$0x7FB];
	p1 =	seq.s32 s21, $0x1;
	v2 =	vadd.s32 v2, v3;
	v3 =	vpsel !p0, $0x0, v9;
	v4 =	vadd.s32 v4, v14  }
0x5d: {  	v2 =	vadd.s32 v2, v3;
	v3 =	vpsel !p1, $0x0, v10;
	p1 =	seq.s32 s22, $0x1;
	v4 =	vadd.s32 v4, v15  }
0x5e: {  	p5 =	seq.s32 s23, $0x1;
	v2 =	vadd.s32 v2, v3;
	v3 =	vpsel !p1, $0x0, v11;
	v4 =	vadd.s32 v4, v8  }
0x5f: {  	p0 =	seq.s32 s24, $0x1;
	v2 =	vadd.s32 v2, v3;
	v3 =	vpsel !p5, $0x0, v12;
	v4 =	vadd.s32 v4, v5  }
0x60: {  	v2 =	vadd.s32 v2, v3;
	v3 =	vpsel !p0, $0x0, v13;
	v4 =	vadd.s32 v4, v6  }
0x61: {  	s25 =	sld [smem:$0x7EF];
	v2 =	vadd.s32 v2, v3;
	v3 =	vpsel !p6, $0x0, v14;
	(xrf0) =	vadd.scan.msk.s32 $0xffff, v4  }
0x62: {  	v2 =	vadd.s32 v2, v3;
	v3 =	vpsel !p3, $0x0, v15  }
0x63: {  	v2 =	vadd.s32 v2, v3;
	v3 =	vpsel !p2, $0x0, v8;
	p2 =	por p6, p6;
	p6 =	por p3, p3  }
0x64: {  	p3 =	por p0, p0;
	p0 =	por p1, p1;
	p1 =	seq.s32 s25, $0x1;
	v2 =	vadd.s32 v2, v3;
	v3 =	vsub.s32 s18, v4  }
0x65: {  	v5 =	vpsel !p1, $0x0, v5  }
0x66: {  	v2 =	vadd.s32 v2, v5  }
0x67: {  	v2 =	vadd.s32 v2, v3;
	v3, _, _ =	vpop (xrf0)  }
0x68: {  	s26 =	simm.s32 $0x10;
	v2 =	vadd.s32 v3, v2  }
0x69: {  	s23 =	sand.u32 $0x7F0, s26;
	(v2sf) =	vpush v3, $0xF;
	[tilespmem:s19+$0x0] =	vst v2  }
0x6a: {  	v4 =	vld [tilespmem:s23+$0x8800]  }
0x6b: {  	v7 =	vld [tilespmem:s23+$0x9000]  }
0x6c: {  	v11 =	vld [tilespmem:s23+$0x9800]  }
0x6d: {  	v12 =	vld [tilespmem:s23+$0xA000]  }
0x6e: {  	v14 =	vld [tilespmem:s23+$0xA800]  }
0x6f: {  	v10 =	vld [tilespmem:s23+$0xB000]  }
0x70: {  	v9 =	vld [tilespmem:s23+$0xB800];
	v2 =	vadd.s32 v4, v7  }
0x71: {  	s28 =	sld [smem:$0x7F6];
	v8 =	vld [tilespmem:s23+$0xC000];
	v2 =	vadd.s32 v2, v11  }
0x72: {  	s29 =	sld [smem:$0x7F5];
	v6 =	vld [tilespmem:s23+$0xC800];
	v2 =	vadd.s32 v2, v12  }
0x73: {  	v5 =	vld [tilespmem:s23+$0xD000];
	v2 =	vadd.s32 v2, v14  }
0x74: {  	s31 =	sld [smem:$0x7F4];
	v3 =	vld [tilespmem:s23+$0xD800];
	v15 =	vpsel p4, $0x0, v4;
	p4 =	seq.s32 s28, $0x1;
	v2 =	vadd.s32 v2, v10  }
0x75: {  	s24 =	sld [smem:$0x7F3];
	v4 =	vld [tilespmem:s23+$0xE800];
	v7 =	vpsel !p4, $0x0, v7;
	p4 =	seq.s32 s29, $0x1;
	v13 =	vadd.s32 v2, v9  }
0x76: {  	v15 =	vadd.s32 v15, v7;
	v11 =	vpsel !p4, $0x0, v11;
	v7 =	vld [tilespmem:s23+$0xF000];
	v13 =	vadd.s32 v13, v8  }
0x77: {  	p4 =	seq.s32 s31, $0x1;
	v15 =	vadd.s32 v15, v11;
	v11 =	vld [tilespmem:s23+$0xF800];
	v13 =	vadd.s32 v13, v6  }
0x78: {  	v12 =	vpsel !p4, $0x0, v12;
	p4 =	seq.s32 s24, $0x1;
	v2 =	vld [tilespmem:s23+$0xE000];
	s30 =	spop (v2sf);
	v16 =	vadd.s32 v13, v5  }
0x79: {  	s21 =	simm.s32 $0x20;
	s22 =	simm.s32 $0x30;
	v13 =	vadd.s32 v15, v12;
	v15 =	vpsel !p4, $0x0, v14;
	v12 =	vld [tilespmem:s23+$0x10000];
	s20 =	sadd.s32 $0x0, s30;
	v14 =	vadd.s32 v16, v3  }
.LBB2_8:
0x7a: {  	s23 =	sld [smem:$0x7F2]  }
0x7b: {  	s30 =	sld [smem:$0x7F1]  }
0x7c: {  	s31 =	sld [smem:$0x7F0]  }
0x7d: {  	p4 =	seq.s32 s23, $0x1  }
0x7e: {  	v13 =	vadd.s32 v13, v15;
	v10 =	vpsel !p4, $0x0, v10;
	v14 =	vadd.s32 v14, v2;
	p4 =	seq.s32 s30, $0x1  }
0x7f: {  	v10 =	vadd.s32 v13, v10;
	v9 =	vpsel !p4, $0x0, v9;
	v13 =	vadd.s32 v14, v4;
	p4 =	seq.s32 s31, $0x1  }
0x80: {  	v9 =	vadd.s32 v10, v9;
	v8 =	vpsel !p4, $0x0, v8;
	v10 =	vadd.s32 v13, v7  }
0x81: {  	v6 =	vpsel !p0, $0x0, v6;
	s24 =	sld [smem:$0x7EF];
	v8 =	vadd.s32 v9, v8;
	v9 =	vadd.s32 v10, v11  }
0x82: {  	v5 =	vpsel !p5, $0x0, v5;
	s25 =	sld [smem:$0x7F8];
	v6 =	vadd.s32 v8, v6;
	v8 =	vadd.s32 v9, v12  }
0x83: {  	v3 =	vpsel !p3, $0x0, v3;
	v5 =	vadd.s32 v6, v5;
	(xrf0) =	vadd.scan.msk.s32 $0xffff, v8  }
0x84: {  	v2 =	vpsel !p2, $0x0, v2;
	p4 =	seq.s32 s24, $0x1;
	v3 =	vadd.s32 v5, v3  }
0x85: {  	v6 =	vpsel !p4, $0x0, v11;
	p4 =	seq.s32 s25, $0x1;
	v2 =	vadd.s32 v3, v2;
	v3 =	vpsel !p6, $0x0, v4  }
0x86: {  	v2 =	vadd.s32 v2, v3;
	v3 =	vpsel !p4, $0x0, v7  }
0x87: {  	v2 =	vadd.s32 v2, v3  }
0x88: {  	v4 =	vsub.s32 s20, v8;
	v2 =	vadd.s32 v2, v6  }
0x89: {  	v2 =	vadd.s32 v2, v4;
	v3, _, _ =	vpop (xrf0)  }
0x8a: {  	s19 =	sadd.s32 $0x10, s19;
	v2 =	vadd.s32 v3, v2  }
0x8b: {  	s26 =	sand.u32 $0x7F0, s21;
	(v2sf) =	vpush v3, $0xF;
	[tilespmem:s19+$0x0] =	vst v2  }
0x8c: {  	v4 =	vld [tilespmem:s26+$0x8800]  }
0x8d: {  	v7 =	vld [tilespmem:s26+$0x9000]  }
0x8e: {  	v11 =	vld [tilespmem:s26+$0x9800]  }
0x8f: {  	v12 =	vld [tilespmem:s26+$0xA000]  }
0x90: {  	v14 =	vld [tilespmem:s26+$0xA800]  }
0x91: {  	v10 =	vld [tilespmem:s26+$0xB000]  }
0x92: {  	s24 =	sld [smem:$0x7F7];
	v9 =	vld [tilespmem:s26+$0xB800];
	v2 =	vadd.s32 v4, v7  }
0x93: {  	s28 =	sld [smem:$0x7F6];
	v8 =	vld [tilespmem:s26+$0xC000];
	v2 =	vadd.s32 v2, v11  }
0x94: {  	s29 =	sld [smem:$0x7F5];
	v6 =	vld [tilespmem:s26+$0xC800];
	v2 =	vadd.s32 v2, v12  }
0x95: {  	p4 =	seq.s32 s24, $0x1;
	v5 =	vld [tilespmem:s26+$0xD000];
	v2 =	vadd.s32 v2, v14  }
0x96: {  	p1 =	sne.s32 s22, $0x7F0;
	s25 =	sld [smem:$0x7F4];
	v3 =	vld [tilespmem:s26+$0xD800];
	v15 =	vpsel p4, $0x0, v4;
	p4 =	seq.s32 s28, $0x1;
	v2 =	vadd.s32 v2, v10  }
.Ltmp3:
0x97: {  	s31 =	sld [smem:$0x7F3];
	v4 =	vld [tilespmem:s26+$0xE800];
	v7 =	vpsel !p4, $0x0, v7;
	p4 =	seq.s32 s29, $0x1;
	v13 =	vadd.s32 v2, v9;
	(pc) =	sbr.rel @p1 .LBB2_8-.Ltmp3, $4  }
0x98: {  	v15 =	vadd.s32 v15, v7;
	v11 =	vpsel !p4, $0x0, v11;
	v7 =	vld [tilespmem:s26+$0xF000];
	v13 =	vadd.s32 v13, v8  }
0x99: {  	p4 =	seq.s32 s25, $0x1;
	v15 =	vadd.s32 v15, v11;
	v11 =	vld [tilespmem:s26+$0xF800];
	v13 =	vadd.s32 v13, v6  }
0x9a: {  	v12 =	vpsel !p4, $0x0, v12;
	p4 =	seq.s32 s31, $0x1;
	v2 =	vld [tilespmem:s26+$0xE000];
	s30 =	spop (v2sf);
	v16 =	vadd.s32 v13, v5  }
0x9b: {  	s21 =	smov.u32 s22;
	s22 =	sadd.s32 $0x10, s22;
	v13 =	vadd.s32 v15, v12;
	v15 =	vpsel !p4, $0x0, v14;
	v12 =	vld [tilespmem:s26+$0x10000];
	s20 =	sadd.s32 s20, s30;
	v14 =	vadd.s32 v16, v3  }
0x9c: {  	s22 =	sld [smem:$0x7F2]  }
0x9d: {  	s24 =	sld [smem:$0x7F1]  }
0x9e: {  	s25 =	sld [smem:$0x7F0]  }
0x9f: {  	p1 =	seq.s32 s22, $0x1  }
0xa0: {  	v13 =	vadd.s32 v13, v15;
	p4 =	seq.s32 s24, $0x1;
	v10 =	vpsel !p1, $0x0, v10  }
0xa1: {  	v14 =	vadd.s32 v14, v2;
	v9 =	vpsel !p4, $0x0, v9;
	p4 =	seq.s32 s25, $0x1;
	v10 =	vadd.s32 v13, v10  }
0xa2: {  	v45 =	vadd.s32 v14, v4;
	v8 =	vpsel !p4, $0x0, v8;
	v9 =	vadd.s32 v10, v9  }
0xa3: {  	v6 =	vpsel !p0, $0x0, v6;
	v46 =	vadd.s32 v45, v7;
	v8 =	vadd.s32 v9, v8  }
0xa4: {  	v5 =	vpsel !p5, $0x0, v5;
	s26 =	sld [smem:$0x7F8];
	v47 =	vadd.s32 v46, v11;
	v6 =	vadd.s32 v8, v6  }
0xa5: {  	v3 =	vpsel !p3, $0x0, v3;
	v48 =	vadd.s32 v47, v12;
	v5 =	vadd.s32 v6, v5  }
0xa6: {  	s28 =	sld [smem:$0x7EF];
	v2 =	vpsel !p2, $0x0, v2;
	(xrf0) =	vadd.scan.msk.s32 $0xffff, v48;
	v3 =	vadd.s32 v5, v3  }
0xa7: {  	p4 =	por p3, p3;
	p3 =	seq.s32 s26, $0x1;
	v2 =	vadd.s32 v3, v2;
	v3 =	vpsel !p6, $0x0, v4  }
0xa8: {  	v2 =	vadd.s32 v2, v3;
	v3 =	vpsel !p3, $0x0, v7  }
0xa9: {  	p1 =	seq.s32 s28, $0x1;
	v2 =	vadd.s32 v2, v3;
	v3 =	vsub.s32 s20, v48  }
0xaa: {  	v49 =	vpsel !p1, $0x0, v11  }
0xab: {  	v2 =	vadd.s32 v2, v49  }
0xac: {  	v2 =	vadd.s32 v2, v3;
	v3, _, _ =	vpop (xrf0)  }
0xad: {  	s19 =	sadd.s32 $0x10, s19;
	v2 =	vadd.s32 v3, v2  }
0xae: {  	s21 =	sand.u32 $0x7F0, s21;
	[tilespmem:s19+$0x0] =	vst v2  }
0xaf: {  	v2 =	vld [tilespmem:s21+$0x8800]  }
0xb0: {  	v50 =	vld [tilespmem:s21+$0x9000]  }
0xb1: {  	v51 =	vld [tilespmem:s21+$0x9800]  }
0xb2: {  	v52 =	vld [tilespmem:s21+$0xA000]  }
0xb3: {  	v53 =	vld [tilespmem:s21+$0xA800]  }
0xb4: {  	v54 =	vld [tilespmem:s21+$0xB000]  }
0xb5: {  	v56 =	vld [tilespmem:s21+$0xB800];
	v55 =	vadd.s32 v2, v50  }
0xb6: {  	v57 =	vld [tilespmem:s21+$0xC000];
	v9 =	vadd.s32 v55, v51  }
0xb7: {  	v58 =	vld [tilespmem:s21+$0xC800];
	v9 =	vadd.s32 v9, v52  }
0xb8: {  	v59 =	vld [tilespmem:s21+$0xD000];
	v9 =	vadd.s32 v9, v53  }
0xb9: {  	v60 =	vld [tilespmem:s21+$0xD800];
	v9 =	vadd.s32 v9, v54  }
0xba: {  	v61 =	vld [tilespmem:s21+$0xE000];
	v9 =	vadd.s32 v9, v56  }
0xbb: {  	v16 =	vld [tilespmem:s21+$0xE800];
	v9 =	vadd.s32 v9, v57  }
0xbc: {  	v17 =	vld [tilespmem:s21+$0xF000];
	v9 =	vadd.s32 v9, v58  }
0xbd: {  	v18 =	vld [tilespmem:s21+$0xF800];
	v9 =	vadd.s32 v9, v59  }
0xbe: {  	v19 =	vld [tilespmem:s21+$0x10000];
	v9 =	vadd.s32 v9, v60  }
0xbf: {  	v9 =	vadd.s32 v9, v61  }
0xc0: {  	v9 =	vadd.s32 v9, v16  }
0xc1: {  	v9 =	vadd.s32 v9, v17  }
0xc2: {  	v9 =	vadd.s32 v9, v18  }
0xc3: {  	v9 =	vadd.s32 v9, v19  }
0xc4: {  	s29 =	sld [smem:$0x7F7];
	(xrf0) =	vadd.scan.msk.s32 $0xffff, v9  }
0xc5: {  	s30 =	sld [smem:$0x7F6]  }
0xc6: {  	s31 =	sld [smem:$0x7F5];
	(v2sf) =	vpush v3, $0xF  }
0xc7: {  	s22 =	sld [smem:$0x7F4];
	p1 =	seq.s32 s29, $0x1  }
0xc8: {  	s23 =	sld [smem:$0x7F3];
	v2 =	vpsel p1, $0x0, v2;
	p1 =	seq.s32 s30, $0x1  }
0xc9: {  	s24 =	sld [smem:$0x7F2];
	v3 =	vpsel !p1, $0x0, v50;
	p1 =	seq.s32 s31, $0x1  }
0xca: {  	s25 =	sld [smem:$0x7F1];
	v2 =	vadd.s32 v2, v3;
	v3 =	vpsel !p1, $0x0, v51;
	p1 =	seq.s32 s22, $0x1;
	v62, _, _ =	vpop (xrf0)  }
0xcb: {  	s26 =	sld [smem:$0x7F0];
	v2 =	vadd.s32 v2, v3;
	v3 =	vpsel !p1, $0x0, v52;
	p1 =	seq.s32 s23, $0x1;
	(v2sf) =	vpush v62, $0xF  }
0xcc: {  	v2 =	vadd.s32 v2, v3;
	v3 =	vpsel !p1, $0x0, v53;
	p1 =	seq.s32 s24, $0x1  }
0xcd: {  	v2 =	vadd.s32 v2, v3;
	v3 =	vpsel !p1, $0x0, v54;
	p1 =	seq.s32 s25, $0x1  }
0xce: {  	v2 =	vadd.s32 v2, v3;
	v3 =	vpsel !p1, $0x0, v56;
	p1 =	seq.s32 s26, $0x1  }
0xcf: {  	v2 =	vadd.s32 v2, v3;
	v3 =	vpsel !p1, $0x0, v57  }
0xd0: {  	v2 =	vadd.s32 v2, v3;
	v3 =	vpsel !p0, $0x0, v58  }
0xd1: {  	v2 =	vadd.s32 v2, v3;
	v3 =	vpsel !p5, $0x0, v59  }
0xd2: {  	s30 =	sld [smem:$0x7EF];
	v2 =	vadd.s32 v2, v3;
	v3 =	vpsel !p4, $0x0, v60  }
0xd3: {  	v2 =	vadd.s32 v2, v3;
	v3 =	vpsel !p2, $0x0, v61  }
0xd4: {  	v2 =	vadd.s32 v2, v3;
	v3 =	vpsel !p6, $0x0, v16  }
0xd5: {  	s28 =	spop (v2sf);
	p6 =	seq.s32 s30, $0x1;
	v2 =	vadd.s32 v2, v3;
	v3 =	vpsel !p3, $0x0, v17  }
0xd6: {  	s29 =	sadd.s32 s20, s28;
	v63 =	vpsel !p6, $0x0, v18;
	v2 =	vadd.s32 v2, v3  }
0xd7: {  	v2 =	vadd.s32 v2, v63;
	v3 =	vsub.s32 s29, v9  }
0xd8: {  	v2 =	vadd.s32 v2, v3  }
0xd9: {  	s19 =	sadd.s32 $0x10, s19;
	v2 =	vadd.s32 v62, v2  }
0xda: {  	[tilespmem:s19+$0x0] =	vst v2;
	s31 =	spop (v2sf)  }
.LBB2_10:
0xdb: {  	s19 =	sshll.u32 s18, $0xD  }
0xdc: {  	s19 =	sadd.s32 s7, s19  }
0xdd: {  	s19 =	sshrl.u32 s19, $0x3  }
0xde: {  	s21 =	simm.s32 $0x0;
	s20 =	sadd.s32 s2, s19  }
0xdf: {  	[tilespmem:s10], [sflag:$0x2] =	stream.linear.gather [hbm4b:s20+s21], $0x2000, $0x38;
	[tilespmem:$0x11800] =	vst v63  }
0xe0: {  	_ =	swait.ge [sflag:s11], $0x2000  }
0xe1: {  	[sflag:s11] =	ssyncset.done $0x0  }
0xe2: {  	s19 =	sadd.s32 s4, s19;
	[sflag:s11] =	ssyncadd.s32 $0xFFFFE000  }
0xe3: {  	[tilespmem:s14], [sflag:$0x2] =	stream.linear.gather [hbm4b:s19+s21], $0x2000, $0x38;
	[tilespmem:$0x11800] =	vst v63  }
0xe4: {  	_ =	swait.ge [sflag:s11], $0x2000  }
0xe5: {  	[sflag:s11] =	ssyncset.done $0x0  }
0xe6: {  	s19 =	simm.s32 $0x0;
	[sflag:s11] =	ssyncadd.s32 $0xFFFFE000  }
0xe7: {  	v2 =	vld [tilespmem:s19+$0x2000];
	_ =	sdelay $0x4  }
0xe8: {  	v2 =	vshrl.u32 v2, $0x16  }
0xe9: {  	(xrf1) =	vunique.msk.u32 $0xffff, v2;
	_ =	sdelay $0xd  }
0xea: {  	v3 =	vld.idx.msk [tilespmem:v2+s12+$0x0], $0xffff;
	_, v4, vm0 =	vpop (xrf1);
	_ =	sdelay $0x4  }
0xeb: {  	v3 =	vadd.s32 v3, v4  }
0xec: {  	s21 =	simm.s32 $0x10;
	[tilespmem:v2+s12+$0x0] =	vst.idx.msk vm0, v3  }
0xed: {  	v3 =	vadd.s32 $0xFFFFFFFF, v3;
	v2 =	vld [tilespmem:s21+$0x2000]  }
0xee: {  	v4 =	vcvt.s32.f32 v3;
	v3 =	vld [tilespmem:s19+$0x4000];
	_ =	sdelay $0x3  }
0xef: {  	s20 =	simm.s32 $0x80;
	[tilespmem:s19+$0x0] =	vst v4;
	v2 =	vshrl.u32 v2, $0x16  }
.LBB2_11:
0xf0: {  	p1 =	sne.s32 s20, $0x7FC0;
	(xrf1) =	vunique.msk.u32 $0xffff, v2;
	v3 =	vadd.s32 v0, v3;
	s22 =	smov.u32 s20;
	s20 =	sadd.s32 $0x40, s20  }
0xf1: {  	[tilespmem:s19+$0x6000] =	vst v3;
	s19 =	smov.u32 s21;
	_ =	sdelay $0xb  }
0xf2: {  	v3 =	vld.idx.msk [tilespmem:v2+s12+$0x0], $0xffff  }
0xf3: {  	_, v4, vm0 =	vpop (xrf1);
	_ =	sdelay $0x4  }
0xf4: {  	v3 =	vadd.s32 v3, v4  }
0xf5: {  	s21 =	sshra.s32 s22, $0x2;
	v4 =	vadd.s32 $0xFFFFFFFF, v3;
	[tilespmem:v2+s12+$0x0] =	vst.idx.msk vm0, v3  }
0xf6: {  	v4 =	vcvt.s32.f32 v4;
	v2 =	vld [tilespmem:s21+$0x2000]  }
.Ltmp4:
0xf7: {  	v3 =	vld [tilespmem:s19+$0x4000];
	(pc) =	sbr.rel @p1 .LBB2_11-.Ltmp4, $2  }
0xf8: {  	[tilespmem:s19+$0x0] =	vst v4;
	_ =	sdelay $0x2  }
0xf9: {  	v2 =	vshrl.u32 v2, $0x16  }
0xfa: {  	(xrf1) =	vunique.msk.u32 $0xffff, v2;
	_ =	sdelay $0xb  }
0xfb: {  	v3 =	vadd.s32 v0, v3  }
0xfc: {  	[tilespmem:s19+$0x6000] =	vst v3  }
0xfd: {  	v3 =	vld.idx.msk [tilespmem:v2+s12+$0x0], $0xffff;
	_, v4, vm0 =	vpop (xrf1);
	_ =	sdelay $0x4  }
0xfe: {  	v3 =	vadd.s32 v3, v4  }
0xff: {  	[tilespmem:v2+s12+$0x0] =	vst.idx.msk vm0, v3  }
0x100: {  	v2 =	vld [tilespmem:s21+$0x4000];
	_ =	sdelay $0x1  }
0x101: {  	v3 =	vadd.s32 $0xFFFFFFFF, v3  }
0x102: {  	v3 =	vcvt.s32.f32 v3  }
0x103: {  	s18 =	sadd.s32 $0x1, s18  }
0x104: {  	p1 =	sne.s32 s18, $0x8;
	[tilespmem:s21+$0x0] =	vst v3;
	v2 =	vadd.s32 v0, v2  }
.Ltmp5:
0x105: {  	[tilespmem:s21+$0x6000] =	vst v2;
	(pc) =	sbr.rel @p1 .LBB2_10-.Ltmp5, $4  }
0x106: {  	[hbm4b:s5+s10] =	stream.indirect.scatter [tilespmem:s1], [sflag:$0x1], $0x1, s15, s10, $0xb8;
	[tilespmem:$0x11800] =	vst v63  }
0x107: {  	_ =	swait.ge [sflag:s16], $0x2000  }
0x108: {  	[sflag:s16] =	ssyncset.done $0x0  }
0x109: {  	[sflag:s16] =	ssyncadd.s32 $0xFFFFE000  }
0x10a: {  	s17 =	sadd.s32 $0x1, s17  }
0x10b: {  	s18 =	sld [smem:$0x7F8];
	p1 =	sne.s32 s17, s9  }
.Ltmp6:
0x10c: {  	s30 =	sld [smem:$0x7F9];
	(pc) =	sbr.rel @p1 .LBB2_1-.Ltmp6, $2  }
0x10d: {  	s31 =	sld [smem:$0x7FA];
	_ =	sdelay $0x2  }
0x10e: {  	p2 =	seq.s32 s18, $0x1;
	p3 =	seq.s32 s30, $0x1;
	p6 =	seq.s32 s31, $0x1  }
0x10f: {  	_ =	sfence.sel $0x180000  }
0x110: {  	[bflag:$0x0] =	sbarrier.arrive $0xFFFF  }
0x111: {  	p0 =	sne.s32 s3, $0x0;
	_ =	strace $0x9000004D  }
0x112: {  	s0 =	sadd.s32 @!p0 $0x100000, s0;
	[bflag:$0x2] =	sbarrier.arrive $0xFFFF  }
0x113: {  	[sflag:s0] =	ssyncadd.tile.s32 @!p0 $0x1;
	_ =	shalt  }
.Lfunc_end2:
_tile_overlayer_lowered:
.L_overlay_start_2:
0x114: {  	(tag) =	ssettag $0x2  }
0x115: {  	s0 =	rddreg [dreg:$0x0];
	s2 =	stileid.u32  }
0x116: {  	s1 =	rddreg [dreg:$0x1];
	p0 =	sne.s32 s2, $0x0  }
0x117: {  	s3 =	rddreg [dreg:$0x2];
	[bflag:$0x3] =	sbarrier.arrive $0xFFFF;
	s2 =	simm.s32 @!p0 $0x1C02  }
0x118: {  	[timem:s3], [sflag:s2] =	dma.local @!p0 [hbm:s0], s1  }
0x119: {  	s0 =	simm.s32 @!p0 $0x2  }
0x11a: {  	_ =	swait.ge @!p0 [sflag:s0], s1  }
0x11b: {  	s1 =	ssub.s32 @!p0 $0x0, s1;
	[sflag:s0] =	ssyncset.done @!p0 $0x0  }
0x11c: {  	[sflag:s0] =	ssyncadd.s32 @!p0 s1  }
0x11d: {  	[bflag:$0x3] =	sbarrier.arrive $0xFFFF  }
0x11e: {  	_ =	shalt  }

// kernel: kernel.15.cloned.1.call-start
scs
__scs_entry_jumppad:
0x0: {  	(pc) =	sbr.rel $0x88, $3  }
0x1: {  	(tag) =	ssettag $0x0;
	lr =	simm.s32 $0x1  }
0x2: {  	[smem:$0x3F9F] =	sst lr;
	_ =	strace $0xD0000000  }
0x3: {  	_ = 	snop  }
0x4: {  	_ = 	snop  }
0x5: {  	_ = 	snop  }
0x6: {  	_ = 	snop  }
0x7: {  	_ = 	snop  }
__scs_overlays_trampoline_lowered:
0x8: {  	[smem:$0x3FAE] =	sst s0  }
0x9: {  	[smem:$0x3FAF] =	sst s1  }
0xa: {  	[smem:$0x3FB0] =	sst s2  }
0xb: {  	[smem:$0x3FB1] =	sst s3  }
0xc: {  	[smem:$0x3FB2] =	sst s4  }
0xd: {  	[smem:$0x3FB3] =	sst s5  }
0xe: {  	[smem:$0x3FB4] =	sst s6  }
0xf: {  	[smem:$0x3FB5] =	sst s7  }
0x10: {  	[smem:$0x3FB6] =	sst s8  }
0x11: {  	[smem:$0x3FB7] =	sst s9;
	s0 =	simm.s32 @!p0 $0x0  }
0x12: {  	s1 =	sld [smem:$0x3F9D];
	s0 =	simm.s32 @p0 $0x1  }
0x13: {  	[smem:$0x3FB8] =	sst s0;
	s0 =	simm.s32 @!p1 $0x0  }
0x14: {  	s2 =	sld [smem:$0x3F9C];
	s0 =	simm.s32 @p1 $0x1  }
0x15: {  	[smem:$0x3FB9] =	sst s0;
	s0 =	simm.s32 @!p2 $0x0  }
0x16: {  	s3 =	sld [smem:$0x3FDB];
	s0 =	simm.s32 @p2 $0x1  }
0x17: {  	s4 =	simm.s32 $0x1BF5;
	[smem:$0x3FBB] =	sst s0  }
0x18: {  	s0 =	sld [smem:$0x3F9E];
	_ =	swait.ge [sflag:s4], $0x0  }
0x19: {  	s7 =	sld [smem:$0x3F9F]  }
0x1a: {  	s8 =	sadd.s32 $0xFFFFE003, lr  }
0x1b: {  	s9 =	sadd.s32 $0xFFFFFEF7, lr;
	s5 =	simm.s32 $0xFFFFFFFF;
	p2 =	slt.u32 s8, $0xFFFFF086  }
0x1c: {  	p1 =	slt.u32 s9, $0xF7A;
	s5 =	simm.s32 @!p2 $0x0  }
0x1d: {  	s5 =	simm.s32 @p1 $0x1;
	p0 =	seq.s32 s7, s2  }
0x1e: {  	s7 =	smul.u32 @!p0 $0xF7A, s2;
	p2 =	seq.s32 @!p0 s5, $0x0  }
0x1f: {  	s9 =	smul.u32 $0xF7A, s1;
	s8 =	simm.s32 @!p0 $0x1BF5;
	p2 =	por !p2, p0  }
0x20: {  	[sflag:s8] =	ssyncset.s32 @!p0 $0xFFFFF086;
	s6 =	sadd.s32 @!p0 s3, s7;
	s7 =	simm.s32 @!p0 $0x108  }
0x21: {  	s3 =	sadd.s32 s3, s9;
	s6 =	sadd.s32 @!p0 $0x88, s6;
	s7 =	simm.s32 @p2 $0x1082  }
0x22: {  	[simem:s7], [sflag:s8] =	dma.local @!p0 [hbm:s6], $0xF7A  }
0x23: {  	s9 =	sor.u32 $0xD0000000, s2;
	s6 =	simm.s32 $0x108;
	_ =	swait.ge @!p0 [sflag:s8], $0x0  }
0x24: {  	s3 =	sadd.s32 $0x88, s3;
	s6 =	simm.s32 @!p1 $0x1082;
	[sflag:s4] =	ssyncset.s32 $0xFFFFF086  }
0x25: {  	[simem:s6], [sflag:s4] =	dma.local [hbm:s3], $0xF7A  }
0x26: {  	[smem:$0x3F9F] =	sst s1;
	(tag) =	ssettag s2;
	_ =	strace s9  }
0x27: {  	s1 =	sld [smem:$0x3FAF]  }
0x28: {  	s2 =	sld [smem:$0x3FB0]  }
0x29: {  	s4 =	sld [smem:$0x3FB2]  }
0x2a: {  	p0 =	seq.s32 s5, $0x0;
	s5 =	sld [smem:$0x3FB3]  }
0x2b: {  	s6 =	sld [smem:$0x3FB4]  }
0x2c: {  	s7 =	sld [smem:$0x3FB5]  }
0x2d: {  	s3 =	simm.s32 $0x108;
	s8 =	sld [smem:$0x3FB6]  }
0x2e: {  	s3 =	simm.s32 @!p0 $0x1082;
	s9 =	sld [smem:$0x3FB7]  }
0x2f: {  	lr =	sadd.s32 s0, s3;
	s0 =	sld [smem:$0x3FAE]  }
0x30: {  	s3 =	sld [smem:$0x3FB1]  }
0x31: {  	[smem:$0x3FBA] =	sst s10  }
0x32: {  	s10 =	sld [smem:$0x3FB8];
	_ =	sdelay $0x3  }
0x33: {  	p0 =	seq.s32 s10, $0x1;
	s10 =	sld [smem:$0x3FBA];
	_ =	sdelay $0x3  }
0x34: {  	[smem:$0x3FBA] =	sst s10  }
0x35: {  	s10 =	sld [smem:$0x3FB9];
	_ =	sdelay $0x3  }
0x36: {  	p1 =	seq.s32 s10, $0x1;
	s10 =	sld [smem:$0x3FBA];
	_ =	sdelay $0x3  }
0x37: {  	[smem:$0x3FBA] =	sst s10  }
0x38: {  	s10 =	sld [smem:$0x3FBB]  }
0x39: {  	_ = 	snop;
	(pc) =	sbr.ind lr, $3  }
0x3a: {  	_ = 	snop  }
0x3b: {  	_ = 	snop  }
0x3c: {  	p2 =	seq.s32 s10, $0x1;
	s10 =	sld [smem:$0x3FBA]  }
0x3d: {  	_ =	shalt  }
0x3e: {  	_ =	shalt  }
0x3f: {  	_ =	shalt  }
0x40: {  	_ =	shalt  }
0x41: {  	_ =	shalt  }
0x42: {  	_ =	shalt  }
0x43: {  	_ =	shalt  }
0x44: {  	_ =	shalt  }
0x45: {  	_ =	shalt  }
0x46: {  	_ =	shalt  }
0x47: {  	_ =	shalt  }
0x48: {  	_ =	shalt  }
0x49: {  	_ =	shalt  }
0x4a: {  	_ =	shalt  }
0x4b: {  	_ =	shalt  }
0x4c: {  	_ =	shalt  }
0x4d: {  	_ =	shalt  }
0x4e: {  	_ =	shalt  }
0x4f: {  	_ =	shalt  }
0x50: {  	_ =	shalt  }
0x51: {  	_ =	shalt  }
0x52: {  	_ =	shalt  }
0x53: {  	_ =	shalt  }
0x54: {  	_ =	shalt  }
0x55: {  	_ =	shalt  }
0x56: {  	_ =	shalt  }
0x57: {  	_ =	shalt  }
0x58: {  	_ =	shalt  }
0x59: {  	_ =	shalt  }
0x5a: {  	_ =	shalt  }
0x5b: {  	_ =	shalt  }
0x5c: {  	_ =	shalt  }
0x5d: {  	_ =	shalt  }
0x5e: {  	_ =	shalt  }
0x5f: {  	_ =	shalt  }
0x60: {  	_ =	shalt  }
0x61: {  	_ =	shalt  }
0x62: {  	_ =	shalt  }
0x63: {  	_ =	shalt  }
0x64: {  	_ =	shalt  }
0x65: {  	_ =	shalt  }
0x66: {  	_ =	shalt  }
0x67: {  	_ =	shalt  }
0x68: {  	_ =	shalt  }
0x69: {  	_ =	shalt  }
0x6a: {  	_ =	shalt  }
0x6b: {  	_ =	shalt  }
0x6c: {  	_ =	shalt  }
0x6d: {  	_ =	shalt  }
0x6e: {  	_ =	shalt  }
0x6f: {  	_ =	shalt  }
0x70: {  	_ =	shalt  }
0x71: {  	_ =	shalt  }
0x72: {  	_ =	shalt  }
0x73: {  	_ =	shalt  }
0x74: {  	_ =	shalt  }
0x75: {  	_ =	shalt  }
0x76: {  	_ =	shalt  }
0x77: {  	_ =	shalt  }
0x78: {  	_ =	shalt  }
0x79: {  	_ =	shalt  }
0x7a: {  	_ =	shalt  }
0x7b: {  	_ =	shalt  }
0x7c: {  	_ =	shalt  }
0x7d: {  	_ =	shalt  }
0x7e: {  	_ =	shalt  }
0x7f: {  	_ =	shalt  }
0x80: {  	_ =	shalt  }
0x81: {  	_ =	shalt  }
0x82: {  	_ =	shalt  }
0x83: {  	_ =	shalt  }
0x84: {  	_ =	shalt  }
0x85: {  	_ =	shalt  }
0x86: {  	_ =	shalt  }
0x87: {  	_ =	shalt  }
.Lfunc_end0:
.L_simem_size_0:
called_computation.3_lowered:
.L_overlay_start_0:
0x88: {  	s2 =	sld [smem:$0x3FD9]  }
0x89: {  	s3 =	sld [smem:$0x3FFE];
	_ =	sdelay $0x1  }
0x8a: {  	s1 =	srdreg.scid  }
0x8b: {  	s0 =	sand.u32 $0x1, s1  }
0x8c: {  	s16 =	sshll.u32 s0, $0xA;
	s2 =	sadd.s32 s3, s2  }
0x8d: {  	s2 =	sadd.s32 s2, s16  }
0x8e: {  	[smem:$0x3FC6] =	sst s2  }
0x8f: {  	_ = 	snop  }
0x90: {  	(tm) =	ssettm $0x1  }
0x91: {  	s17 =	sld [smem:$0x3FFB];
	_ =	sdelay $0x3  }
0x92: {  	_ =	strace s17  }
0x93: {  	s2 =	sld [smem:$0x3FFC];
	_ =	sdelay $0x3  }
0x94: {  	_ =	strace s2  }
0x95: {  	s2 =	sld [smem:$0x3FFD];
	_ =	sdelay $0x3  }
0x96: {  	_ =	strace s2  }
0x97: {  	_ =	strace $0x8FFFFFFF  }
0x98: {  	s18 =	sld [smem:$0x3FDB];
	_ =	sdelay $0x1  }
0x99: {  	s19 =	simm.s32 $_scs_section_size  }
0x9a: {  	s4 =	simm.s32 $_size__tile_overlayer_lowered;
	s5 =	simm.s32 $_tile_overlayer_lowered  }
0x9b: {  	s22 =	simm.s32 $0x1BFF;
	s21 =	sshll.u32 s5, $0x1;
	s2 =	sadd.s32 s19, s18  }
0x9c: {  	s6 =	simm.s32 $0x0;
	s20 =	sshll.u32 s4, $0x1;
	s4 =	sadd.s32 s21, s2  }
0x9d: {  	[timem:s6], [sflag:s22] =	dma.local [hbm:s4], s20  }
0x9e: {  	_ =	swait.ge [sflag:s22], s20  }
0x9f: {  	s3 =	ssub.s32 $0x0, s20;
	[sflag:s22] =	ssyncset.done $0x0  }
0xa0: {  	[sflag:s22] =	ssyncadd.s32 s3;
	_ =	sdelay $0x1  }
0xa1: {  	s23 =	simm.s32 $0x1B8B  }
0xa2: {  	_ =	swait.ge [sflag:s23], $0x1  }
0xa3: {  	[sflag:s23] =	ssyncset.done $0x0  }
0xa4: {  	s25 =	simm.s32 $0x1B8E;
	s24 =	sld [smem:$0x3FFE];
	[sflag:s23] =	ssyncadd.s32 $0xFFFFFFFF  }
0xa5: {  	s26 =	simm.s32 $execute0_lowered;
	[smem:$0x3FD2] =	sst s25  }
0xa6: {  	s4 =	sshll.u32 s26, $0x1;
	_ =	strace $0x8000004F;
	[dreg:$0x1] =	wrdreg $0xFFFFFFFF  }
0xa7: {  	s28 =	simm.s32 $_size_execute0_lowered;
	s2 =	sadd.s32 s2, s4;
	[dreg:$0x0] =	wrdreg $0x0  }
0xa8: {  	s4 =	sshll.u32 s28, $0x1;
	[dreg:$0x2] =	wrdreg s2  }
0xa9: {  	[dreg:$0x3] =	wrdreg s4  }
0xaa: {  	[dreg:$0x4] =	wrdreg $0xC0  }
0xab: {  	_ =	task [dreg:s6], $0x5FFFF  }
0xac: {  	[dreg:$0x1] =	wrdreg $0xFFFFFFFF  }
0xad: {  	[dreg:$0x0] =	wrdreg $0x60  }
0xae: {  	[dreg:$0x2] =	wrdreg s24  }
0xaf: {  	[dreg:$0x3] =	wrdreg $0x9  }
0xb0: {  	_ =	task.clear_ibuf [dreg:s6], $0x4FFFF;
	_ =	strace $0x9000004F  }
0xb1: {  	s29 =	simm.s32 $0x9;
	_ =	strace $0x80000051  }
0xb2: {  	_ =	swait.ge [sflag:s29], $0x1  }
0xb3: {  	[sflag:s29] =	ssyncadd.s32 $0xFFFFFFFF  }
0xb4: {  	_ =	strace $0x90000051  }
0xb5: {  	_ =	sfence  }
0xb6: {  	s30 =	sld [smem:$0x0];
	_ =	sdelay $0x2  }
0xb7: {  	s31 =	sshll.u32 s1, $0xD;
	s1 =	sshrl.u32 s1, $0x2  }
0xb8: {  	s3 =	sand.u32 $0x4000, s31;
	s1 =	sadd.s32 s1, s30  }
0xb9: {  	s0 =	sor.u32 s3, s0;
	s1 =	sshll.u32 s1, $0x11  }
0xba: {  	s0 =	sor.u32 s1, s0  }
0xbb: {  	s0 =	sadd.s32 $0x8F2B, s0  }
0xbc: {  	[sflag:s0] =	ssyncadd.remote.s32 $0x1  }
0xbd: {  	_ =	sfence.sel $0xFFFF  }
0xbe: {  	[dreg:$0x0] =	wrdreg $0xFFFFFFFF;
	(pc) =	sbr.abs _section_cstart, $3  }
0xbf: {  	[dreg:$0x1] =	wrdreg $0xFFFFFFFF  }
0xc0: {  	_ =	task.clear_ibuf [dreg:s6], $0x2FFFF;
	_ =	strace $0x9FFFFFFF  }
0xc1: {  	(tm) =	ssettm $0x7FFFFFFF  }
tec
execute0_lowered:
.L_overlay_start_1:
0x0: {  	(tag) =	ssettag $0x1  }
0x1: {  	s3 =	rddreg [dreg:$0x0];
	s1 =	srdreg.scid  }
0x2: {  	s0 =	rddreg [dreg:$0x1];
	s2 =	simm.s32 $0x0;
	s14 =	simm.s32 $0x2000  }
0x3: {  	s15 =	simm.s32 $0x4000;
	s16 =	simm.s32 $0x0;
	s4 =	sand.u32 $0x1, s1  }
0x4: {  	[smem:$0x7FF] =	sst s2;
	s1 =	stileid.u32;
	s11 =	sadd.s32 $0x41400, s3  }
0x5: {  	s13 =	sadd.s32 $0x61400, s3;
	s5 =	sshll.u32 s4, $0x4;
	s4 =	ssub.s32 $0x2, s4  }
0x6: {  	_ =	strace $0x80000050;
	s5 =	sor.u32 s1, s5;
	s7 =	sshrl.u32 s4, $0x1  }
0x7: {  	s6 =	sshll.u32 s5, $0x1;
	s4 =	ssub.s32 s4, s7;
	s12 =	sshll.u32 s5, $0xC  }
0x8: {  	s6 =	sadd.s32 s6, s3;
	s4 =	smax.u32 s4, $0x1;
	s5 =	sadd.s32 s11, s12  }
0x9: {  	s8 =	sor.u32 $0x400, s12;
	s10 =	sor.u32 $0x800, s12;
	s3 =	sadd.s32 $0x1400, s6  }
0xa: {  	s6 =	sadd.s32 s12, s13;
	s7 =	sadd.s32 s11, s8;
	s8 =	sadd.s32 s8, s13  }
0xb: {  	s9 =	sadd.s32 s11, s10;
	s10 =	sadd.s32 s10, s13;
	s12 =	sor.u32 $0xC00, s12  }
0xc: {  	s11 =	sadd.s32 s11, s12;
	s12 =	sadd.s32 s12, s13;
	s13 =	simm.s32 $0x1  }
.LBB2_1:
0xd: {  	[tilespmem:s2], [sflag:$0x1] =	stream.linear.gather [hbm4b:s5+s2], $0x2000, $0x38;
	[tilespmem:$0x4080] =	vst v63  }
0xe: {  	_ =	swait.ge [sflag:s13], $0x2000  }
0xf: {  	[sflag:s13] =	ssyncset.done $0x0  }
0x10: {  	[sflag:s13] =	ssyncadd.s32 $0xFFFFE000  }
0x11: {  	[tilespmem:s14], [sflag:$0x1] =	stream.linear.gather [hbm4b:s6+s2], $0x2000, $0x38;
	[tilespmem:$0x4080] =	vst v63  }
0x12: {  	_ =	swait.ge [sflag:s13], $0x2000  }
0x13: {  	[sflag:s13] =	ssyncset.done $0x0  }
0x14: {  	s18 =	simm.s32 $0x0;
	[sflag:s13] =	ssyncadd.s32 $0xFFFFE000  }
0x15: {  	v1 =	vld [tilespmem:s18+$0x0]  }
0x16: {  	v2 =	vld [tilespmem:s18+$0x2000];
	_ =	sdelay $0x2  }
0x17: {  	v0 =	vimm.f32 $0.0e+00;
	s17 =	simm.s32 $0x40  }
.LBB2_2:
0x18: {  	s18 =	sshra.s32 s17, $0x2;
	p0 =	sne.s32 s17, $0x7FC0  }
.Ltmp0:
0x19: {  	s17 =	sadd.s32 $0x40, s17;
	v3 =	vadd.f32 $-5.242875000e+05, v1;
	v1 =	vld [tilespmem:s18+$0x0];
	v4 =	vadd.f32 $-5.242875000e+05, v2;
	(pc) =	sbr.rel @p0 .LBB2_2-.Ltmp0, $3  }
0x1a: {  	v2 =	vld [tilespmem:s18+$0x2000]  }
0x1b: {  	v3 =	vmul.f32 v4, v3;
	_ =	sdelay $0x1  }
0x1c: {  	v0 =	vadd.f32 v3, v0  }
0x1d: {  	s17 =	simm.s32 $0x0  }
0x1e: {  	[tilespmem:s17], [sflag:$0x1] =	stream.linear.gather [hbm4b:s7+s17], $0x2000, $0x38;
	[tilespmem:$0x4080] =	vst v63  }
0x1f: {  	_ =	swait.ge [sflag:s13], $0x2000  }
0x20: {  	[sflag:s13] =	ssyncset.done $0x0  }
0x21: {  	[sflag:s13] =	ssyncadd.s32 $0xFFFFE000  }
0x22: {  	[tilespmem:s14], [sflag:$0x1] =	stream.linear.gather [hbm4b:s8+s17], $0x2000, $0x38;
	[tilespmem:$0x4080] =	vst v63  }
0x23: {  	v1 =	vadd.f32 $-5.242875000e+05, v1;
	v2 =	vadd.f32 $-5.242875000e+05, v2;
	_ =	swait.ge [sflag:s13], $0x2000  }
0x24: {  	[sflag:s13] =	ssyncset.done $0x0  }
0x25: {  	s18 =	simm.s32 $0x0;
	v2 =	vmul.f32 v2, v1;
	[sflag:s13] =	ssyncadd.s32 $0xFFFFE000  }
0x26: {  	v1 =	vld [tilespmem:s18+$0x0]  }
0x27: {  	v0 =	vadd.f32 v2, v0;
	v2 =	vld [tilespmem:s18+$0x2000];
	_ =	sdelay $0x2  }
0x28: {  	s17 =	simm.s32 $0x40  }
.LBB2_4:
0x29: {  	s18 =	sshra.s32 s17, $0x2;
	p0 =	sne.s32 s17, $0x7FC0  }
.Ltmp1:
0x2a: {  	s17 =	sadd.s32 $0x40, s17;
	v3 =	vadd.f32 $-5.242875000e+05, v1;
	v1 =	vld [tilespmem:s18+$0x0];
	v4 =	vadd.f32 $-5.242875000e+05, v2;
	(pc) =	sbr.rel @p0 .LBB2_4-.Ltmp1, $3  }
0x2b: {  	v2 =	vld [tilespmem:s18+$0x2000]  }
0x2c: {  	v3 =	vmul.f32 v4, v3;
	_ =	sdelay $0x1  }
0x2d: {  	v0 =	vadd.f32 v3, v0  }
0x2e: {  	s17 =	simm.s32 $0x0  }
0x2f: {  	[tilespmem:s17], [sflag:$0x1] =	stream.linear.gather [hbm4b:s9+s17], $0x2000, $0x38;
	[tilespmem:$0x4080] =	vst v63  }
0x30: {  	_ =	swait.ge [sflag:s13], $0x2000  }
0x31: {  	[sflag:s13] =	ssyncset.done $0x0  }
0x32: {  	[sflag:s13] =	ssyncadd.s32 $0xFFFFE000  }
0x33: {  	[tilespmem:s14], [sflag:$0x1] =	stream.linear.gather [hbm4b:s10+s17], $0x2000, $0x38;
	[tilespmem:$0x4080] =	vst v63  }
0x34: {  	v1 =	vadd.f32 $-5.242875000e+05, v1;
	v2 =	vadd.f32 $-5.242875000e+05, v2;
	_ =	swait.ge [sflag:s13], $0x2000  }
0x35: {  	[sflag:s13] =	ssyncset.done $0x0  }
0x36: {  	s18 =	simm.s32 $0x0;
	v2 =	vmul.f32 v2, v1;
	[sflag:s13] =	ssyncadd.s32 $0xFFFFE000  }
0x37: {  	v1 =	vld [tilespmem:s18+$0x0]  }
0x38: {  	v0 =	vadd.f32 v2, v0;
	v2 =	vld [tilespmem:s18+$0x2000];
	_ =	sdelay $0x2  }
0x39: {  	s17 =	simm.s32 $0x40  }
.LBB2_6:
0x3a: {  	s18 =	sshra.s32 s17, $0x2;
	p0 =	sne.s32 s17, $0x7FC0  }
.Ltmp2:
0x3b: {  	s17 =	sadd.s32 $0x40, s17;
	v3 =	vadd.f32 $-5.242875000e+05, v1;
	v1 =	vld [tilespmem:s18+$0x0];
	v4 =	vadd.f32 $-5.242875000e+05, v2;
	(pc) =	sbr.rel @p0 .LBB2_6-.Ltmp2, $3  }
0x3c: {  	v2 =	vld [tilespmem:s18+$0x2000]  }
0x3d: {  	v3 =	vmul.f32 v4, v3;
	_ =	sdelay $0x1  }
0x3e: {  	v0 =	vadd.f32 v3, v0  }
0x3f: {  	s17 =	simm.s32 $0x0  }
0x40: {  	[tilespmem:s17], [sflag:$0x1] =	stream.linear.gather [hbm4b:s11+s17], $0x2000, $0x38;
	[tilespmem:$0x4080] =	vst v63  }
0x41: {  	_ =	swait.ge [sflag:s13], $0x2000  }
0x42: {  	[sflag:s13] =	ssyncset.done $0x0  }
0x43: {  	[sflag:s13] =	ssyncadd.s32 $0xFFFFE000  }
0x44: {  	[tilespmem:s14], [sflag:$0x1] =	stream.linear.gather [hbm4b:s12+s17], $0x2000, $0x38;
	[tilespmem:$0x4080] =	vst v63  }
0x45: {  	v1 =	vadd.f32 $-5.242875000e+05, v1;
	v2 =	vadd.f32 $-5.242875000e+05, v2;
	_ =	swait.ge [sflag:s13], $0x2000  }
0x46: {  	[sflag:s13] =	ssyncset.done $0x0  }
0x47: {  	s18 =	simm.s32 $0x0;
	v2 =	vmul.f32 v2, v1;
	[sflag:s13] =	ssyncadd.s32 $0xFFFFE000  }
0x48: {  	v1 =	vld [tilespmem:s18+$0x0]  }
0x49: {  	v0 =	vadd.f32 v2, v0;
	v2 =	vld [tilespmem:s18+$0x2000];
	_ =	sdelay $0x2  }
0x4a: {  	s17 =	simm.s32 $0x40  }
.LBB2_8:
0x4b: {  	s18 =	sshra.s32 s17, $0x2;
	p0 =	sne.s32 s17, $0x7FC0  }
.Ltmp3:
0x4c: {  	s17 =	sadd.s32 $0x40, s17;
	v3 =	vadd.f32 $-5.242875000e+05, v1;
	v1 =	vld [tilespmem:s18+$0x0];
	v4 =	vadd.f32 $-5.242875000e+05, v2;
	(pc) =	sbr.rel @p0 .LBB2_8-.Ltmp3, $3  }
0x4d: {  	v2 =	vld [tilespmem:s18+$0x2000]  }
0x4e: {  	v3 =	vmul.f32 v4, v3;
	_ =	sdelay $0x1  }
0x4f: {  	v0 =	vadd.f32 v3, v0  }
0x50: {  	_ = 	snop  }
0x51: {  	v1 =	vadd.f32 $-5.242875000e+05, v1;
	v2 =	vadd.f32 $-5.242875000e+05, v2;
	_ =	sdelay $0x1  }
0x52: {  	v1 =	vmul.f32 v2, v1;
	_ =	sdelay $0x1  }
0x53: {  	s16 =	sadd.s32 $0x1, s16;
	v0 =	vadd.f32 v1, v0  }
0x54: {  	p0 =	sne.s32 s16, s4  }
.Ltmp4:
0x55: {  	[tilespmem:$0x4000] =	vst v0;
	(pc) =	sbr.rel @p0 .LBB2_1-.Ltmp4, $4  }
0x56: {  	[hbm4b:s3+s2] =	stream.linear.scatter [tilespmem:s15], [sflag:$0x1], $0x10, $0x38;
	[tilespmem:$0x4080] =	vst v63  }
0x57: {  	_ =	swait.ge [sflag:s13], $0x10  }
0x58: {  	[sflag:s13] =	ssyncset.done $0x0  }
0x59: {  	[sflag:s13] =	ssyncadd.s32 $0xFFFFFFF0  }
0x5a: {  	_ =	sfence.sel $0x180000  }
0x5b: {  	[bflag:$0x0] =	sbarrier.arrive $0xFFFF  }
0x5c: {  	p0 =	sne.s32 s1, $0x0;
	_ =	strace $0x90000050  }
0x5d: {  	s0 =	sadd.s32 @!p0 $0x100000, s0;
	[bflag:$0x2] =	sbarrier.arrive $0xFFFF  }
0x5e: {  	[sflag:s0] =	ssyncadd.tile.s32 @!p0 $0x1;
	_ =	shalt  }
.Lfunc_end2:
_tile_overlayer_lowered:
.L_overlay_start_2:
0x5f: {  	(tag) =	ssettag $0x2  }
0x60: {  	s0 =	rddreg [dreg:$0x0];
	s2 =	stileid.u32  }
0x61: {  	s1 =	rddreg [dreg:$0x1];
	p0 =	sne.s32 s2, $0x0  }
0x62: {  	s3 =	rddreg [dreg:$0x2];
	[bflag:$0x3] =	sbarrier.arrive $0xFFFF;
	s2 =	simm.s32 @!p0 $0x1C01  }
0x63: {  	[timem:s3], [sflag:s2] =	dma.local @!p0 [hbm:s0], s1  }
0x64: {  	s0 =	simm.s32 @!p0 $0x1  }
0x65: {  	_ =	swait.ge @!p0 [sflag:s0], s1  }
0x66: {  	s1 =	ssub.s32 @!p0 $0x0, s1;
	[sflag:s0] =	ssyncset.done @!p0 $0x0  }
0x67: {  	[sflag:s0] =	ssyncadd.s32 @!p0 s1  }
0x68: {  	[bflag:$0x3] =	sbarrier.arrive $0xFFFF  }
0x69: {  	_ =	shalt  }

// kernel: kernel.6.cloned.1.call-start
scs
__scs_entry_jumppad:
0x0: {  	(pc) =	sbr.rel $0x88, $3  }
0x1: {  	(tag) =	ssettag $0x0;
	lr =	simm.s32 $0x1  }
0x2: {  	[smem:$0x3F9F] =	sst lr;
	_ =	strace $0xD0000000  }
0x3: {  	_ = 	snop  }
0x4: {  	_ = 	snop  }
0x5: {  	_ = 	snop  }
0x6: {  	_ = 	snop  }
0x7: {  	_ = 	snop  }
__scs_overlays_trampoline_lowered:
0x8: {  	[smem:$0x3FAE] =	sst s0  }
0x9: {  	[smem:$0x3FAF] =	sst s1  }
0xa: {  	[smem:$0x3FB0] =	sst s2  }
0xb: {  	[smem:$0x3FB1] =	sst s3  }
0xc: {  	[smem:$0x3FB2] =	sst s4  }
0xd: {  	[smem:$0x3FB3] =	sst s5  }
0xe: {  	[smem:$0x3FB4] =	sst s6  }
0xf: {  	[smem:$0x3FB5] =	sst s7  }
0x10: {  	[smem:$0x3FB6] =	sst s8  }
0x11: {  	[smem:$0x3FB7] =	sst s9;
	s0 =	simm.s32 @!p0 $0x0  }
0x12: {  	s1 =	sld [smem:$0x3F9D];
	s0 =	simm.s32 @p0 $0x1  }
0x13: {  	[smem:$0x3FB8] =	sst s0;
	s0 =	simm.s32 @!p1 $0x0  }
0x14: {  	s2 =	sld [smem:$0x3F9C];
	s0 =	simm.s32 @p1 $0x1  }
0x15: {  	[smem:$0x3FB9] =	sst s0;
	s0 =	simm.s32 @!p2 $0x0  }
0x16: {  	s3 =	sld [smem:$0x3FDB];
	s0 =	simm.s32 @p2 $0x1  }
0x17: {  	s4 =	simm.s32 $0x1BF5;
	[smem:$0x3FBB] =	sst s0  }
0x18: {  	s0 =	sld [smem:$0x3F9E];
	_ =	swait.ge [sflag:s4], $0x0  }
0x19: {  	s7 =	sld [smem:$0x3F9F]  }
0x1a: {  	s8 =	sadd.s32 $0xFFFFE003, lr  }
0x1b: {  	s9 =	sadd.s32 $0xFFFFFEF7, lr;
	s5 =	simm.s32 $0xFFFFFFFF;
	p2 =	slt.u32 s8, $0xFFFFF086  }
0x1c: {  	p1 =	slt.u32 s9, $0xF7A;
	s5 =	simm.s32 @!p2 $0x0  }
0x1d: {  	s5 =	simm.s32 @p1 $0x1;
	p0 =	seq.s32 s7, s2  }
0x1e: {  	s7 =	smul.u32 @!p0 $0xF7A, s2;
	p2 =	seq.s32 @!p0 s5, $0x0  }
0x1f: {  	s9 =	smul.u32 $0xF7A, s1;
	s8 =	simm.s32 @!p0 $0x1BF5;
	p2 =	por !p2, p0  }
0x20: {  	[sflag:s8] =	ssyncset.s32 @!p0 $0xFFFFF086;
	s6 =	sadd.s32 @!p0 s3, s7;
	s7 =	simm.s32 @!p0 $0x108  }
0x21: {  	s3 =	sadd.s32 s3, s9;
	s6 =	sadd.s32 @!p0 $0x88, s6;
	s7 =	simm.s32 @p2 $0x1082  }
0x22: {  	[simem:s7], [sflag:s8] =	dma.local @!p0 [hbm:s6], $0xF7A  }
0x23: {  	s9 =	sor.u32 $0xD0000000, s2;
	s6 =	simm.s32 $0x108;
	_ =	swait.ge @!p0 [sflag:s8], $0x0  }
0x24: {  	s3 =	sadd.s32 $0x88, s3;
	s6 =	simm.s32 @!p1 $0x1082;
	[sflag:s4] =	ssyncset.s32 $0xFFFFF086  }
0x25: {  	[simem:s6], [sflag:s4] =	dma.local [hbm:s3], $0xF7A  }
0x26: {  	[smem:$0x3F9F] =	sst s1;
	(tag) =	ssettag s2;
	_ =	strace s9  }
0x27: {  	s1 =	sld [smem:$0x3FAF]  }
0x28: {  	s2 =	sld [smem:$0x3FB0]  }
0x29: {  	s4 =	sld [smem:$0x3FB2]  }
0x2a: {  	p0 =	seq.s32 s5, $0x0;
	s5 =	sld [smem:$0x3FB3]  }
0x2b: {  	s6 =	sld [smem:$0x3FB4]  }
0x2c: {  	s7 =	sld [smem:$0x3FB5]  }
0x2d: {  	s3 =	simm.s32 $0x108;
	s8 =	sld [smem:$0x3FB6]  }
0x2e: {  	s3 =	simm.s32 @!p0 $0x1082;
	s9 =	sld [smem:$0x3FB7]  }
0x2f: {  	lr =	sadd.s32 s0, s3;
	s0 =	sld [smem:$0x3FAE]  }
0x30: {  	s3 =	sld [smem:$0x3FB1]  }
0x31: {  	[smem:$0x3FBA] =	sst s10  }
0x32: {  	s10 =	sld [smem:$0x3FB8];
	_ =	sdelay $0x3  }
0x33: {  	p0 =	seq.s32 s10, $0x1;
	s10 =	sld [smem:$0x3FBA];
	_ =	sdelay $0x3  }
0x34: {  	[smem:$0x3FBA] =	sst s10  }
0x35: {  	s10 =	sld [smem:$0x3FB9];
	_ =	sdelay $0x3  }
0x36: {  	p1 =	seq.s32 s10, $0x1;
	s10 =	sld [smem:$0x3FBA];
	_ =	sdelay $0x3  }
0x37: {  	[smem:$0x3FBA] =	sst s10  }
0x38: {  	s10 =	sld [smem:$0x3FBB]  }
0x39: {  	_ = 	snop;
	(pc) =	sbr.ind lr, $3  }
0x3a: {  	_ = 	snop  }
0x3b: {  	_ = 	snop  }
0x3c: {  	p2 =	seq.s32 s10, $0x1;
	s10 =	sld [smem:$0x3FBA]  }
0x3d: {  	_ =	shalt  }
0x3e: {  	_ =	shalt  }
0x3f: {  	_ =	shalt  }
0x40: {  	_ =	shalt  }
0x41: {  	_ =	shalt  }
0x42: {  	_ =	shalt  }
0x43: {  	_ =	shalt  }
0x44: {  	_ =	shalt  }
0x45: {  	_ =	shalt  }
0x46: {  	_ =	shalt  }
0x47: {  	_ =	shalt  }
0x48: {  	_ =	shalt  }
0x49: {  	_ =	shalt  }
0x4a: {  	_ =	shalt  }
0x4b: {  	_ =	shalt  }
0x4c: {  	_ =	shalt  }
0x4d: {  	_ =	shalt  }
0x4e: {  	_ =	shalt  }
0x4f: {  	_ =	shalt  }
0x50: {  	_ =	shalt  }
0x51: {  	_ =	shalt  }
0x52: {  	_ =	shalt  }
0x53: {  	_ =	shalt  }
0x54: {  	_ =	shalt  }
0x55: {  	_ =	shalt  }
0x56: {  	_ =	shalt  }
0x57: {  	_ =	shalt  }
0x58: {  	_ =	shalt  }
0x59: {  	_ =	shalt  }
0x5a: {  	_ =	shalt  }
0x5b: {  	_ =	shalt  }
0x5c: {  	_ =	shalt  }
0x5d: {  	_ =	shalt  }
0x5e: {  	_ =	shalt  }
0x5f: {  	_ =	shalt  }
0x60: {  	_ =	shalt  }
0x61: {  	_ =	shalt  }
0x62: {  	_ =	shalt  }
0x63: {  	_ =	shalt  }
0x64: {  	_ =	shalt  }
0x65: {  	_ =	shalt  }
0x66: {  	_ =	shalt  }
0x67: {  	_ =	shalt  }
0x68: {  	_ =	shalt  }
0x69: {  	_ =	shalt  }
0x6a: {  	_ =	shalt  }
0x6b: {  	_ =	shalt  }
0x6c: {  	_ =	shalt  }
0x6d: {  	_ =	shalt  }
0x6e: {  	_ =	shalt  }
0x6f: {  	_ =	shalt  }
0x70: {  	_ =	shalt  }
0x71: {  	_ =	shalt  }
0x72: {  	_ =	shalt  }
0x73: {  	_ =	shalt  }
0x74: {  	_ =	shalt  }
0x75: {  	_ =	shalt  }
0x76: {  	_ =	shalt  }
0x77: {  	_ =	shalt  }
0x78: {  	_ =	shalt  }
0x79: {  	_ =	shalt  }
0x7a: {  	_ =	shalt  }
0x7b: {  	_ =	shalt  }
0x7c: {  	_ =	shalt  }
0x7d: {  	_ =	shalt  }
0x7e: {  	_ =	shalt  }
0x7f: {  	_ =	shalt  }
0x80: {  	_ =	shalt  }
0x81: {  	_ =	shalt  }
0x82: {  	_ =	shalt  }
0x83: {  	_ =	shalt  }
0x84: {  	_ =	shalt  }
0x85: {  	_ =	shalt  }
0x86: {  	_ =	shalt  }
0x87: {  	_ =	shalt  }
.Lfunc_end0:
.L_simem_size_0:
called_computation_lowered:
.L_overlay_start_0:
0x88: {  	s2 =	sld [smem:$0x3FD9]  }
0x89: {  	s3 =	sld [smem:$0x3FFE];
	_ =	sdelay $0x1  }
0x8a: {  	s1 =	srdreg.scid  }
0x8b: {  	s0 =	sand.u32 $0x1, s1  }
0x8c: {  	s16 =	sshll.u32 s0, $0xA;
	s2 =	sadd.s32 s3, s2  }
0x8d: {  	s2 =	sadd.s32 s2, s16  }
0x8e: {  	[smem:$0x3FC6] =	sst s2  }
0x8f: {  	_ = 	snop  }
0x90: {  	(tm) =	ssettm $0x1  }
0x91: {  	s17 =	sld [smem:$0x3FFB];
	_ =	sdelay $0x3  }
0x92: {  	_ =	strace s17  }
0x93: {  	s2 =	sld [smem:$0x3FFC];
	_ =	sdelay $0x3  }
0x94: {  	_ =	strace s2  }
0x95: {  	s2 =	sld [smem:$0x3FFD];
	_ =	sdelay $0x3  }
0x96: {  	_ =	strace s2  }
0x97: {  	_ =	strace $0x8FFFFFFF  }
0x98: {  	s18 =	sld [smem:$0x3FDB];
	_ =	sdelay $0x1  }
0x99: {  	s19 =	simm.s32 $_scs_section_size  }
0x9a: {  	s4 =	simm.s32 $_size__tile_overlayer_lowered;
	s5 =	simm.s32 $_tile_overlayer_lowered  }
0x9b: {  	s22 =	simm.s32 $0x1BFF;
	s21 =	sshll.u32 s5, $0x1;
	s2 =	sadd.s32 s19, s18  }
0x9c: {  	s6 =	simm.s32 $0x0;
	s20 =	sshll.u32 s4, $0x1;
	s4 =	sadd.s32 s21, s2  }
0x9d: {  	[timem:s6], [sflag:s22] =	dma.local [hbm:s4], s20  }
0x9e: {  	_ =	swait.ge [sflag:s22], s20  }
0x9f: {  	s3 =	ssub.s32 $0x0, s20;
	[sflag:s22] =	ssyncset.done $0x0  }
0xa0: {  	[sflag:s22] =	ssyncadd.s32 s3;
	_ =	sdelay $0x1  }
0xa1: {  	s23 =	simm.s32 $0x1B8B  }
0xa2: {  	_ =	swait.ge [sflag:s23], $0x1  }
0xa3: {  	[sflag:s23] =	ssyncset.done $0x0  }
0xa4: {  	s25 =	simm.s32 $0x1B8E;
	s24 =	sld [smem:$0x3FFE];
	[sflag:s23] =	ssyncadd.s32 $0xFFFFFFFF  }
0xa5: {  	s26 =	simm.s32 $execute0_lowered;
	[smem:$0x3FD2] =	sst s25  }
0xa6: {  	s4 =	sshll.u32 s26, $0x1;
	_ =	strace $0x80000046;
	[dreg:$0x1] =	wrdreg $0xFFFFFFFF  }
0xa7: {  	s28 =	simm.s32 $_size_execute0_lowered;
	s2 =	sadd.s32 s2, s4;
	[dreg:$0x0] =	wrdreg $0x0  }
0xa8: {  	s4 =	sshll.u32 s28, $0x1;
	[dreg:$0x2] =	wrdreg s2  }
0xa9: {  	[dreg:$0x3] =	wrdreg s4  }
0xaa: {  	[dreg:$0x4] =	wrdreg $0xC0  }
0xab: {  	_ =	task [dreg:s6], $0x5FFFF  }
0xac: {  	[dreg:$0x1] =	wrdreg $0xFFFFFFFF  }
0xad: {  	[dreg:$0x0] =	wrdreg $0x60  }
0xae: {  	[dreg:$0x2] =	wrdreg s24  }
0xaf: {  	[dreg:$0x3] =	wrdreg $0x108000  }
0xb0: {  	[dreg:$0x4] =	wrdreg $0x9  }
0xb1: {  	_ =	task.clear_ibuf [dreg:s6], $0x5FFFF;
	_ =	strace $0x90000046  }
0xb2: {  	s29 =	simm.s32 $0x9;
	_ =	strace $0x80000048  }
0xb3: {  	_ =	swait.ge [sflag:s29], $0x1  }
0xb4: {  	[sflag:s29] =	ssyncadd.s32 $0xFFFFFFFF  }
0xb5: {  	_ =	strace $0x90000048  }
0xb6: {  	_ =	sfence  }
0xb7: {  	s30 =	sld [smem:$0x0];
	_ =	sdelay $0x2  }
0xb8: {  	s31 =	sshll.u32 s1, $0xD;
	s1 =	sshrl.u32 s1, $0x2  }
0xb9: {  	s3 =	sand.u32 $0x4000, s31;
	s1 =	sadd.s32 s1, s30  }
0xba: {  	s0 =	sor.u32 s3, s0;
	s1 =	sshll.u32 s1, $0x11  }
0xbb: {  	s0 =	sor.u32 s1, s0  }
0xbc: {  	s0 =	sadd.s32 $0x8F2B, s0  }
0xbd: {  	[sflag:s0] =	ssyncadd.remote.s32 $0x1  }
0xbe: {  	_ =	sfence.sel $0xFFFF  }
0xbf: {  	[dreg:$0x0] =	wrdreg $0xFFFFFFFF;
	(pc) =	sbr.abs _section_cstart, $3  }
0xc0: {  	[dreg:$0x1] =	wrdreg $0xFFFFFFFF  }
0xc1: {  	_ =	task.clear_ibuf [dreg:s6], $0x2FFFF;
	_ =	strace $0x9FFFFFFF  }
0xc2: {  	(tm) =	ssettm $0x7FFFFFFF  }
0xc3: {  	_ =	shalt  }
tec
execute0_lowered:
.L_overlay_start_1:
0x0: {  	(tag) =	ssettag $0x1  }
0x1: {  	s3 =	rddreg [dreg:$0x0]  }
0x2: {  	s5 =	srdreg.scid;
	s2 =	sadd.s32 $0x1400, s3;
	s4 =	sadd.s32 $0x41400, s3  }
0x3: {  	s7 =	sand.u32 $0x1, s5;
	s5 =	sadd.s32 $0x81400, s3;
	s3 =	stileid.u32  }
0x4: {  	s8 =	rddreg [dreg:$0x1];
	p1 =	sgt.u32 s3, $0x7  }
0x5: {  	s0 =	rddreg [dreg:$0x2];
	s1 =	simm.s32 $0x0;
	s20 =	simm.s32 @!p1 $0x0  }
0x6: {  	[smem:$0x7FF] =	sst s1;
	s20 =	simm.s32 @p1 $0x1;
	p1 =	sgt.u32 s3, $0x6  }
0x7: {  	_ =	strace $0x80000047;
	[smem:$0x7F0] =	sst s20;
	s20 =	simm.s32 @!p1 $0x0  }
0x8: {  	s20 =	simm.s32 @p1 $0x1;
	p1 =	sgt.u32 s3, $0x5  }
0x9: {  	[smem:$0x7F1] =	sst s20;
	s20 =	simm.s32 @!p1 $0x0  }
0xa: {  	s20 =	simm.s32 @p1 $0x1;
	p1 =	sgt.u32 s3, $0x4  }
0xb: {  	[smem:$0x7F2] =	sst s20;
	s20 =	simm.s32 @!p1 $0x0  }
0xc: {  	s20 =	simm.s32 @p1 $0x1;
	p1 =	sgt.u32 s3, $0x3  }
0xd: {  	s13 =	simm.s32 $0x8000;
	[smem:$0x7F3] =	sst s20;
	s20 =	simm.s32 @!p1 $0x0  }
0xe: {  	s14 =	simm.s32 $0x8800;
	s20 =	simm.s32 @p1 $0x1;
	p1 =	sgt.u32 s3, $0x2  }
0xf: {  	s16 =	simm.s32 $0x2000;
	[smem:$0x7F4] =	sst s20;
	s20 =	simm.s32 @!p1 $0x0  }
0x10: {  	s17 =	simm.s32 $0x4000;
	s20 =	simm.s32 @p1 $0x1;
	p1 =	sgt.u32 s3, $0x1  }
0x11: {  	s18 =	simm.s32 $0x1;
	[smem:$0x7F5] =	sst s20;
	s20 =	simm.s32 @!p1 $0x0  }
0x12: {  	s19 =	simm.s32 $0x2;
	s20 =	simm.s32 @p1 $0x1;
	p1 =	seq.s32 s3, $0x0  }
0x13: {  	s9 =	ssub.s32 $0x2, s7;
	[smem:$0x7F6] =	sst s20;
	s20 =	simm.s32 @!p1 $0x0  }
0x14: {  	s6 =	sshll.u32 s7, $0x14;
	p2 =	sgt.u32 s3, $0xD;
	s20 =	simm.s32 @p1 $0x1  }
0x15: {  	s11 =	sshll.u32 s7, $0xF;
	[smem:$0x7F7] =	sst s20;
	s20 =	simm.s32 @!p2 $0x0  }
0x16: {  	s7 =	sshll.u32 s3, $0x10;
	p3 =	sgt.u32 s3, $0xC;
	s20 =	simm.s32 @p2 $0x1  }
0x17: {  	s31 =	sshll.u32 s3, $0xB;
	[smem:$0x7F8] =	sst s20;
	s20 =	simm.s32 @!p3 $0x0  }
0x18: {  	p0 =	seq.s32 s3, $0xF;
	p6 =	sgt.u32 s3, $0xB;
	s20 =	simm.s32 @p3 $0x1  }
0x19: {  	s15 =	simm.s32 @!p0 $0x0;
	[smem:$0x7F9] =	sst s20;
	s20 =	simm.s32 @!p6 $0x0  }
0x1a: {  	s15 =	simm.s32 @p0 $0x1;
	p0 =	sgt.u32 s3, $0xA;
	s20 =	simm.s32 @p6 $0x1  }
0x1b: {  	p4 =	sgt.u32 s3, $0x9;
	[smem:$0x7FA] =	sst s20;
	s20 =	simm.s32 @!p0 $0x0  }
0x1c: {  	p5 =	sgt.u32 s3, $0x8;
	s10 =	sshrl.u32 s9, $0x1;
	s20 =	simm.s32 @p0 $0x1  }
0x1d: {  	s8 =	sadd.s32 s11, s8;
	[smem:$0x7FB] =	sst s20;
	s20 =	simm.s32 @!p4 $0x0  }
0x1e: {  	s12 =	ssub.s32 s9, s10;
	s9 =	sor.u32 s7, s6;
	s20 =	simm.s32 @p4 $0x1  }
0x1f: {  	s10 =	sadd.s32 s31, s8;
	[smem:$0x7FC] =	sst s20;
	s20 =	simm.s32 @!p5 $0x0  }
0x20: {  	s11 =	smax.u32 s12, $0x1;
	[smem:$0x7EF] =	sst s15;
	s20 =	simm.s32 @p5 $0x1  }
0x21: {  	v0 =	vimm.s32 $0x0;
	v1 =	vlaneseq.u32;
	s12 =	simm.s32 $0x3;
	s15 =	simm.s32 $0x6000;
	[smem:$0x7FD] =	sst s20  }
.LBB2_1:
0x22: {  	s20 =	simm.s32 $0x40;
	s21 =	simm.s32 $0x0  }
.LBB2_2:
0x23: {  	p1 =	sne.s32 s20, $0x1FC0;
	[tilespmem:s21+$0x8000] =	vst v0;
	s21 =	smov.u32 s20;
	s20 =	sadd.s32 $0x40, s20  }
.Ltmp0:
0x24: {  	(pc) =	sbr.rel @p1 .LBB2_2-.Ltmp0, $2  }
0x25: {  	_ =	sdelay $0x2  }
0x26: {  	s21 =	sshra.s32 s21, $0x2  }
0x27: {  	[tilespmem:s21+$0x8000] =	vst v0;
	s20 =	simm.s32 $0x0;
	s21 =	simm.s32 $0x0  }
.LBB2_4:
0x28: {  	s22 =	sshll.u32 s21, $0xD  }
0x29: {  	s22 =	sadd.s32 s9, s22  }
0x2a: {  	s22 =	sshrl.u32 s22, $0x3  }
0x2b: {  	s22 =	sadd.s32 s2, s22  }
0x2c: {  	[tilespmem:s20], [sflag:$0x3] =	stream.linear.gather [hbm4b:s22+s20], $0x2000, $0x38;
	[tilespmem:$0x11800] =	vst v63  }
0x2d: {  	_ =	swait.ge [sflag:s12], $0x2000  }
0x2e: {  	[sflag:s12] =	ssyncset.done $0x0  }
0x2f: {  	s23 =	simm.s32 $0x0;
	s22 =	simm.s32 $0x40;
	[sflag:s12] =	ssyncadd.s32 $0xFFFFE000  }
.LBB2_5:
0x30: {  	p1 =	sne.s32 s22, $0x7FC0;
	v2 =	vld [tilespmem:s23+$0x0];
	_ =	sdelay $0x4  }
0x31: {  	v3 =	vshra.s32 v2, $0x1F  }
0x32: {  	v2 =	vxor.u32 v2, v3  }
0x33: {  	v2 =	vand.u32 $0x7FF, v2  }
0x34: {  	(xrf1) =	vunique.msk.u32 $0xffff, v2;
	_ =	sdelay $0xc  }
0x35: {  	v3 =	vld.idx.msk [tilespmem:v2+s13+$0x0], $0xffff  }
0x36: {  	_, v4, vm0 =	vpop (xrf1);
	_ =	sdelay $0x1  }
.Ltmp1:
0x37: {  	(pc) =	sbr.rel @p1 .LBB2_5-.Ltmp1, $3  }
0x38: {  	_ =	sdelay $0x1  }
0x39: {  	v3 =	vadd.s32 v3, v4  }
0x3a: {  	s23 =	sshra.s32 s22, $0x2;
	s22 =	sadd.s32 $0x40, s22;
	[tilespmem:v2+s13+$0x0] =	vst.idx.msk vm0, v3  }
0x3b: {  	v2 =	vld [tilespmem:s23+$0x0];
	_ =	sdelay $0x4  }
0x3c: {  	v3 =	vshra.s32 v2, $0x1F  }
0x3d: {  	v2 =	vxor.u32 v2, v3  }
0x3e: {  	v2 =	vand.u32 $0x7FF, v2  }
0x3f: {  	(xrf1) =	vunique.msk.u32 $0xffff, v2;
	_ =	sdelay $0xd  }
0x40: {  	s21 =	sadd.s32 $0x1, s21;
	v3 =	vld.idx.msk [tilespmem:v2+s13+$0x0], $0xffff;
	_, v4, vm0 =	vpop (xrf1)  }
0x41: {  	p1 =	sne.s32 s21, $0x8  }
.Ltmp2:
0x42: {  	_ = 	snop;
	(pc) =	sbr.rel @p1 .LBB2_4-.Ltmp2, $3  }
0x43: {  	_ =	sdelay $0x1  }
0x44: {  	v3 =	vadd.s32 v3, v4  }
0x45: {  	[tilespmem:v2+s13+$0x0] =	vst.idx.msk vm0, v3  }
0x46: {  	s21 =	simm.s32 $0x8000  }
0x47: {  	[spmem:s10] =	stream.linear.scatter [tilespmem:s21], [sflag:$0x3], $0x800, $0x38;
	[tilespmem:$0x11800] =	vst v63  }
0x48: {  	_ =	swait.ge [sflag:s12], $0x800  }
0x49: {  	[sflag:s12] =	ssyncset.done $0x0  }
0x4a: {  	[sflag:s12] =	ssyncadd.s32 $0xFFFFF800  }
0x4b: {  	[bflag:$0x0] =	sbarrier.arrive $0xFFFF  }
0x4c: {  	[tilespmem:s14], [sflag:$0x3] =	stream.linear.gather [spmem:s8], $0x8000, $0x38;
	[tilespmem:$0x11800] =	vst v63  }
0x4d: {  	_ =	swait.ge [sflag:s12], $0x8000  }
0x4e: {  	s20 =	simm.s32 $0x0;
	[sflag:s12] =	ssyncset.done $0x0  }
0x4f: {  	s22 =	sand.u32 $0x7F0, s20;
	[sflag:s12] =	ssyncadd.s32 $0xFFFF8000  }
0x50: {  	v2 =	vld [tilespmem:s22+$0x8800]  }
0x51: {  	v3 =	vld [tilespmem:s22+$0x9000]  }
0x52: {  	v4 =	vld [tilespmem:s22+$0x9800]  }
0x53: {  	v5 =	vld [tilespmem:s22+$0xA000]  }
0x54: {  	v6 =	vld [tilespmem:s22+$0xA800]  }
0x55: {  	s23 =	sld [smem:$0x7F7];
	v7 =	vld [tilespmem:s22+$0xB000]  }
0x56: {  	s30 =	sld [smem:$0x7F6];
	v9 =	vld [tilespmem:s22+$0xB800];
	v8 =	vadd.s32 v2, v3  }
0x57: {  	s31 =	sld [smem:$0x7F5];
	v10 =	vld [tilespmem:s22+$0xC000];
	v8 =	vadd.s32 v8, v4  }
0x58: {  	s24 =	sld [smem:$0x7F4];
	v11 =	vld [tilespmem:s22+$0xC800];
	v8 =	vadd.s32 v8, v5  }
0x59: {  	s25 =	sld [smem:$0x7F3];
	v12 =	vld [tilespmem:s22+$0xD000];
	p4 =	seq.s32 s23, $0x1;
	p0 =	seq.s32 s30, $0x1;
	v8 =	vadd.s32 v8, v6  }
0x5a: {  	s26 =	sld [smem:$0x7F2];
	v13 =	vld [tilespmem:s22+$0xD800];
	p5 =	seq.s32 s31, $0x1;
	v2 =	vpsel p4, $0x0, v2;
	v3 =	vpsel !p0, $0x0, v3;
	v8 =	vadd.s32 v8, v7  }
0x5b: {  	s28 =	sld [smem:$0x7F1];
	v14 =	vld [tilespmem:s22+$0xE000];
	p1 =	seq.s32 s24, $0x1;
	v2 =	vadd.s32 v2, v3;
	v3 =	vpsel !p5, $0x0, v4;
	v8 =	vadd.s32 v8, v9  }
0x5c: {  	s29 =	sld [smem:$0x7F0];
	v15 =	vld [tilespmem:s22+$0xE800];
	p5 =	seq.s32 s25, $0x1;
	v2 =	vadd.s32 v2, v3;
	v3 =	vpsel !p1, $0x0, v5;
	v8 =	vadd.s32 v8, v10  }
0x5d: {  	s30 =	sld [smem:$0x7FD];
	v2 =	vadd.s32 v2, v3;
	v3 =	vpsel !p5, $0x0, v6;
	p5 =	seq.s32 s26, $0x1;
	v4 =	vadd.s32 v8, v11;
	v8 =	vld [tilespmem:s22+$0xF000]  }
0x5e: {  	s31 =	sld [smem:$0x7FC];
	p0 =	seq.s32 s28, $0x1;
	v5 =	vld [tilespmem:s22+$0xF800];
	v2 =	vadd.s32 v2, v3;
	v3 =	vpsel !p5, $0x0, v7;
	v4 =	vadd.s32 v4, v12  }
0x5f: {  	s23 =	sld [smem:$0x7FB];
	p1 =	seq.s32 s29, $0x1;
	v6 =	vld [tilespmem:s22+$0x10000];
	v2 =	vadd.s32 v2, v3;
	v3 =	vpsel !p0, $0x0, v9;
	v4 =	vadd.s32 v4, v13  }
0x60: {  	v2 =	vadd.s32 v2, v3;
	v3 =	vpsel !p1, $0x0, v10;
	p1 =	seq.s32 s30, $0x1;
	v4 =	vadd.s32 v4, v14  }
0x61: {  	p5 =	seq.s32 s31, $0x1;
	v2 =	vadd.s32 v2, v3;
	v3 =	vpsel !p1, $0x0, v11;
	v4 =	vadd.s32 v4, v15  }
0x62: {  	p0 =	seq.s32 s23, $0x1;
	v2 =	vadd.s32 v2, v3;
	v3 =	vpsel !p5, $0x0, v12;
	v4 =	vadd.s32 v4, v8  }
0x63: {  	s24 =	sld [smem:$0x7EF];
	v2 =	vadd.s32 v2, v3;
	v3 =	vpsel !p0, $0x0, v13;
	v4 =	vadd.s32 v4, v5  }
0x64: {  	v2 =	vadd.s32 v2, v3;
	v3 =	vpsel !p6, $0x0, v14;
	v4 =	vadd.s32 v4, v6  }
0x65: {  	v2 =	vadd.s32 v2, v3;
	v3 =	vpsel !p3, $0x0, v15;
	v6 =	vpsel !p2, $0x0, v8;
	p2 =	por p6, p6;
	p6 =	por p3, p3;
	(xrf0) =	vadd.scan.msk.s32 $0xffff, v4  }
0x66: {  	v2 =	vadd.s32 v2, v3;
	p3 =	por p0, p0;
	p0 =	por p1, p1;
	p1 =	seq.s32 s24, $0x1  }
0x67: {  	s25 =	sadd.s32 $0x0, s6;
	v3 =	vpsel !p1, $0x0, v5;
	v2 =	vadd.s32 v2, v6  }
0x68: {  	v2 =	vadd.s32 v2, v3;
	v3 =	vsub.s32 s25, v4;
	_ =	sdelay $0x2  }
0x69: {  	v2 =	vadd.s32 v2, v3;
	v3, _, _ =	vpop (xrf0)  }
0x6a: {  	s26 =	simm.s32 $0x10;
	v2 =	vadd.s32 v3, v2  }
0x6b: {  	s25 =	sand.u32 $0x7F0, s26;
	(v2sf) =	vpush v3, $0xF;
	[tilespmem:s21+$0x0] =	vst v2  }
0x6c: {  	v3 =	vld [tilespmem:s25+$0x8800]  }
0x6d: {  	v10 =	vld [tilespmem:s25+$0x9000]  }
0x6e: {  	v11 =	vld [tilespmem:s25+$0x9800]  }
0x6f: {  	v12 =	vld [tilespmem:s25+$0xA000]  }
0x70: {  	v14 =	vld [tilespmem:s25+$0xA800]  }
0x71: {  	v9 =	vld [tilespmem:s25+$0xB000]  }
0x72: {  	v8 =	vld [tilespmem:s25+$0xB800];
	v2 =	vadd.s32 v3, v10  }
0x73: {  	s28 =	sld [smem:$0x7F6];
	v7 =	vld [tilespmem:s25+$0xC000];
	v2 =	vadd.s32 v2, v11  }
0x74: {  	s29 =	sld [smem:$0x7F5];
	v6 =	vld [tilespmem:s25+$0xC800];
	v2 =	vadd.s32 v2, v12  }
0x75: {  	v5 =	vld [tilespmem:s25+$0xD000];
	v2 =	vadd.s32 v2, v14  }
0x76: {  	s31 =	sld [smem:$0x7F4];
	v4 =	vld [tilespmem:s25+$0xD800];
	v15 =	vpsel p4, $0x0, v3;
	p4 =	seq.s32 s28, $0x1;
	v2 =	vadd.s32 v2, v9  }
0x77: {  	s26 =	sld [smem:$0x7F3];
	v3 =	vld [tilespmem:s25+$0xE800];
	v10 =	vpsel !p4, $0x0, v10;
	p4 =	seq.s32 s29, $0x1;
	v13 =	vadd.s32 v2, v8  }
0x78: {  	v15 =	vadd.s32 v15, v10;
	v11 =	vpsel !p4, $0x0, v11;
	v10 =	vld [tilespmem:s25+$0xF000];
	v13 =	vadd.s32 v13, v7  }
0x79: {  	p4 =	seq.s32 s31, $0x1;
	v15 =	vadd.s32 v15, v11;
	v11 =	vld [tilespmem:s25+$0xF800];
	v13 =	vadd.s32 v13, v6  }
0x7a: {  	v12 =	vpsel !p4, $0x0, v12;
	p4 =	seq.s32 s26, $0x1;
	v2 =	vld [tilespmem:s25+$0xE000];
	s30 =	spop (v2sf);
	v16 =	vadd.s32 v13, v5  }
0x7b: {  	s23 =	simm.s32 $0x20;
	s24 =	simm.s32 $0x30;
	v13 =	vadd.s32 v15, v12;
	v15 =	vpsel !p4, $0x0, v14;
	v12 =	vld [tilespmem:s25+$0x10000];
	s22 =	sadd.s32 $0x0, s30;
	v14 =	vadd.s32 v16, v4  }
.LBB2_8:
0x7c: {  	s25 =	sld [smem:$0x7F2]  }
0x7d: {  	s28 =	sld [smem:$0x7F1]  }
0x7e: {  	s29 =	sld [smem:$0x7F0]  }
0x7f: {  	p4 =	seq.s32 s25, $0x1  }
0x80: {  	v13 =	vadd.s32 v13, v15;
	v9 =	vpsel !p4, $0x0, v9;
	v14 =	vadd.s32 v14, v2;
	p4 =	seq.s32 s28, $0x1  }
0x81: {  	v9 =	vadd.s32 v13, v9;
	v8 =	vpsel !p4, $0x0, v8;
	v13 =	vadd.s32 v14, v3;
	p4 =	seq.s32 s29, $0x1  }
0x82: {  	v8 =	vadd.s32 v9, v8;
	v7 =	vpsel !p4, $0x0, v7;
	v9 =	vadd.s32 v13, v10  }
0x83: {  	v6 =	vpsel !p0, $0x0, v6;
	v7 =	vadd.s32 v8, v7;
	v8 =	vadd.s32 v9, v11  }
0x84: {  	v5 =	vpsel !p5, $0x0, v5;
	s30 =	sld [smem:$0x7F8];
	v6 =	vadd.s32 v7, v6;
	v7 =	vadd.s32 v8, v12  }
0x85: {  	v4 =	vpsel !p3, $0x0, v4;
	s31 =	sld [smem:$0x7EF];
	v5 =	vadd.s32 v6, v5;
	(xrf0) =	vadd.scan.msk.s32 $0xffff, v7  }
0x86: {  	v2 =	vpsel !p2, $0x0, v2;
	v4 =	vadd.s32 v5, v4  }
0x87: {  	v3 =	vpsel !p6, $0x0, v3;
	p4 =	seq.s32 s30, $0x1;
	v2 =	vadd.s32 v4, v2  }
0x88: {  	v6 =	vpsel !p4, $0x0, v10;
	p4 =	seq.s32 s31, $0x1;
	v2 =	vadd.s32 v2, v3  }
0x89: {  	s26 =	sadd.s32 s6, s22;
	v5 =	vpsel !p4, $0x0, v11;
	v2 =	vadd.s32 v2, v6  }
0x8a: {  	v4 =	vsub.s32 s26, v7;
	v2 =	vadd.s32 v2, v5  }
0x8b: {  	v2 =	vadd.s32 v2, v4;
	v3, _, _ =	vpop (xrf0)  }
0x8c: {  	s21 =	sadd.s32 $0x10, s21;
	v2 =	vadd.s32 v3, v2  }
0x8d: {  	s25 =	sand.u32 $0x7F0, s23;
	(v2sf) =	vpush v3, $0xF;
	[tilespmem:s21+$0x0] =	vst v2  }
0x8e: {  	v3 =	vld [tilespmem:s25+$0x8800]  }
0x8f: {  	v10 =	vld [tilespmem:s25+$0x9000]  }
0x90: {  	v11 =	vld [tilespmem:s25+$0x9800]  }
0x91: {  	v12 =	vld [tilespmem:s25+$0xA000]  }
0x92: {  	v14 =	vld [tilespmem:s25+$0xA800]  }
0x93: {  	v9 =	vld [tilespmem:s25+$0xB000]  }
0x94: {  	s26 =	sld [smem:$0x7F7];
	v8 =	vld [tilespmem:s25+$0xB800];
	v2 =	vadd.s32 v3, v10  }
0x95: {  	s28 =	sld [smem:$0x7F6];
	v7 =	vld [tilespmem:s25+$0xC000];
	v2 =	vadd.s32 v2, v11  }
0x96: {  	s29 =	sld [smem:$0x7F5];
	v6 =	vld [tilespmem:s25+$0xC800];
	v2 =	vadd.s32 v2, v12  }
0x97: {  	p4 =	seq.s32 s26, $0x1;
	v5 =	vld [tilespmem:s25+$0xD000];
	v2 =	vadd.s32 v2, v14  }
0x98: {  	p1 =	sne.s32 s24, $0x7F0;
	v4 =	vld [tilespmem:s25+$0xD800];
	v15 =	vpsel p4, $0x0, v3;
	p4 =	seq.s32 s28, $0x1;
	s28 =	sld [smem:$0x7F4];
	v2 =	vadd.s32 v2, v9  }
.Ltmp3:
0x99: {  	s31 =	sld [smem:$0x7F3];
	v3 =	vld [tilespmem:s25+$0xE800];
	v10 =	vpsel !p4, $0x0, v10;
	p4 =	seq.s32 s29, $0x1;
	v13 =	vadd.s32 v2, v8;
	(pc) =	sbr.rel @p1 .LBB2_8-.Ltmp3, $4  }
0x9a: {  	v15 =	vadd.s32 v15, v10;
	v11 =	vpsel !p4, $0x0, v11;
	v10 =	vld [tilespmem:s25+$0xF000];
	v13 =	vadd.s32 v13, v7  }
0x9b: {  	v15 =	vadd.s32 v15, v11;
	p4 =	seq.s32 s28, $0x1;
	v11 =	vld [tilespmem:s25+$0xF800];
	v13 =	vadd.s32 v13, v6  }
0x9c: {  	v12 =	vpsel !p4, $0x0, v12;
	p4 =	seq.s32 s31, $0x1;
	v2 =	vld [tilespmem:s25+$0xE000];
	s30 =	spop (v2sf);
	v16 =	vadd.s32 v13, v5  }
0x9d: {  	s23 =	smov.u32 s24;
	s24 =	sadd.s32 $0x10, s24;
	v13 =	vadd.s32 v15, v12;
	v15 =	vpsel !p4, $0x0, v14;
	v12 =	vld [tilespmem:s25+$0x10000];
	s22 =	sadd.s32 s22, s30;
	v14 =	vadd.s32 v16, v4  }
0x9e: {  	s24 =	sld [smem:$0x7F2]  }
0x9f: {  	s28 =	sld [smem:$0x7F1]  }
0xa0: {  	s29 =	sld [smem:$0x7F0]  }
0xa1: {  	p1 =	seq.s32 s24, $0x1  }
0xa2: {  	v13 =	vadd.s32 v13, v15;
	p4 =	seq.s32 s28, $0x1;
	v9 =	vpsel !p1, $0x0, v9  }
0xa3: {  	v8 =	vpsel !p4, $0x0, v8;
	p4 =	seq.s32 s29, $0x1;
	v9 =	vadd.s32 v13, v9  }
0xa4: {  	v14 =	vadd.s32 v14, v2;
	v7 =	vpsel !p4, $0x0, v7;
	v8 =	vadd.s32 v9, v8  }
0xa5: {  	v6 =	vpsel !p0, $0x0, v6;
	v45 =	vadd.s32 v14, v3;
	v7 =	vadd.s32 v8, v7  }
0xa6: {  	v5 =	vpsel !p5, $0x0, v5;
	s30 =	sld [smem:$0x7F8];
	v46 =	vadd.s32 v45, v10;
	v6 =	vadd.s32 v7, v6  }
0xa7: {  	v4 =	vpsel !p3, $0x0, v4;
	s31 =	sld [smem:$0x7EF];
	v47 =	vadd.s32 v46, v11;
	v5 =	vadd.s32 v6, v5  }
0xa8: {  	v2 =	vpsel !p2, $0x0, v2;
	v48 =	vadd.s32 v47, v12;
	v4 =	vadd.s32 v5, v4  }
0xa9: {  	v3 =	vpsel !p6, $0x0, v3;
	p4 =	por p5, p5;
	p5 =	seq.s32 s30, $0x1;
	(xrf0) =	vadd.scan.msk.s32 $0xffff, v48;
	v2 =	vadd.s32 v4, v2  }
0xaa: {  	p1 =	seq.s32 s31, $0x1;
	v49 =	vpsel !p5, $0x0, v10;
	v2 =	vadd.s32 v2, v3  }
0xab: {  	s25 =	sadd.s32 s6, s22;
	v3 =	vpsel !p1, $0x0, v11;
	v2 =	vadd.s32 v2, v49  }
0xac: {  	v2 =	vadd.s32 v2, v3;
	v3 =	vsub.s32 s25, v48;
	_ =	sdelay $0x2  }
0xad: {  	v2 =	vadd.s32 v2, v3;
	v3, _, _ =	vpop (xrf0)  }
0xae: {  	s21 =	sadd.s32 $0x10, s21;
	v2 =	vadd.s32 v3, v2  }
0xaf: {  	s23 =	sand.u32 $0x7F0, s23;
	[tilespmem:s21+$0x0] =	vst v2  }
0xb0: {  	v2 =	vld [tilespmem:s23+$0x8800]  }
0xb1: {  	v50 =	vld [tilespmem:s23+$0x9000]  }
0xb2: {  	v51 =	vld [tilespmem:s23+$0x9800]  }
0xb3: {  	v52 =	vld [tilespmem:s23+$0xA000]  }
0xb4: {  	v53 =	vld [tilespmem:s23+$0xA800]  }
0xb5: {  	v54 =	vld [tilespmem:s23+$0xB000]  }
0xb6: {  	v56 =	vld [tilespmem:s23+$0xB800];
	v55 =	vadd.s32 v2, v50  }
0xb7: {  	v57 =	vld [tilespmem:s23+$0xC000];
	v9 =	vadd.s32 v55, v51  }
0xb8: {  	v58 =	vld [tilespmem:s23+$0xC800];
	v9 =	vadd.s32 v9, v52  }
0xb9: {  	v59 =	vld [tilespmem:s23+$0xD000];
	v9 =	vadd.s32 v9, v53  }
0xba: {  	v60 =	vld [tilespmem:s23+$0xD800];
	v9 =	vadd.s32 v9, v54  }
0xbb: {  	v61 =	vld [tilespmem:s23+$0xE000];
	v9 =	vadd.s32 v9, v56  }
0xbc: {  	v16 =	vld [tilespmem:s23+$0xE800];
	v9 =	vadd.s32 v9, v57  }
0xbd: {  	v17 =	vld [tilespmem:s23+$0xF000];
	v9 =	vadd.s32 v9, v58  }
0xbe: {  	v18 =	vld [tilespmem:s23+$0xF800];
	v9 =	vadd.s32 v9, v59  }
0xbf: {  	v19 =	vld [tilespmem:s23+$0x10000];
	v9 =	vadd.s32 v9, v60  }
0xc0: {  	v9 =	vadd.s32 v9, v61  }
0xc1: {  	v9 =	vadd.s32 v9, v16  }
0xc2: {  	v9 =	vadd.s32 v9, v17  }
0xc3: {  	v9 =	vadd.s32 v9, v18  }
0xc4: {  	v9 =	vadd.s32 v9, v19  }
0xc5: {  	s26 =	sld [smem:$0x7F7];
	(xrf0) =	vadd.scan.msk.s32 $0xffff, v9  }
0xc6: {  	s28 =	sld [smem:$0x7F6];
	(v2sf) =	vpush v3, $0xF  }
0xc7: {  	s29 =	sld [smem:$0x7F5]  }
0xc8: {  	s30 =	sld [smem:$0x7F4];
	p1 =	seq.s32 s26, $0x1  }
0xc9: {  	s31 =	sld [smem:$0x7F3];
	v2 =	vpsel p1, $0x0, v2;
	p1 =	seq.s32 s28, $0x1  }
0xca: {  	s24 =	sld [smem:$0x7F2];
	v3 =	vpsel !p1, $0x0, v50;
	p1 =	seq.s32 s29, $0x1  }
0xcb: {  	s25 =	sld [smem:$0x7F1];
	v2 =	vadd.s32 v2, v3;
	v3 =	vpsel !p1, $0x0, v51;
	p1 =	seq.s32 s30, $0x1;
	v62, _, _ =	vpop (xrf0)  }
0xcc: {  	s26 =	sld [smem:$0x7F0];
	v2 =	vadd.s32 v2, v3;
	v3 =	vpsel !p1, $0x0, v52;
	p1 =	seq.s32 s31, $0x1;
	(v2sf) =	vpush v62, $0xF  }
0xcd: {  	v2 =	vadd.s32 v2, v3;
	v3 =	vpsel !p1, $0x0, v53;
	p1 =	seq.s32 s24, $0x1  }
0xce: {  	v2 =	vadd.s32 v2, v3;
	v3 =	vpsel !p1, $0x0, v54;
	p1 =	seq.s32 s25, $0x1  }
0xcf: {  	v2 =	vadd.s32 v2, v3;
	v3 =	vpsel !p1, $0x0, v56;
	p1 =	seq.s32 s26, $0x1  }
0xd0: {  	v2 =	vadd.s32 v2, v3;
	v3 =	vpsel !p1, $0x0, v57  }
0xd1: {  	v2 =	vadd.s32 v2, v3;
	v3 =	vpsel !p0, $0x0, v58  }
0xd2: {  	v2 =	vadd.s32 v2, v3;
	v3 =	vpsel !p4, $0x0, v59  }
0xd3: {  	s30 =	sld [smem:$0x7EF];
	v2 =	vadd.s32 v2, v3;
	v3 =	vpsel !p3, $0x0, v60  }
0xd4: {  	v2 =	vadd.s32 v2, v3;
	v3 =	vpsel !p2, $0x0, v61  }
0xd5: {  	s28 =	spop (v2sf);
	v2 =	vadd.s32 v2, v3;
	v3 =	vpsel !p6, $0x0, v16  }
0xd6: {  	v63 =	vpsel !p5, $0x0, v17;
	s29 =	sadd.s32 s22, s28;
	p6 =	seq.s32 s30, $0x1;
	v2 =	vadd.s32 v2, v3  }
0xd7: {  	s22 =	sadd.s32 s6, s29;
	v3 =	vpsel !p6, $0x0, v18;
	v2 =	vadd.s32 v2, v63  }
0xd8: {  	v2 =	vadd.s32 v2, v3;
	v3 =	vsub.s32 s22, v9  }
0xd9: {  	v2 =	vadd.s32 v2, v3  }
0xda: {  	s21 =	sadd.s32 $0x10, s21;
	v2 =	vadd.s32 v62, v2  }
0xdb: {  	[tilespmem:s21+$0x0] =	vst v2;
	s21 =	smov.u32 s7;
	s31 =	spop (v2sf)  }
.LBB2_10:
0xdc: {  	s22 =	sshll.u32 s20, $0xD  }
0xdd: {  	s22 =	sadd.s32 s9, s22  }
0xde: {  	s22 =	sshrl.u32 s22, $0x3  }
0xdf: {  	s23 =	simm.s32 $0x0;
	s22 =	sadd.s32 s2, s22  }
0xe0: {  	[tilespmem:s23], [sflag:$0x3] =	stream.linear.gather [hbm4b:s22+s23], $0x2000, $0x38;
	[tilespmem:$0x11800] =	vst v63  }
0xe1: {  	_ =	swait.ge [sflag:s12], $0x2000  }
0xe2: {  	[sflag:s12] =	ssyncset.done $0x0  }
0xe3: {  	s22 =	simm.s32 $0x0;
	[sflag:s12] =	ssyncadd.s32 $0xFFFFE000  }
0xe4: {  	v3 =	vor.u32 s21, v1;
	s24 =	smov.u32 s21;
	s23 =	simm.s32 $0x40;
	v2 =	vld [tilespmem:s22+$0x0]  }
.LBB2_11:
0xe5: {  	p1 =	sne.s32 s23, $0x7FC0;
	[tilespmem:s22+$0x4000] =	vst v3;
	_ =	sdelay $0x3  }
0xe6: {  	vm0 =	vlt.s32 v2, $0x0;
	v3 =	vxor.u32 $0xFFFFFFFF, v2;
	v2 =	vor.u32 $0x80000000, v2  }
0xe7: {  	v2 =	vsel vm0, v3, v2  }
0xe8: {  	v3 =	vand.u32 $0x7FF, v2  }
0xe9: {  	(xrf1) =	vunique.msk.u32 $0xffff, v3;
	_ =	sdelay $0xb  }
0xea: {  	[tilespmem:s22+$0x2000] =	vst v2  }
0xeb: {  	v2 =	vld.idx.msk [tilespmem:v3+s13+$0x0], $0xffff  }
0xec: {  	_, v4, vm0 =	vpop (xrf1);
	_ =	sdelay $0x2  }
.Ltmp4:
0xed: {  	(pc) =	sbr.rel @p1 .LBB2_11-.Ltmp4, $4  }
0xee: {  	_ = 	snop  }
0xef: {  	v2 =	vadd.s32 v2, v4  }
0xf0: {  	s25 =	sshra.s32 s23, $0x2;
	s24 =	sadd.s32 $0x10, s24;
	v4 =	vadd.s32 $0xFFFFFFFF, v2;
	[tilespmem:v3+s13+$0x0] =	vst.idx.msk vm0, v2  }
0xf1: {  	s23 =	sadd.s32 $0x40, s23;
	v3 =	vor.u32 s24, v1;
	v2 =	vld [tilespmem:s25+$0x0];
	[tilespmem:s22+$0x6000] =	vst v4;
	s22 =	smov.u32 s25  }
0xf2: {  	_ =	sdelay $0x3  }
0xf3: {  	vm0 =	vlt.s32 v2, $0x0;
	v4 =	vxor.u32 $0xFFFFFFFF, v2;
	v2 =	vor.u32 $0x80000000, v2  }
0xf4: {  	v2 =	vsel vm0, v4, v2  }
0xf5: {  	v4 =	vand.u32 $0x7FF, v2  }
0xf6: {  	(xrf1) =	vunique.msk.u32 $0xffff, v4;
	_ =	sdelay $0xb  }
0xf7: {  	[tilespmem:s22+$0x4000] =	vst v3  }
0xf8: {  	[tilespmem:s22+$0x2000] =	vst v2  }
0xf9: {  	v2 =	vld.idx.msk [tilespmem:v4+s13+$0x0], $0xffff;
	_, v3, vm15 =	vpop (xrf1);
	_ =	sdelay $0x4  }
0xfa: {  	v2 =	vadd.s32 v2, v3  }
0xfb: {  	v3 =	vadd.s32 $0xFFFFFFFF, v2;
	[tilespmem:v4+s13+$0x0] =	vst.idx.msk vm15, v2  }
0xfc: {  	[tilespmem:s22+$0x6000] =	vst v3  }
0xfd: {  	[hbm4b:s4+s16] =	stream.indirect.scatter [tilespmem:s16], [sflag:$0x1], $0x1, s15, s16, $0xb8;
	[tilespmem:$0x11800] =	vst v63  }
0xfe: {  	s20 =	sadd.s32 $0x1, s20  }
0xff: {  	[hbm4b:s5+s16] =	stream.indirect.scatter [tilespmem:s17], [sflag:$0x2], $0x1, s15, s16, $0xb8;
	[tilespmem:$0x11800] =	vst v63  }
0x100: {  	p1 =	sne.s32 s20, $0x8;
	_ =	swait.ge [sflag:s18], $0x2000  }
.Ltmp5:
0x101: {  	[sflag:s18] =	ssyncset.done $0x0;
	(pc) =	sbr.rel @p1 .LBB2_10-.Ltmp5, $4  }
0x102: {  	[sflag:s18] =	ssyncadd.s32 $0xFFFFE000  }
0x103: {  	_ =	swait.ge [sflag:s19], $0x2000  }
0x104: {  	[sflag:s19] =	ssyncset.done $0x0  }
0x105: {  	s21 =	sadd.s32 $0x2000, s21;
	[sflag:s19] =	ssyncadd.s32 $0xFFFFE000  }
0x106: {  	s1 =	sadd.s32 $0x1, s1  }
0x107: {  	s20 =	sld [smem:$0x7F8];
	p1 =	sne.s32 s1, s11  }
.Ltmp6:
0x108: {  	s30 =	sld [smem:$0x7F9];
	(pc) =	sbr.rel @p1 .LBB2_1-.Ltmp6, $2  }
0x109: {  	s31 =	sld [smem:$0x7FA];
	_ =	sdelay $0x2  }
0x10a: {  	p2 =	seq.s32 s20, $0x1;
	p3 =	seq.s32 s30, $0x1;
	p6 =	seq.s32 s31, $0x1  }
0x10b: {  	_ =	sfence.sel $0x180000  }
0x10c: {  	[bflag:$0x0] =	sbarrier.arrive $0xFFFF  }
0x10d: {  	p0 =	sne.s32 s3, $0x0;
	_ =	strace $0x90000047  }
0x10e: {  	s0 =	sadd.s32 @!p0 $0x100000, s0;
	[bflag:$0x2] =	sbarrier.arrive $0xFFFF  }
0x10f: {  	[sflag:s0] =	ssyncadd.tile.s32 @!p0 $0x1;
	_ =	shalt  }
.Lfunc_end2:
_tile_overlayer_lowered:
.L_overlay_start_2:
0x110: {  	(tag) =	ssettag $0x2  }
0x111: {  	s0 =	rddreg [dreg:$0x0];
	s2 =	stileid.u32  }
0x112: {  	s1 =	rddreg [dreg:$0x1];
	p0 =	sne.s32 s2, $0x0  }
0x113: {  	s3 =	rddreg [dreg:$0x2];
	[bflag:$0x3] =	sbarrier.arrive $0xFFFF;
	s2 =	simm.s32 @!p0 $0x1C03  }
0x114: {  	[timem:s3], [sflag:s2] =	dma.local @!p0 [hbm:s0], s1  }
0x115: {  	s0 =	simm.s32 @!p0 $0x3  }
0x116: {  	_ =	swait.ge @!p0 [sflag:s0], s1  }
0x117: {  	s1 =	ssub.s32 @!p0 $0x0, s1;
	[sflag:s0] =	ssyncset.done @!p0 $0x0  }
0x118: {  	[sflag:s0] =	ssyncadd.s32 @!p0 s1  }
0x119: {  	[bflag:$0x3] =	sbarrier.arrive $0xFFFF  }
0x11a: {  	_ =	shalt  }

// kernel: kernel.9.cloned.1.call-start
scs
__scs_entry_jumppad:
0x0: {  	(pc) =	sbr.rel $0x88, $3  }
0x1: {  	(tag) =	ssettag $0x0;
	lr =	simm.s32 $0x1  }
0x2: {  	[smem:$0x3F9F] =	sst lr;
	_ =	strace $0xD0000000  }
0x3: {  	_ = 	snop  }
0x4: {  	_ = 	snop  }
0x5: {  	_ = 	snop  }
0x6: {  	_ = 	snop  }
0x7: {  	_ = 	snop  }
__scs_overlays_trampoline_lowered:
0x8: {  	[smem:$0x3FAE] =	sst s0  }
0x9: {  	[smem:$0x3FAF] =	sst s1  }
0xa: {  	[smem:$0x3FB0] =	sst s2  }
0xb: {  	[smem:$0x3FB1] =	sst s3  }
0xc: {  	[smem:$0x3FB2] =	sst s4  }
0xd: {  	[smem:$0x3FB3] =	sst s5  }
0xe: {  	[smem:$0x3FB4] =	sst s6  }
0xf: {  	[smem:$0x3FB5] =	sst s7  }
0x10: {  	[smem:$0x3FB6] =	sst s8  }
0x11: {  	[smem:$0x3FB7] =	sst s9;
	s0 =	simm.s32 @!p0 $0x0  }
0x12: {  	s1 =	sld [smem:$0x3F9D];
	s0 =	simm.s32 @p0 $0x1  }
0x13: {  	[smem:$0x3FB8] =	sst s0;
	s0 =	simm.s32 @!p1 $0x0  }
0x14: {  	s2 =	sld [smem:$0x3F9C];
	s0 =	simm.s32 @p1 $0x1  }
0x15: {  	[smem:$0x3FB9] =	sst s0;
	s0 =	simm.s32 @!p2 $0x0  }
0x16: {  	s3 =	sld [smem:$0x3FDB];
	s0 =	simm.s32 @p2 $0x1  }
0x17: {  	s4 =	simm.s32 $0x1BF5;
	[smem:$0x3FBB] =	sst s0  }
0x18: {  	s0 =	sld [smem:$0x3F9E];
	_ =	swait.ge [sflag:s4], $0x0  }
0x19: {  	s7 =	sld [smem:$0x3F9F]  }
0x1a: {  	s8 =	sadd.s32 $0xFFFFE003, lr  }
0x1b: {  	s9 =	sadd.s32 $0xFFFFFEF7, lr;
	s5 =	simm.s32 $0xFFFFFFFF;
	p2 =	slt.u32 s8, $0xFFFFF086  }
0x1c: {  	p1 =	slt.u32 s9, $0xF7A;
	s5 =	simm.s32 @!p2 $0x0  }
0x1d: {  	s5 =	simm.s32 @p1 $0x1;
	p0 =	seq.s32 s7, s2  }
0x1e: {  	s7 =	smul.u32 @!p0 $0xF7A, s2;
	p2 =	seq.s32 @!p0 s5, $0x0  }
0x1f: {  	s9 =	smul.u32 $0xF7A, s1;
	s8 =	simm.s32 @!p0 $0x1BF5;
	p2 =	por !p2, p0  }
0x20: {  	[sflag:s8] =	ssyncset.s32 @!p0 $0xFFFFF086;
	s6 =	sadd.s32 @!p0 s3, s7;
	s7 =	simm.s32 @!p0 $0x108  }
0x21: {  	s3 =	sadd.s32 s3, s9;
	s6 =	sadd.s32 @!p0 $0x88, s6;
	s7 =	simm.s32 @p2 $0x1082  }
0x22: {  	[simem:s7], [sflag:s8] =	dma.local @!p0 [hbm:s6], $0xF7A  }
0x23: {  	s9 =	sor.u32 $0xD0000000, s2;
	s6 =	simm.s32 $0x108;
	_ =	swait.ge @!p0 [sflag:s8], $0x0  }
0x24: {  	s3 =	sadd.s32 $0x88, s3;
	s6 =	simm.s32 @!p1 $0x1082;
	[sflag:s4] =	ssyncset.s32 $0xFFFFF086  }
0x25: {  	[simem:s6], [sflag:s4] =	dma.local [hbm:s3], $0xF7A  }
0x26: {  	[smem:$0x3F9F] =	sst s1;
	(tag) =	ssettag s2;
	_ =	strace s9  }
0x27: {  	s1 =	sld [smem:$0x3FAF]  }
0x28: {  	s2 =	sld [smem:$0x3FB0]  }
0x29: {  	s4 =	sld [smem:$0x3FB2]  }
0x2a: {  	p0 =	seq.s32 s5, $0x0;
	s5 =	sld [smem:$0x3FB3]  }
0x2b: {  	s6 =	sld [smem:$0x3FB4]  }
0x2c: {  	s7 =	sld [smem:$0x3FB5]  }
0x2d: {  	s3 =	simm.s32 $0x108;
	s8 =	sld [smem:$0x3FB6]  }
0x2e: {  	s3 =	simm.s32 @!p0 $0x1082;
	s9 =	sld [smem:$0x3FB7]  }
0x2f: {  	lr =	sadd.s32 s0, s3;
	s0 =	sld [smem:$0x3FAE]  }
0x30: {  	s3 =	sld [smem:$0x3FB1]  }
0x31: {  	[smem:$0x3FBA] =	sst s10  }
0x32: {  	s10 =	sld [smem:$0x3FB8];
	_ =	sdelay $0x3  }
0x33: {  	p0 =	seq.s32 s10, $0x1;
	s10 =	sld [smem:$0x3FBA];
	_ =	sdelay $0x3  }
0x34: {  	[smem:$0x3FBA] =	sst s10  }
0x35: {  	s10 =	sld [smem:$0x3FB9];
	_ =	sdelay $0x3  }
0x36: {  	p1 =	seq.s32 s10, $0x1;
	s10 =	sld [smem:$0x3FBA];
	_ =	sdelay $0x3  }
0x37: {  	[smem:$0x3FBA] =	sst s10  }
0x38: {  	s10 =	sld [smem:$0x3FBB]  }
0x39: {  	_ = 	snop;
	(pc) =	sbr.ind lr, $3  }
0x3a: {  	_ = 	snop  }
0x3b: {  	_ = 	snop  }
0x3c: {  	p2 =	seq.s32 s10, $0x1;
	s10 =	sld [smem:$0x3FBA]  }
0x3d: {  	_ =	shalt  }
0x3e: {  	_ =	shalt  }
0x3f: {  	_ =	shalt  }
0x40: {  	_ =	shalt  }
0x41: {  	_ =	shalt  }
0x42: {  	_ =	shalt  }
0x43: {  	_ =	shalt  }
0x44: {  	_ =	shalt  }
0x45: {  	_ =	shalt  }
0x46: {  	_ =	shalt  }
0x47: {  	_ =	shalt  }
0x48: {  	_ =	shalt  }
0x49: {  	_ =	shalt  }
0x4a: {  	_ =	shalt  }
0x4b: {  	_ =	shalt  }
0x4c: {  	_ =	shalt  }
0x4d: {  	_ =	shalt  }
0x4e: {  	_ =	shalt  }
0x4f: {  	_ =	shalt  }
0x50: {  	_ =	shalt  }
0x51: {  	_ =	shalt  }
0x52: {  	_ =	shalt  }
0x53: {  	_ =	shalt  }
0x54: {  	_ =	shalt  }
0x55: {  	_ =	shalt  }
0x56: {  	_ =	shalt  }
0x57: {  	_ =	shalt  }
0x58: {  	_ =	shalt  }
0x59: {  	_ =	shalt  }
0x5a: {  	_ =	shalt  }
0x5b: {  	_ =	shalt  }
0x5c: {  	_ =	shalt  }
0x5d: {  	_ =	shalt  }
0x5e: {  	_ =	shalt  }
0x5f: {  	_ =	shalt  }
0x60: {  	_ =	shalt  }
0x61: {  	_ =	shalt  }
0x62: {  	_ =	shalt  }
0x63: {  	_ =	shalt  }
0x64: {  	_ =	shalt  }
0x65: {  	_ =	shalt  }
0x66: {  	_ =	shalt  }
0x67: {  	_ =	shalt  }
0x68: {  	_ =	shalt  }
0x69: {  	_ =	shalt  }
0x6a: {  	_ =	shalt  }
0x6b: {  	_ =	shalt  }
0x6c: {  	_ =	shalt  }
0x6d: {  	_ =	shalt  }
0x6e: {  	_ =	shalt  }
0x6f: {  	_ =	shalt  }
0x70: {  	_ =	shalt  }
0x71: {  	_ =	shalt  }
0x72: {  	_ =	shalt  }
0x73: {  	_ =	shalt  }
0x74: {  	_ =	shalt  }
0x75: {  	_ =	shalt  }
0x76: {  	_ =	shalt  }
0x77: {  	_ =	shalt  }
0x78: {  	_ =	shalt  }
0x79: {  	_ =	shalt  }
0x7a: {  	_ =	shalt  }
0x7b: {  	_ =	shalt  }
0x7c: {  	_ =	shalt  }
0x7d: {  	_ =	shalt  }
0x7e: {  	_ =	shalt  }
0x7f: {  	_ =	shalt  }
0x80: {  	_ =	shalt  }
0x81: {  	_ =	shalt  }
0x82: {  	_ =	shalt  }
0x83: {  	_ =	shalt  }
0x84: {  	_ =	shalt  }
0x85: {  	_ =	shalt  }
0x86: {  	_ =	shalt  }
0x87: {  	_ =	shalt  }
.Lfunc_end0:
.L_simem_size_0:
called_computation.1_lowered:
.L_overlay_start_0:
0x88: {  	s2 =	sld [smem:$0x3FD9]  }
0x89: {  	s3 =	sld [smem:$0x3FFE];
	_ =	sdelay $0x1  }
0x8a: {  	s1 =	srdreg.scid  }
0x8b: {  	s0 =	sand.u32 $0x1, s1  }
0x8c: {  	s16 =	sshll.u32 s0, $0xA;
	s2 =	sadd.s32 s3, s2  }
0x8d: {  	s2 =	sadd.s32 s2, s16  }
0x8e: {  	[smem:$0x3FC6] =	sst s2  }
0x8f: {  	_ = 	snop  }
0x90: {  	(tm) =	ssettm $0x1  }
0x91: {  	s17 =	sld [smem:$0x3FFB];
	_ =	sdelay $0x3  }
0x92: {  	_ =	strace s17  }
0x93: {  	s2 =	sld [smem:$0x3FFC];
	_ =	sdelay $0x3  }
0x94: {  	_ =	strace s2  }
0x95: {  	s2 =	sld [smem:$0x3FFD];
	_ =	sdelay $0x3  }
0x96: {  	_ =	strace s2  }
0x97: {  	_ =	strace $0x8FFFFFFF  }
0x98: {  	s18 =	sld [smem:$0x3FDB];
	_ =	sdelay $0x1  }
0x99: {  	s19 =	simm.s32 $_scs_section_size  }
0x9a: {  	s4 =	simm.s32 $_size__tile_overlayer_lowered;
	s5 =	simm.s32 $_tile_overlayer_lowered  }
0x9b: {  	s22 =	simm.s32 $0x1BFF;
	s21 =	sshll.u32 s5, $0x1;
	s2 =	sadd.s32 s19, s18  }
0x9c: {  	s6 =	simm.s32 $0x0;
	s20 =	sshll.u32 s4, $0x1;
	s4 =	sadd.s32 s21, s2  }
0x9d: {  	[timem:s6], [sflag:s22] =	dma.local [hbm:s4], s20  }
0x9e: {  	_ =	swait.ge [sflag:s22], s20  }
0x9f: {  	s3 =	ssub.s32 $0x0, s20;
	[sflag:s22] =	ssyncset.done $0x0  }
0xa0: {  	[sflag:s22] =	ssyncadd.s32 s3;
	_ =	sdelay $0x1  }
0xa1: {  	s23 =	simm.s32 $0x1B8B  }
0xa2: {  	_ =	swait.ge [sflag:s23], $0x1  }
0xa3: {  	[sflag:s23] =	ssyncset.done $0x0  }
0xa4: {  	s25 =	simm.s32 $0x1B8E;
	s24 =	sld [smem:$0x3FFE];
	[sflag:s23] =	ssyncadd.s32 $0xFFFFFFFF  }
0xa5: {  	s26 =	simm.s32 $execute0_lowered;
	[smem:$0x3FD2] =	sst s25  }
0xa6: {  	s4 =	sshll.u32 s26, $0x1;
	_ =	strace $0x80000049;
	[dreg:$0x1] =	wrdreg $0xFFFFFFFF  }
0xa7: {  	s28 =	simm.s32 $_size_execute0_lowered;
	s2 =	sadd.s32 s2, s4;
	[dreg:$0x0] =	wrdreg $0x0  }
0xa8: {  	s4 =	sshll.u32 s28, $0x1;
	[dreg:$0x2] =	wrdreg s2  }
0xa9: {  	[dreg:$0x3] =	wrdreg s4  }
0xaa: {  	[dreg:$0x4] =	wrdreg $0xC0  }
0xab: {  	_ =	task [dreg:s6], $0x5FFFF  }
0xac: {  	[dreg:$0x1] =	wrdreg $0xFFFFFFFF  }
0xad: {  	[dreg:$0x0] =	wrdreg $0x60  }
0xae: {  	[dreg:$0x2] =	wrdreg s24  }
0xaf: {  	[dreg:$0x3] =	wrdreg $0xE8000  }
0xb0: {  	[dreg:$0x4] =	wrdreg $0x9  }
0xb1: {  	_ =	task.clear_ibuf [dreg:s6], $0x5FFFF;
	_ =	strace $0x90000049  }
0xb2: {  	s29 =	simm.s32 $0x9;
	_ =	strace $0x8000004B  }
0xb3: {  	_ =	swait.ge [sflag:s29], $0x1  }
0xb4: {  	[sflag:s29] =	ssyncadd.s32 $0xFFFFFFFF  }
0xb5: {  	_ =	strace $0x9000004B  }
0xb6: {  	_ =	sfence  }
0xb7: {  	s30 =	sld [smem:$0x0];
	_ =	sdelay $0x2  }
0xb8: {  	s31 =	sshll.u32 s1, $0xD;
	s1 =	sshrl.u32 s1, $0x2  }
0xb9: {  	s3 =	sand.u32 $0x4000, s31;
	s1 =	sadd.s32 s1, s30  }
0xba: {  	s0 =	sor.u32 s3, s0;
	s1 =	sshll.u32 s1, $0x11  }
0xbb: {  	s0 =	sor.u32 s1, s0  }
0xbc: {  	s0 =	sadd.s32 $0x8F2B, s0  }
0xbd: {  	[sflag:s0] =	ssyncadd.remote.s32 $0x1  }
0xbe: {  	_ =	sfence.sel $0xFFFF  }
0xbf: {  	[dreg:$0x0] =	wrdreg $0xFFFFFFFF;
	(pc) =	sbr.abs _section_cstart, $3  }
0xc0: {  	[dreg:$0x1] =	wrdreg $0xFFFFFFFF  }
0xc1: {  	_ =	task.clear_ibuf [dreg:s6], $0x2FFFF;
	_ =	strace $0x9FFFFFFF  }
0xc2: {  	(tm) =	ssettm $0x7FFFFFFF  }
0xc3: {  	_ =	shalt  }
tec
execute0_lowered:
.L_overlay_start_1:
0x0: {  	(tag) =	ssettag $0x1  }
0x1: {  	s4 =	rddreg [dreg:$0x0];
	s6 =	srdreg.scid  }
0x2: {  	s2 =	sadd.s32 $0x41400, s4;
	s3 =	sadd.s32 $0x81400, s4;
	s5 =	sadd.s32 $0x1400, s4  }
0x3: {  	s9 =	sand.u32 $0x1, s6;
	s6 =	sadd.s32 $0xC1400, s4;
	s4 =	stileid.u32  }
0x4: {  	s8 =	rddreg [dreg:$0x1];
	p1 =	sgt.u32 s4, $0x7  }
0x5: {  	s0 =	rddreg [dreg:$0x2];
	s1 =	simm.s32 $0x0;
	s20 =	simm.s32 @!p1 $0x0  }
0x6: {  	[smem:$0x7FF] =	sst s1;
	s20 =	simm.s32 @p1 $0x1;
	p1 =	sgt.u32 s4, $0x6  }
0x7: {  	_ =	strace $0x8000004A;
	[smem:$0x7F0] =	sst s20;
	s20 =	simm.s32 @!p1 $0x0  }
0x8: {  	s20 =	simm.s32 @p1 $0x1;
	p1 =	sgt.u32 s4, $0x5  }
0x9: {  	[smem:$0x7F1] =	sst s20;
	s20 =	simm.s32 @!p1 $0x0  }
0xa: {  	s20 =	simm.s32 @p1 $0x1;
	p1 =	sgt.u32 s4, $0x4  }
0xb: {  	[smem:$0x7F2] =	sst s20;
	s20 =	simm.s32 @!p1 $0x0  }
0xc: {  	s20 =	simm.s32 @p1 $0x1;
	p1 =	sgt.u32 s4, $0x3  }
0xd: {  	s14 =	simm.s32 $0x6800;
	[smem:$0x7F3] =	sst s20;
	s20 =	simm.s32 @!p1 $0x0  }
0xe: {  	s16 =	simm.s32 $0x4000;
	s20 =	simm.s32 @p1 $0x1;
	p1 =	sgt.u32 s4, $0x2  }
0xf: {  	s17 =	simm.s32 $0x1;
	[smem:$0x7F4] =	sst s20;
	s20 =	simm.s32 @!p1 $0x0  }
0x10: {  	s18 =	simm.s32 $0x2;
	s20 =	simm.s32 @p1 $0x1;
	p1 =	sgt.u32 s4, $0x1  }
0x11: {  	s19 =	simm.s32 $0x0;
	[smem:$0x7F5] =	sst s20;
	s20 =	simm.s32 @!p1 $0x0  }
0x12: {  	s10 =	ssub.s32 $0x2, s9;
	s20 =	simm.s32 @p1 $0x1;
	p1 =	seq.s32 s4, $0x0  }
0x13: {  	s7 =	sshll.u32 s9, $0x14;
	[smem:$0x7F6] =	sst s20;
	s20 =	simm.s32 @!p1 $0x0  }
0x14: {  	s9 =	sshll.u32 s9, $0xF;
	p2 =	sgt.u32 s4, $0xD;
	s20 =	simm.s32 @p1 $0x1  }
0x15: {  	s12 =	sshll.u32 s4, $0x10;
	[smem:$0x7F7] =	sst s20;
	s20 =	simm.s32 @!p2 $0x0  }
0x16: {  	s13 =	sshll.u32 s4, $0xB;
	p3 =	sgt.u32 s4, $0xC;
	s20 =	simm.s32 @p2 $0x1  }
0x17: {  	p0 =	seq.s32 s4, $0xF;
	[smem:$0x7F8] =	sst s20;
	s20 =	simm.s32 @!p3 $0x0  }
0x18: {  	p6 =	sgt.u32 s4, $0xB;
	p4 =	sgt.u32 s4, $0x9;
	s20 =	simm.s32 @p3 $0x1  }
0x19: {  	s15 =	simm.s32 @!p0 $0x0;
	[smem:$0x7F9] =	sst s20;
	s20 =	simm.s32 @!p6 $0x0  }
0x1a: {  	s15 =	simm.s32 @p0 $0x1;
	p0 =	sgt.u32 s4, $0xA;
	s20 =	simm.s32 @p6 $0x1  }
0x1b: {  	p5 =	sgt.u32 s4, $0x8;
	[smem:$0x7FA] =	sst s20;
	s20 =	simm.s32 @!p0 $0x0  }
0x1c: {  	s11 =	sshrl.u32 s10, $0x1;
	s8 =	sadd.s32 s9, s8;
	s20 =	simm.s32 @p0 $0x1  }
0x1d: {  	s9 =	sor.u32 s12, s7;
	[smem:$0x7FB] =	sst s20;
	s20 =	simm.s32 @!p4 $0x0  }
0x1e: {  	s12 =	simm.s32 $0x3;
	s11 =	ssub.s32 s10, s11;
	s20 =	simm.s32 @p4 $0x1  }
0x1f: {  	s10 =	sadd.s32 s13, s8;
	[smem:$0x7FC] =	sst s20;
	s20 =	simm.s32 @!p5 $0x0  }
0x20: {  	s13 =	simm.s32 $0x6000;
	[smem:$0x7EF] =	sst s15;
	s20 =	simm.s32 @p5 $0x1  }
0x21: {  	v0 =	vimm.s32 $0x0;
	s11 =	smax.u32 s11, $0x1;
	s15 =	simm.s32 $0x2000;
	[smem:$0x7FD] =	sst s20  }
.LBB2_1:
0x22: {  	s20 =	simm.s32 $0x40;
	s21 =	simm.s32 $0x0  }
.LBB2_2:
0x23: {  	p1 =	sne.s32 s20, $0x1FC0;
	[tilespmem:s21+$0x6000] =	vst v0;
	s21 =	smov.u32 s20;
	s20 =	sadd.s32 $0x40, s20  }
.Ltmp0:
0x24: {  	(pc) =	sbr.rel @p1 .LBB2_2-.Ltmp0, $2  }
0x25: {  	_ =	sdelay $0x2  }
0x26: {  	s21 =	sshra.s32 s21, $0x2  }
0x27: {  	[tilespmem:s21+$0x6000] =	vst v0;
	s20 =	simm.s32 $0x0;
	s21 =	simm.s32 $0x0  }
.LBB2_4:
0x28: {  	s22 =	sshll.u32 s21, $0xD  }
0x29: {  	s22 =	sadd.s32 s9, s22  }
0x2a: {  	s22 =	sshrl.u32 s22, $0x3  }
0x2b: {  	s22 =	sadd.s32 s2, s22  }
0x2c: {  	[tilespmem:s20], [sflag:$0x3] =	stream.linear.gather [hbm4b:s22+s20], $0x2000, $0x38;
	[tilespmem:$0xF800] =	vst v63  }
0x2d: {  	_ =	swait.ge [sflag:s12], $0x2000  }
0x2e: {  	[sflag:s12] =	ssyncset.done $0x0  }
0x2f: {  	s23 =	simm.s32 $0x0;
	s22 =	simm.s32 $0x40;
	[sflag:s12] =	ssyncadd.s32 $0xFFFFE000  }
.LBB2_5:
0x30: {  	p1 =	sne.s32 s22, $0x7FC0;
	v1 =	vld [tilespmem:s23+$0x0];
	_ =	sdelay $0x4  }
0x31: {  	v1 =	vshrl.u32 v1, $0xB  }
0x32: {  	v1 =	vand.u32 $0x7FF, v1  }
0x33: {  	(xrf1) =	vunique.msk.u32 $0xffff, v1;
	_ =	sdelay $0xc  }
0x34: {  	v2 =	vld.idx.msk [tilespmem:v1+s13+$0x0], $0xffff  }
0x35: {  	_, v3, vm0 =	vpop (xrf1);
	_ =	sdelay $0x1  }
.Ltmp1:
0x36: {  	(pc) =	sbr.rel @p1 .LBB2_5-.Ltmp1, $3  }
0x37: {  	_ =	sdelay $0x1  }
0x38: {  	v2 =	vadd.s32 v2, v3  }
0x39: {  	s23 =	sshra.s32 s22, $0x2;
	s22 =	sadd.s32 $0x40, s22;
	[tilespmem:v1+s13+$0x0] =	vst.idx.msk vm0, v2  }
0x3a: {  	v1 =	vld [tilespmem:s23+$0x0];
	_ =	sdelay $0x4  }
0x3b: {  	v1 =	vshrl.u32 v1, $0xB  }
0x3c: {  	v1 =	vand.u32 $0x7FF, v1  }
0x3d: {  	(xrf1) =	vunique.msk.u32 $0xffff, v1;
	_ =	sdelay $0xd  }
0x3e: {  	s21 =	sadd.s32 $0x1, s21;
	v2 =	vld.idx.msk [tilespmem:v1+s13+$0x0], $0xffff;
	_, v3, vm0 =	vpop (xrf1)  }
0x3f: {  	p1 =	sne.s32 s21, $0x8  }
.Ltmp2:
0x40: {  	_ = 	snop;
	(pc) =	sbr.rel @p1 .LBB2_4-.Ltmp2, $3  }
0x41: {  	_ =	sdelay $0x1  }
0x42: {  	v2 =	vadd.s32 v2, v3  }
0x43: {  	[tilespmem:v1+s13+$0x0] =	vst.idx.msk vm0, v2  }
0x44: {  	s21 =	simm.s32 $0x6000  }
0x45: {  	[spmem:s10] =	stream.linear.scatter [tilespmem:s21], [sflag:$0x3], $0x800, $0x38;
	[tilespmem:$0xF800] =	vst v63  }
0x46: {  	_ =	swait.ge [sflag:s12], $0x800  }
0x47: {  	[sflag:s12] =	ssyncset.done $0x0  }
0x48: {  	[sflag:s12] =	ssyncadd.s32 $0xFFFFF800  }
0x49: {  	[bflag:$0x0] =	sbarrier.arrive $0xFFFF  }
0x4a: {  	[tilespmem:s14], [sflag:$0x3] =	stream.linear.gather [spmem:s8], $0x8000, $0x38;
	[tilespmem:$0xF800] =	vst v63  }
0x4b: {  	_ =	swait.ge [sflag:s12], $0x8000  }
0x4c: {  	s20 =	simm.s32 $0x0;
	[sflag:s12] =	ssyncset.done $0x0  }
0x4d: {  	s22 =	sand.u32 $0x7F0, s20;
	[sflag:s12] =	ssyncadd.s32 $0xFFFF8000  }
0x4e: {  	v1 =	vld [tilespmem:s22+$0x6800]  }
0x4f: {  	v2 =	vld [tilespmem:s22+$0x7000]  }
0x50: {  	v3 =	vld [tilespmem:s22+$0x7800]  }
0x51: {  	v4 =	vld [tilespmem:s22+$0x8000]  }
0x52: {  	v5 =	vld [tilespmem:s22+$0x8800]  }
0x53: {  	s23 =	sld [smem:$0x7F7];
	v6 =	vld [tilespmem:s22+$0x9000]  }
0x54: {  	s30 =	sld [smem:$0x7F6];
	v8 =	vld [tilespmem:s22+$0x9800];
	v7 =	vadd.s32 v1, v2  }
0x55: {  	s31 =	sld [smem:$0x7F5];
	v9 =	vld [tilespmem:s22+$0xA000];
	v7 =	vadd.s32 v7, v3  }
0x56: {  	s24 =	sld [smem:$0x7F4];
	v10 =	vld [tilespmem:s22+$0xA800];
	v7 =	vadd.s32 v7, v4  }
0x57: {  	s25 =	sld [smem:$0x7F3];
	v11 =	vld [tilespmem:s22+$0xB000];
	p4 =	seq.s32 s23, $0x1;
	p0 =	seq.s32 s30, $0x1;
	v7 =	vadd.s32 v7, v5  }
0x58: {  	s26 =	sld [smem:$0x7F2];
	v12 =	vld [tilespmem:s22+$0xB800];
	p5 =	seq.s32 s31, $0x1;
	v1 =	vpsel p4, $0x0, v1;
	v2 =	vpsel !p0, $0x0, v2;
	v7 =	vadd.s32 v7, v6  }
0x59: {  	s28 =	sld [smem:$0x7F1];
	v13 =	vld [tilespmem:s22+$0xC000];
	p1 =	seq.s32 s24, $0x1;
	v1 =	vadd.s32 v1, v2;
	v2 =	vpsel !p5, $0x0, v3;
	v7 =	vadd.s32 v7, v8  }
0x5a: {  	s29 =	sld [smem:$0x7F0];
	v14 =	vld [tilespmem:s22+$0xC800];
	p5 =	seq.s32 s25, $0x1;
	v1 =	vadd.s32 v1, v2;
	v2 =	vpsel !p1, $0x0, v4;
	v7 =	vadd.s32 v7, v9  }
0x5b: {  	s30 =	sld [smem:$0x7FD];
	v1 =	vadd.s32 v1, v2;
	v2 =	vpsel !p5, $0x0, v5;
	p5 =	seq.s32 s26, $0x1;
	v3 =	vadd.s32 v7, v10;
	v7 =	vld [tilespmem:s22+$0xD000]  }
0x5c: {  	s31 =	sld [smem:$0x7FC];
	p0 =	seq.s32 s28, $0x1;
	v4 =	vld [tilespmem:s22+$0xD800];
	v1 =	vadd.s32 v1, v2;
	v2 =	vpsel !p5, $0x0, v6;
	v3 =	vadd.s32 v3, v11  }
0x5d: {  	s23 =	sld [smem:$0x7FB];
	p1 =	seq.s32 s29, $0x1;
	v5 =	vld [tilespmem:s22+$0xE000];
	v1 =	vadd.s32 v1, v2;
	v2 =	vpsel !p0, $0x0, v8;
	v3 =	vadd.s32 v3, v12  }
0x5e: {  	v1 =	vadd.s32 v1, v2;
	v2 =	vpsel !p1, $0x0, v9;
	p1 =	seq.s32 s30, $0x1;
	v3 =	vadd.s32 v3, v13  }
0x5f: {  	p5 =	seq.s32 s31, $0x1;
	v1 =	vadd.s32 v1, v2;
	v2 =	vpsel !p1, $0x0, v10;
	v3 =	vadd.s32 v3, v14  }
0x60: {  	p0 =	seq.s32 s23, $0x1;
	v1 =	vadd.s32 v1, v2;
	v2 =	vpsel !p5, $0x0, v11;
	v3 =	vadd.s32 v3, v7  }
0x61: {  	s24 =	sld [smem:$0x7EF];
	v1 =	vadd.s32 v1, v2;
	v2 =	vpsel !p0, $0x0, v12;
	v3 =	vadd.s32 v3, v4  }
0x62: {  	v1 =	vadd.s32 v1, v2;
	v2 =	vpsel !p6, $0x0, v13;
	v3 =	vadd.s32 v3, v5  }
0x63: {  	v1 =	vadd.s32 v1, v2;
	v2 =	vpsel !p3, $0x0, v14;
	v5 =	vpsel !p2, $0x0, v7;
	p2 =	por p6, p6;
	p6 =	por p3, p3;
	(xrf0) =	vadd.scan.msk.s32 $0xffff, v3  }
0x64: {  	v1 =	vadd.s32 v1, v2;
	p3 =	por p0, p0;
	p0 =	por p1, p1;
	p1 =	seq.s32 s24, $0x1  }
0x65: {  	s25 =	sadd.s32 $0x0, s7;
	v2 =	vpsel !p1, $0x0, v4;
	v1 =	vadd.s32 v1, v5  }
0x66: {  	v1 =	vadd.s32 v1, v2;
	v2 =	vsub.s32 s25, v3;
	_ =	sdelay $0x2  }
0x67: {  	v1 =	vadd.s32 v1, v2;
	v2, _, _ =	vpop (xrf0)  }
0x68: {  	s26 =	simm.s32 $0x10;
	v1 =	vadd.s32 v2, v1  }
0x69: {  	s25 =	sand.u32 $0x7F0, s26;
	(v2sf) =	vpush v2, $0xF;
	[tilespmem:s21+$0x0] =	vst v1  }
0x6a: {  	v2 =	vld [tilespmem:s25+$0x6800]  }
0x6b: {  	v9 =	vld [tilespmem:s25+$0x7000]  }
0x6c: {  	v10 =	vld [tilespmem:s25+$0x7800]  }
0x6d: {  	v11 =	vld [tilespmem:s25+$0x8000]  }
0x6e: {  	v13 =	vld [tilespmem:s25+$0x8800]  }
0x6f: {  	v8 =	vld [tilespmem:s25+$0x9000]  }
0x70: {  	v7 =	vld [tilespmem:s25+$0x9800];
	v1 =	vadd.s32 v2, v9  }
0x71: {  	s28 =	sld [smem:$0x7F6];
	v6 =	vld [tilespmem:s25+$0xA000];
	v1 =	vadd.s32 v1, v10  }
0x72: {  	s29 =	sld [smem:$0x7F5];
	v5 =	vld [tilespmem:s25+$0xA800];
	v1 =	vadd.s32 v1, v11  }
0x73: {  	v4 =	vld [tilespmem:s25+$0xB000];
	v1 =	vadd.s32 v1, v13  }
0x74: {  	s31 =	sld [smem:$0x7F4];
	v3 =	vld [tilespmem:s25+$0xB800];
	v14 =	vpsel p4, $0x0, v2;
	p4 =	seq.s32 s28, $0x1;
	v1 =	vadd.s32 v1, v8  }
0x75: {  	s26 =	sld [smem:$0x7F3];
	v2 =	vld [tilespmem:s25+$0xC800];
	v9 =	vpsel !p4, $0x0, v9;
	p4 =	seq.s32 s29, $0x1;
	v12 =	vadd.s32 v1, v7  }
0x76: {  	v14 =	vadd.s32 v14, v9;
	v10 =	vpsel !p4, $0x0, v10;
	v9 =	vld [tilespmem:s25+$0xD000];
	v12 =	vadd.s32 v12, v6  }
0x77: {  	p4 =	seq.s32 s31, $0x1;
	v14 =	vadd.s32 v14, v10;
	v10 =	vld [tilespmem:s25+$0xD800];
	v12 =	vadd.s32 v12, v5  }
0x78: {  	v11 =	vpsel !p4, $0x0, v11;
	p4 =	seq.s32 s26, $0x1;
	v1 =	vld [tilespmem:s25+$0xC000];
	s30 =	spop (v2sf);
	v15 =	vadd.s32 v12, v4  }
0x79: {  	s23 =	simm.s32 $0x20;
	s24 =	simm.s32 $0x30;
	v12 =	vadd.s32 v14, v11;
	v14 =	vpsel !p4, $0x0, v13;
	v11 =	vld [tilespmem:s25+$0xE000];
	s22 =	sadd.s32 $0x0, s30;
	v13 =	vadd.s32 v15, v3  }
.LBB2_8:
0x7a: {  	s25 =	sld [smem:$0x7F2]  }
0x7b: {  	s28 =	sld [smem:$0x7F1]  }
0x7c: {  	s29 =	sld [smem:$0x7F0]  }
0x7d: {  	p4 =	seq.s32 s25, $0x1  }
0x7e: {  	v12 =	vadd.s32 v12, v14;
	v8 =	vpsel !p4, $0x0, v8;
	v13 =	vadd.s32 v13, v1;
	p4 =	seq.s32 s28, $0x1  }
0x7f: {  	v8 =	vadd.s32 v12, v8;
	v7 =	vpsel !p4, $0x0, v7;
	v12 =	vadd.s32 v13, v2;
	p4 =	seq.s32 s29, $0x1  }
0x80: {  	v7 =	vadd.s32 v8, v7;
	v6 =	vpsel !p4, $0x0, v6;
	v8 =	vadd.s32 v12, v9  }
0x81: {  	v5 =	vpsel !p0, $0x0, v5;
	v6 =	vadd.s32 v7, v6;
	v7 =	vadd.s32 v8, v10  }
0x82: {  	v4 =	vpsel !p5, $0x0, v4;
	s30 =	sld [smem:$0x7F8];
	v5 =	vadd.s32 v6, v5;
	v6 =	vadd.s32 v7, v11  }
0x83: {  	v3 =	vpsel !p3, $0x0, v3;
	s31 =	sld [smem:$0x7EF];
	v4 =	vadd.s32 v5, v4;
	(xrf0) =	vadd.scan.msk.s32 $0xffff, v6  }
0x84: {  	v1 =	vpsel !p2, $0x0, v1;
	v3 =	vadd.s32 v4, v3  }
0x85: {  	v2 =	vpsel !p6, $0x0, v2;
	p4 =	seq.s32 s30, $0x1;
	v1 =	vadd.s32 v3, v1  }
0x86: {  	v5 =	vpsel !p4, $0x0, v9;
	p4 =	seq.s32 s31, $0x1;
	v1 =	vadd.s32 v1, v2  }
0x87: {  	s26 =	sadd.s32 s7, s22;
	v4 =	vpsel !p4, $0x0, v10;
	v1 =	vadd.s32 v1, v5  }
0x88: {  	v3 =	vsub.s32 s26, v6;
	v1 =	vadd.s32 v1, v4  }
0x89: {  	v1 =	vadd.s32 v1, v3;
	v2, _, _ =	vpop (xrf0)  }
0x8a: {  	s21 =	sadd.s32 $0x10, s21;
	v1 =	vadd.s32 v2, v1  }
0x8b: {  	s25 =	sand.u32 $0x7F0, s23;
	(v2sf) =	vpush v2, $0xF;
	[tilespmem:s21+$0x0] =	vst v1  }
0x8c: {  	v2 =	vld [tilespmem:s25+$0x6800]  }
0x8d: {  	v9 =	vld [tilespmem:s25+$0x7000]  }
0x8e: {  	v10 =	vld [tilespmem:s25+$0x7800]  }
0x8f: {  	v11 =	vld [tilespmem:s25+$0x8000]  }
0x90: {  	v13 =	vld [tilespmem:s25+$0x8800]  }
0x91: {  	v8 =	vld [tilespmem:s25+$0x9000]  }
0x92: {  	s26 =	sld [smem:$0x7F7];
	v7 =	vld [tilespmem:s25+$0x9800];
	v1 =	vadd.s32 v2, v9  }
0x93: {  	s28 =	sld [smem:$0x7F6];
	v6 =	vld [tilespmem:s25+$0xA000];
	v1 =	vadd.s32 v1, v10  }
0x94: {  	s29 =	sld [smem:$0x7F5];
	v5 =	vld [tilespmem:s25+$0xA800];
	v1 =	vadd.s32 v1, v11  }
0x95: {  	p4 =	seq.s32 s26, $0x1;
	v4 =	vld [tilespmem:s25+$0xB000];
	v1 =	vadd.s32 v1, v13  }
0x96: {  	p1 =	sne.s32 s24, $0x7F0;
	v3 =	vld [tilespmem:s25+$0xB800];
	v14 =	vpsel p4, $0x0, v2;
	p4 =	seq.s32 s28, $0x1;
	s28 =	sld [smem:$0x7F4];
	v1 =	vadd.s32 v1, v8  }
.Ltmp3:
0x97: {  	s31 =	sld [smem:$0x7F3];
	v2 =	vld [tilespmem:s25+$0xC800];
	v9 =	vpsel !p4, $0x0, v9;
	p4 =	seq.s32 s29, $0x1;
	v12 =	vadd.s32 v1, v7;
	(pc) =	sbr.rel @p1 .LBB2_8-.Ltmp3, $4  }
0x98: {  	v14 =	vadd.s32 v14, v9;
	v10 =	vpsel !p4, $0x0, v10;
	v9 =	vld [tilespmem:s25+$0xD000];
	v12 =	vadd.s32 v12, v6  }
0x99: {  	v14 =	vadd.s32 v14, v10;
	p4 =	seq.s32 s28, $0x1;
	v10 =	vld [tilespmem:s25+$0xD800];
	v12 =	vadd.s32 v12, v5  }
0x9a: {  	v11 =	vpsel !p4, $0x0, v11;
	p4 =	seq.s32 s31, $0x1;
	v1 =	vld [tilespmem:s25+$0xC000];
	s30 =	spop (v2sf);
	v15 =	vadd.s32 v12, v4  }
0x9b: {  	s23 =	smov.u32 s24;
	s24 =	sadd.s32 $0x10, s24;
	v12 =	vadd.s32 v14, v11;
	v14 =	vpsel !p4, $0x0, v13;
	v11 =	vld [tilespmem:s25+$0xE000];
	s22 =	sadd.s32 s22, s30;
	v13 =	vadd.s32 v15, v3  }
0x9c: {  	s24 =	sld [smem:$0x7F2]  }
0x9d: {  	s28 =	sld [smem:$0x7F1]  }
0x9e: {  	s29 =	sld [smem:$0x7F0]  }
0x9f: {  	p1 =	seq.s32 s24, $0x1  }
0xa0: {  	v12 =	vadd.s32 v12, v14;
	p4 =	seq.s32 s28, $0x1;
	v8 =	vpsel !p1, $0x0, v8  }
0xa1: {  	v7 =	vpsel !p4, $0x0, v7;
	p4 =	seq.s32 s29, $0x1;
	v8 =	vadd.s32 v12, v8  }
0xa2: {  	v13 =	vadd.s32 v13, v1;
	v6 =	vpsel !p4, $0x0, v6;
	v7 =	vadd.s32 v8, v7  }
0xa3: {  	v5 =	vpsel !p0, $0x0, v5;
	v48 =	vadd.s32 v13, v2;
	v6 =	vadd.s32 v7, v6  }
0xa4: {  	v4 =	vpsel !p5, $0x0, v4;
	s30 =	sld [smem:$0x7F8];
	v49 =	vadd.s32 v48, v9;
	v5 =	vadd.s32 v6, v5  }
0xa5: {  	v3 =	vpsel !p3, $0x0, v3;
	s31 =	sld [smem:$0x7EF];
	v50 =	vadd.s32 v49, v10;
	v4 =	vadd.s32 v5, v4  }
0xa6: {  	v1 =	vpsel !p2, $0x0, v1;
	v51 =	vadd.s32 v50, v11;
	v3 =	vadd.s32 v4, v3  }
0xa7: {  	v2 =	vpsel !p6, $0x0, v2;
	p4 =	por p5, p5;
	p5 =	seq.s32 s30, $0x1;
	(xrf0) =	vadd.scan.msk.s32 $0xffff, v51;
	v1 =	vadd.s32 v3, v1  }
0xa8: {  	p1 =	seq.s32 s31, $0x1;
	v3 =	vpsel !p5, $0x0, v9;
	v1 =	vadd.s32 v1, v2  }
0xa9: {  	s25 =	sadd.s32 s7, s22;
	v2 =	vpsel !p1, $0x0, v10;
	v1 =	vadd.s32 v1, v3  }
0xaa: {  	v1 =	vadd.s32 v1, v2;
	v2 =	vsub.s32 s25, v51;
	_ =	sdelay $0x2  }
0xab: {  	v1 =	vadd.s32 v1, v2;
	v2, _, _ =	vpop (xrf0)  }
0xac: {  	s21 =	sadd.s32 $0x10, s21;
	v1 =	vadd.s32 v2, v1  }
0xad: {  	s23 =	sand.u32 $0x7F0, s23;
	[tilespmem:s21+$0x0] =	vst v1  }
0xae: {  	v1 =	vld [tilespmem:s23+$0x6800]  }
0xaf: {  	v3 =	vld [tilespmem:s23+$0x7000]  }
0xb0: {  	v52 =	vld [tilespmem:s23+$0x7800]  }
0xb1: {  	v53 =	vld [tilespmem:s23+$0x8000]  }
0xb2: {  	v54 =	vld [tilespmem:s23+$0x8800]  }
0xb3: {  	v55 =	vld [tilespmem:s23+$0x9000]  }
0xb4: {  	v57 =	vld [tilespmem:s23+$0x9800];
	v56 =	vadd.s32 v1, v3  }
0xb5: {  	v58 =	vld [tilespmem:s23+$0xA000];
	v8 =	vadd.s32 v56, v52  }
0xb6: {  	v59 =	vld [tilespmem:s23+$0xA800];
	v8 =	vadd.s32 v8, v53  }
0xb7: {  	v60 =	vld [tilespmem:s23+$0xB000];
	v8 =	vadd.s32 v8, v54  }
0xb8: {  	v61 =	vld [tilespmem:s23+$0xB800];
	v8 =	vadd.s32 v8, v55  }
0xb9: {  	v62 =	vld [tilespmem:s23+$0xC000];
	v8 =	vadd.s32 v8, v57  }
0xba: {  	v15 =	vld [tilespmem:s23+$0xC800];
	v8 =	vadd.s32 v8, v58  }
0xbb: {  	v16 =	vld [tilespmem:s23+$0xD000];
	v8 =	vadd.s32 v8, v59  }
0xbc: {  	v17 =	vld [tilespmem:s23+$0xD800];
	v8 =	vadd.s32 v8, v60  }
0xbd: {  	v18 =	vld [tilespmem:s23+$0xE000];
	v8 =	vadd.s32 v8, v61  }
0xbe: {  	v8 =	vadd.s32 v8, v62  }
0xbf: {  	v8 =	vadd.s32 v8, v15  }
0xc0: {  	v8 =	vadd.s32 v8, v16  }
0xc1: {  	v8 =	vadd.s32 v8, v17  }
0xc2: {  	v8 =	vadd.s32 v8, v18  }
0xc3: {  	s26 =	sld [smem:$0x7F7];
	(xrf0) =	vadd.scan.msk.s32 $0xffff, v8  }
0xc4: {  	s28 =	sld [smem:$0x7F6];
	(v2sf) =	vpush v2, $0xF  }
0xc5: {  	s29 =	sld [smem:$0x7F5]  }
0xc6: {  	s30 =	sld [smem:$0x7F4];
	p1 =	seq.s32 s26, $0x1  }
0xc7: {  	s31 =	sld [smem:$0x7F3];
	v1 =	vpsel p1, $0x0, v1;
	p1 =	seq.s32 s28, $0x1  }
0xc8: {  	s24 =	sld [smem:$0x7F2];
	v2 =	vpsel !p1, $0x0, v3;
	p1 =	seq.s32 s29, $0x1  }
0xc9: {  	s25 =	sld [smem:$0x7F1];
	v1 =	vadd.s32 v1, v2;
	v2 =	vpsel !p1, $0x0, v52;
	p1 =	seq.s32 s30, $0x1;
	v3, _, _ =	vpop (xrf0)  }
0xca: {  	s26 =	sld [smem:$0x7F0];
	v1 =	vadd.s32 v1, v2;
	v2 =	vpsel !p1, $0x0, v53;
	p1 =	seq.s32 s31, $0x1;
	(v2sf) =	vpush v3, $0xF  }
0xcb: {  	v1 =	vadd.s32 v1, v2;
	v2 =	vpsel !p1, $0x0, v54;
	p1 =	seq.s32 s24, $0x1  }
0xcc: {  	v1 =	vadd.s32 v1, v2;
	v2 =	vpsel !p1, $0x0, v55;
	p1 =	seq.s32 s25, $0x1  }
0xcd: {  	v1 =	vadd.s32 v1, v2;
	v2 =	vpsel !p1, $0x0, v57;
	p1 =	seq.s32 s26, $0x1  }
0xce: {  	v1 =	vadd.s32 v1, v2;
	v2 =	vpsel !p1, $0x0, v58  }
0xcf: {  	v1 =	vadd.s32 v1, v2;
	v2 =	vpsel !p0, $0x0, v59  }
0xd0: {  	v1 =	vadd.s32 v1, v2;
	v2 =	vpsel !p4, $0x0, v60  }
0xd1: {  	s30 =	sld [smem:$0x7EF];
	v1 =	vadd.s32 v1, v2;
	v2 =	vpsel !p3, $0x0, v61  }
0xd2: {  	v1 =	vadd.s32 v1, v2;
	v2 =	vpsel !p2, $0x0, v62  }
0xd3: {  	s28 =	spop (v2sf);
	v1 =	vadd.s32 v1, v2;
	v2 =	vpsel !p6, $0x0, v15  }
0xd4: {  	v63 =	vpsel !p5, $0x0, v16;
	s29 =	sadd.s32 s22, s28;
	p6 =	seq.s32 s30, $0x1;
	v1 =	vadd.s32 v1, v2  }
0xd5: {  	s22 =	sadd.s32 s7, s29;
	v2 =	vpsel !p6, $0x0, v17;
	v1 =	vadd.s32 v1, v63  }
0xd6: {  	v1 =	vadd.s32 v1, v2;
	v2 =	vsub.s32 s22, v8  }
0xd7: {  	v1 =	vadd.s32 v1, v2  }
0xd8: {  	s21 =	sadd.s32 $0x10, s21;
	v1 =	vadd.s32 v3, v1  }
0xd9: {  	[tilespmem:s21+$0x0] =	vst v1;
	s31 =	spop (v2sf)  }
.LBB2_10:
0xda: {  	s21 =	sshll.u32 s20, $0xD  }
0xdb: {  	s21 =	sadd.s32 s9, s21  }
0xdc: {  	s21 =	sshrl.u32 s21, $0x3  }
0xdd: {  	s23 =	simm.s32 $0x0;
	s22 =	sadd.s32 s2, s21  }
0xde: {  	[tilespmem:s23], [sflag:$0x3] =	stream.linear.gather [hbm4b:s22+s23], $0x2000, $0x38;
	[tilespmem:$0xF800] =	vst v63  }
0xdf: {  	_ =	swait.ge [sflag:s12], $0x2000  }
0xe0: {  	[sflag:s12] =	ssyncset.done $0x0  }
0xe1: {  	s21 =	sadd.s32 s3, s21;
	[sflag:s12] =	ssyncadd.s32 $0xFFFFE000  }
0xe2: {  	[tilespmem:s15], [sflag:$0x3] =	stream.linear.gather [hbm4b:s21+s23], $0x2000, $0x38;
	[tilespmem:$0xF800] =	vst v63  }
0xe3: {  	_ =	swait.ge [sflag:s12], $0x2000  }
0xe4: {  	[sflag:s12] =	ssyncset.done $0x0  }
0xe5: {  	s21 =	simm.s32 $0x0;
	[sflag:s12] =	ssyncadd.s32 $0xFFFFE000  }
0xe6: {  	v1 =	vld [tilespmem:s21+$0x0];
	_ =	sdelay $0x4  }
0xe7: {  	v1 =	vshrl.u32 v1, $0xB  }
0xe8: {  	v2 =	vand.u32 $0x7FF, v1  }
0xe9: {  	(xrf1) =	vunique.msk.u32 $0xffff, v2;
	_ =	sdelay $0xd  }
0xea: {  	v1 =	vld.idx.msk [tilespmem:v2+s13+$0x0], $0xffff;
	_, v3, vm0 =	vpop (xrf1);
	_ =	sdelay $0x4  }
0xeb: {  	v3 =	vadd.s32 v1, v3  }
0xec: {  	s22 =	simm.s32 $0x80;
	s23 =	simm.s32 $0x10;
	v1 =	vadd.s32 $0xFFFFFFFF, v3;
	[tilespmem:v2+s13+$0x0] =	vst.idx.msk vm0, v3  }
.LBB2_11:
0xed: {  	p1 =	sne.s32 s22, $0x7FC0;
	v2 =	vld [tilespmem:s23+$0x0];
	[tilespmem:s21+$0x4000] =	vst v1;
	s24 =	smov.u32 s22;
	s22 =	sadd.s32 $0x40, s22  }
0xee: {  	s21 =	smov.u32 s23;
	_ =	sdelay $0x3  }
0xef: {  	v1 =	vshrl.u32 v2, $0xB  }
0xf0: {  	v2 =	vand.u32 $0x7FF, v1  }
0xf1: {  	(xrf1) =	vunique.msk.u32 $0xffff, v2;
	_ =	sdelay $0xc  }
0xf2: {  	v1 =	vld.idx.msk [tilespmem:v2+s13+$0x0], $0xffff  }
0xf3: {  	_, v3, vm0 =	vpop (xrf1);
	_ =	sdelay $0x1  }
.Ltmp4:
0xf4: {  	(pc) =	sbr.rel @p1 .LBB2_11-.Ltmp4, $3  }
0xf5: {  	_ =	sdelay $0x1  }
0xf6: {  	v3 =	vadd.s32 v1, v3  }
0xf7: {  	s23 =	sshra.s32 s24, $0x2;
	v1 =	vadd.s32 $0xFFFFFFFF, v3;
	[tilespmem:v2+s13+$0x0] =	vst.idx.msk vm0, v3  }
0xf8: {  	v2 =	vld [tilespmem:s23+$0x0];
	_ =	sdelay $0x4  }
0xf9: {  	v2 =	vshrl.u32 v2, $0xB  }
0xfa: {  	v2 =	vand.u32 $0x7FF, v2  }
0xfb: {  	(xrf1) =	vunique.msk.u32 $0xffff, v2;
	_ =	sdelay $0xc  }
0xfc: {  	[tilespmem:s21+$0x4000] =	vst v1  }
0xfd: {  	v1 =	vld.idx.msk [tilespmem:v2+s13+$0x0], $0xffff;
	_, v3, vm0 =	vpop (xrf1);
	_ =	sdelay $0x4  }
0xfe: {  	v1 =	vadd.s32 v1, v3  }
0xff: {  	v3 =	vadd.s32 $0xFFFFFFFF, v1;
	[tilespmem:v2+s13+$0x0] =	vst.idx.msk vm0, v1  }
0x100: {  	[tilespmem:s23+$0x4000] =	vst v3  }
0x101: {  	[hbm4b:s5+s15] =	stream.indirect.scatter [tilespmem:s1], [sflag:$0x1], $0x1, s16, s15, $0xb8;
	[tilespmem:$0xF800] =	vst v63  }
0x102: {  	s20 =	sadd.s32 $0x1, s20  }
0x103: {  	[hbm4b:s6+s15] =	stream.indirect.scatter [tilespmem:s15], [sflag:$0x2], $0x1, s16, s15, $0xb8;
	[tilespmem:$0xF800] =	vst v63  }
0x104: {  	p1 =	sne.s32 s20, $0x8;
	_ =	swait.ge [sflag:s17], $0x2000  }
.Ltmp5:
0x105: {  	[sflag:s17] =	ssyncset.done $0x0;
	(pc) =	sbr.rel @p1 .LBB2_10-.Ltmp5, $4  }
0x106: {  	[sflag:s17] =	ssyncadd.s32 $0xFFFFE000  }
0x107: {  	_ =	swait.ge [sflag:s18], $0x2000  }
0x108: {  	[sflag:s18] =	ssyncset.done $0x0  }
0x109: {  	[sflag:s18] =	ssyncadd.s32 $0xFFFFE000  }
0x10a: {  	s19 =	sadd.s32 $0x1, s19  }
0x10b: {  	s20 =	sld [smem:$0x7F8];
	p1 =	sne.s32 s19, s11  }
.Ltmp6:
0x10c: {  	s30 =	sld [smem:$0x7F9];
	(pc) =	sbr.rel @p1 .LBB2_1-.Ltmp6, $2  }
0x10d: {  	s31 =	sld [smem:$0x7FA];
	_ =	sdelay $0x2  }
0x10e: {  	p2 =	seq.s32 s20, $0x1;
	p3 =	seq.s32 s30, $0x1;
	p6 =	seq.s32 s31, $0x1  }
0x10f: {  	_ =	sfence.sel $0x180000  }
0x110: {  	[bflag:$0x0] =	sbarrier.arrive $0xFFFF  }
0x111: {  	p0 =	sne.s32 s4, $0x0;
	_ =	strace $0x9000004A  }
0x112: {  	s0 =	sadd.s32 @!p0 $0x100000, s0;
	[bflag:$0x2] =	sbarrier.arrive $0xFFFF  }
0x113: {  	[sflag:s0] =	ssyncadd.tile.s32 @!p0 $0x1;
	_ =	shalt  }
.Lfunc_end2:
_tile_overlayer_lowered:
.L_overlay_start_2:
0x114: {  	(tag) =	ssettag $0x2  }
0x115: {  	s0 =	rddreg [dreg:$0x0];
	s2 =	stileid.u32  }
0x116: {  	s1 =	rddreg [dreg:$0x1];
	p0 =	sne.s32 s2, $0x0  }
0x117: {  	s3 =	rddreg [dreg:$0x2];
	[bflag:$0x3] =	sbarrier.arrive $0xFFFF;
	s2 =	simm.s32 @!p0 $0x1C03  }
0x118: {  	[timem:s3], [sflag:s2] =	dma.local @!p0 [hbm:s0], s1  }
0x119: {  	s0 =	simm.s32 @!p0 $0x3  }
0x11a: {  	_ =	swait.ge @!p0 [sflag:s0], s1  }
0x11b: {  	s1 =	ssub.s32 @!p0 $0x0, s1;
	[sflag:s0] =	ssyncset.done @!p0 $0x0  }
0x11c: {  	[sflag:s0] =	ssyncadd.s32 @!p0 s1  }
0x11d: {  	[bflag:$0x3] =	sbarrier.arrive $0xFFFF  }
0x11e: {  	_ =	shalt  }

</sc_bundles>
